<compile_context>
chip_gen: v7x
topology: tpu7x:2x2x1
jax: 0.10.2.dev20260603
libtpu: 0.0.44.dev20260713+nightly
codegen_flags: <defaults>
</compile_context>

<pallas_src>
import jax
import jax.numpy as jnp
from jax import lax
from jax.experimental import pallas as pl
from jax.experimental.pallas import tpu as pltpu
from jax.experimental.pallas import tpu_sc as plsc

_K = 512
_D = 64
_N = 32768
_N2 = _N // 2
_T2 = 1024
_CK = 128
_NB = _N2 // _T2



def _tc_body(x2_ref, emb_ref, idxe_ref, idxo_ref):
    iota_f = lax.broadcasted_iota(jnp.int32, (_T2, _CK), 1).astype(jnp.float32)
    for out_ref, lo in ((idxe_ref, 0), (idxo_ref, _D)):
        x = x2_ref[:, lo:lo + _D]
        q2 = jnp.sum(x * x, axis=1, keepdims=True)
        m_lane = jnp.zeros((_T2, _CK), jnp.float32)
        c_lane = jnp.zeros((_T2, _CK), jnp.float32)
        for c in range(_K // _CK):
            embc = emb_ref[pl.ds(c * _CK, _CK), :]
            dotc = lax.dot_general(
                x, embc, (((1,), (1,)), ((), ())),
                preferred_element_type=jnp.float32)
            e2c = jnp.sum(embc * embc, axis=1)
            d2c = (q2 + e2c[None, :]) - 2.0 * dotc
            if c == 0:
                m_lane = d2c
            else:
                upd = d2c < m_lane
                m_lane = jnp.where(upd, d2c, m_lane)
                c_lane = jnp.where(upd, c * _CK * 1.0, c_lane)
        m = jnp.min(m_lane, axis=1, keepdims=True)
        kcand = jnp.where(m_lane == m, c_lane + iota_f, 1e9)
        k = jnp.min(kcand, axis=1)
        out_ref[...] = k.astype(jnp.int32).reshape(1, 8, _T2 // 8)


def _tc_closest(x2, embed):
    return pl.pallas_call(
        _tc_body,
        grid=(_NB,),
        in_specs=[
            pl.BlockSpec((_T2, 2 * _D), lambda i: (i, 0)),
            pl.BlockSpec((_K, _D), lambda i: (0, 0)),
        ],
        out_specs=[
            pl.BlockSpec((1, 8, _T2 // 8), lambda i: (i, 0, 0)),
            pl.BlockSpec((1, 8, _T2 // 8), lambda i: (i, 0, 0)),
        ],
        out_shape=[
            jax.ShapeDtypeStruct((_NB, 8, _T2 // 8), jnp.int32),
            jax.ShapeDtypeStruct((_NB, 8, _T2 // 8), jnp.int32),
        ],
    )(x2, embed)



_NC = 2
_NS = 16
_NW = _NC * _NS
_RW = _N2 // _NW
_S2 = 128
_NCH = _RW // _S2


def _sc_body(idxe_hbm, idxo_hbm, x2_hbm, emb_hbm, out_hbm, part_hbm,
             ie_v, io_v, re_v, ro_v, x_v, acc_v, sems):
    wid = lax.axis_index("s") * _NC + lax.axis_index("c")
    r0w = wid * _RW

    def start(j, slot):
        r0 = r0w + j * _S2
        blk = r0 // _S2
        pltpu.sync_copy(idxe_hbm.at[blk // 8, blk % 8], ie_v.at[slot])
        pltpu.sync_copy(idxo_hbm.at[blk // 8, blk % 8], io_v.at[slot])
        h1 = pltpu.async_copy(emb_hbm.at[ie_v.at[slot]], re_v.at[slot], sems.at[slot])
        h2 = pltpu.async_copy(emb_hbm.at[io_v.at[slot]], ro_v.at[slot], sems.at[slot])
        h3 = pltpu.async_copy(x2_hbm.at[pl.ds(r0, _S2), :], x_v.at[slot], sems.at[slot])
        return (h1, h2, h3)

    pending = start(0, 0)
    acc = jnp.zeros((16,), jnp.float32)
    for j in range(_NCH):
        slot = j % 2
        for h in pending:
            h.wait()
        if j + 1 < _NCH:
            pending = start(j + 1, (j + 1) % 2)

        def row(i, acc):
            for k in range(_D // 16):
                sle = pl.ds(k * 16, 16)
                slo = pl.ds(_D + k * 16, 16)
                xe = x_v[slot, i, sle]
                te = re_v[slot, i, sle] - xe
                x_v[slot, i, sle] = xe + te
                acc = acc + te * te
                xo = x_v[slot, i, slo]
                to = ro_v[slot, i, sle] - xo
                x_v[slot, i, slo] = xo + to
                acc = acc + to * to
            return acc


        acc = lax.fori_loop(0, _S2, row, acc)
        pltpu.sync_copy(x_v.at[slot], out_hbm.at[pl.ds(r0w + j * _S2, _S2), :])
    acc_v[...] = acc
    pltpu.sync_copy(acc_v, part_hbm.at[wid])


def _sc_gather(idx_e, idx_o, x2, embed):
    embp = jnp.concatenate([embed, jnp.zeros((_K, _D), jnp.float32)], axis=1)
    mesh = plsc.VectorSubcoreMesh(core_axis_name="c", subcore_axis_name="s")
    f = pl.kernel(
        _sc_body,
        mesh=mesh,
        out_type=[
            jax.ShapeDtypeStruct((_N2, 2 * _D), jnp.float32),
            jax.ShapeDtypeStruct((_NW, 16), jnp.float32),
        ],
        scratch_types=[
            pltpu.VMEM((2, _S2), jnp.int32),
            pltpu.VMEM((2, _S2), jnp.int32),
            pltpu.VMEM((2, _S2, 2 * _D), jnp.float32),
            pltpu.VMEM((2, _S2, 2 * _D), jnp.float32),
            pltpu.VMEM((2, _S2, 2 * _D), jnp.float32),
            pltpu.VMEM((16,), jnp.float32),
            pltpu.SemaphoreType.DMA((2,)),
        ],
    )
    return f(idx_e, idx_o, x2, embp)


def kernel(enc, embed):
    B, C, H, W = enc.shape
    x2 = enc.reshape(_N2, 2 * _D)
    idx_e, idx_o = _tc_closest(x2, embed)
    out2, partials = _sc_gather(idx_e, idx_o, x2, embed)
    mse = jnp.sum(partials) / jnp.float32(_N * _D)
    quantize_loss = mse + mse
    closest = jnp.stack(
        [idx_e.reshape(_N2), idx_o.reshape(_N2)], axis=1).reshape(B, _N // B)
    return (out2.reshape(B, C, H, W), quantize_loss, closest)

# --- scband reference (transcript-rebuilt; emitter-appended) ---
"""Pipeline reference for scband-quantize-3204045602891 (READ-ONLY COPY).

The authoritative reference and input builder live on the scoring server;
editing this copy changes nothing except your own understanding.
"""

import jax, jax.numpy as jnp
import numpy as np

K = 512
D = 64

def setup_inputs(seed: int = 0) -> dict:
    key = jax.random.key(seed)
    k1, k2 = jax.random.split(key)
    enc = jax.random.normal(k1, (32, 64, 32, 32), dtype=jnp.float32)
    embed = jax.random.normal(k2, (K, D), dtype=jnp.float32)
    return {"enc": enc, "embed": embed}

def reference(enc, embed):
    B, C, H, W = enc.shape
    Kc, Dc = embed.shape
    # torch: enc.view(B, -1, C) -> plain row-major reshape
    quant_input = enc.reshape(B, -1, C)
    # cdist (euclidean) between quant_input [B, N, D] and codebook [K, D]
    q2 = jnp.sum(quant_input * quant_input, axis=-1, keepdims=True)   # [B, N, 1]
    e2 = jnp.sum(embed * embed, axis=-1)                               # [K]
    d2 = q2 + e2[None, None, :] - 2.0 * jnp.einsum('bnd,kd->bnk', quant_input, embed)
    dists = jnp.sqrt(jnp.maximum(d2, 0.0))
    closest = jnp.argmin(dists, axis=-1)                               # [B, N]
    quantized = jnp.take(embed, closest, axis=0)                       # [B, N, D]
    enc2 = enc.reshape(B, -1, Dc)
    commitment_loss = jnp.mean((jax.lax.stop_gradient(quantized) - enc2) ** 2)
    codebook_loss = jnp.mean((quantized - jax.lax.stop_gradient(enc2)) ** 2)
    quantize_loss = codebook_loss + 1.0 * commitment_loss
    quant_out = enc2 + jax.lax.stop_gradient(quantized - enc2)
    quant_out = quant_out.reshape(B, C, H, W)
    return (quant_out, quantize_loss, closest)

if __name__ == "__main__":
    import jax
    _d = setup_inputs()
    print(jax.jit(kernel)(*tuple(_d.values())))

</pallas_src>

<mosaic_0001>
#map = affine_map<(d0, d1) -> (0, 0, 0)>
#map1 = affine_map<(d0, d1) -> (0, 0)>
module attributes {stable_mosaic.version = 14 : i64} {
  func.func @_sc_body(%arg0: i32, %arg1: i32, %arg2: memref<16x8x128xi32, #tpu.memory_space<hbm>>, %arg3: memref<16x8x128xi32, #tpu.memory_space<hbm>>, %arg4: memref<16384x128xf32, #tpu.memory_space<hbm>>, %arg5: memref<512x128xf32, #tpu.memory_space<hbm>>, %arg6: memref<16384x128xf32, #tpu.memory_space<hbm>>, %arg7: memref<32x16xf32, #tpu.memory_space<hbm>>, %arg8: memref<2x128xi32, #tpu.memory_space<vmem>>, %arg9: memref<2x128xi32, #tpu.memory_space<vmem>>, %arg10: memref<2x128x128xf32, #tpu.memory_space<vmem>>, %arg11: memref<2x128x128xf32, #tpu.memory_space<vmem>>, %arg12: memref<2x128x128xf32, #tpu.memory_space<vmem>>, %arg13: memref<16xf32, #tpu.memory_space<vmem>>, %arg14: memref<2x!tpu.dma_semaphore, #tpu.memory_space<semaphore_mem>>) attributes {dimension_semantics = [#tpu.dimension_semantics<core_parallel>, #tpu.dimension_semantics<subcore_parallel>], iteration_bounds = array<i64: 2, 16>, scalar_prefetch = 0 : i64, scratch_operands = 7 : i64, tpu.core_type = #tpu.core_type<sc_vector_subcore>, window_params = [{transform_indices = #map}, {transform_indices = #map}, {transform_indices = #map1}, {transform_indices = #map1}, {transform_indices = #map1}, {transform_indices = #map1}]} {
    %mul3A = arith.constant 2 : i32
    %mul3A_0 = arith.muli %arg1, %mul3A : i32
    %add3A = arith.addi %mul3A_0, %arg0 : i32
    %mul3A_1 = arith.constant 512 : i32
    %mul3A_2 = arith.muli %add3A, %mul3A_1 : i32
    %add3A_3 = arith.constant 0 : i32
    %add3A_4 = arith.addi %mul3A_2, %add3A_3 : i32
    %jit3A = arith.constant 128 : i32
    %div3A = arith.divsi %add3A_4, %jit3A : i32
    %sign3A = arith.constant 0 : i32
    %sign3A_5 = arith.cmpi sgt, %add3A_4, %sign3A : i32
    %sign3A_6 = arith.extui %sign3A_5 : i1 to i32
    %sign3A_7 = arith.constant 0 : i32
    %sign3A_8 = arith.cmpi slt, %add3A_4, %sign3A_7 : i32
    %sign3A_9 = arith.extui %sign3A_8 : i1 to i32
    %sign3A_10 = arith.subi %sign3A_6, %sign3A_9 : i32
    %sign3A_11 = arith.constant 0 : i32
    %sign3A_12 = arith.cmpi sgt, %jit3A, %sign3A_11 : i32
    %sign3A_13 = arith.extui %sign3A_12 : i1 to i32
    %sign3A_14 = arith.constant 0 : i32
    %sign3A_15 = arith.cmpi slt, %jit3A, %sign3A_14 : i32
    %sign3A_16 = arith.extui %sign3A_15 : i1 to i32
    %sign3A_17 = arith.subi %sign3A_13, %sign3A_16 : i32
    %ne3A = arith.cmpi ne, %sign3A_10, %sign3A_17 : i32
    %rem3A = arith.remsi %add3A_4, %jit3A : i32
    %ne3A_18 = arith.constant 0 : i32
    %ne3A_19 = arith.cmpi ne, %rem3A, %ne3A_18 : i32
    %and3A = arith.andi %ne3A, %ne3A_19 : i1
    %sub3A = arith.constant 1 : i32
    %sub3A_20 = arith.subi %div3A, %sub3A : i32
    %select_n3A = arith.select %and3A, %sub3A_20, %div3A : i32
    %jit3A_21 = arith.constant 8 : i32
    %div3A_22 = arith.divsi %select_n3A, %jit3A_21 : i32
    %sign3A_23 = arith.constant 0 : i32
    %sign3A_24 = arith.cmpi sgt, %select_n3A, %sign3A_23 : i32
    %sign3A_25 = arith.extui %sign3A_24 : i1 to i32
    %sign3A_26 = arith.constant 0 : i32
    %sign3A_27 = arith.cmpi slt, %select_n3A, %sign3A_26 : i32
    %sign3A_28 = arith.extui %sign3A_27 : i1 to i32
    %sign3A_29 = arith.subi %sign3A_25, %sign3A_28 : i32
    %sign3A_30 = arith.constant 0 : i32
    %sign3A_31 = arith.cmpi sgt, %jit3A_21, %sign3A_30 : i32
    %sign3A_32 = arith.extui %sign3A_31 : i1 to i32
    %sign3A_33 = arith.constant 0 : i32
    %sign3A_34 = arith.cmpi slt, %jit3A_21, %sign3A_33 : i32
    %sign3A_35 = arith.extui %sign3A_34 : i1 to i32
    %sign3A_36 = arith.subi %sign3A_32, %sign3A_35 : i32
    %ne3A_37 = arith.cmpi ne, %sign3A_29, %sign3A_36 : i32
    %rem3A_38 = arith.remsi %select_n3A, %jit3A_21 : i32
    %ne3A_39 = arith.constant 0 : i32
    %ne3A_40 = arith.cmpi ne, %rem3A_38, %ne3A_39 : i32
    %and3A_41 = arith.andi %ne3A_37, %ne3A_40 : i1
    %sub3A_42 = arith.constant 1 : i32
    %sub3A_43 = arith.subi %div3A_22, %sub3A_42 : i32
    %select_n3A_44 = arith.select %and3A_41, %sub3A_43, %div3A_22 : i32
    %jit3A_45 = arith.constant 8 : i32
    %eq3A = arith.constant 0 : i32
    %eq3A_46 = arith.cmpi eq, %jit3A_45, %eq3A : i32
    %jit3A_47 = arith.constant 1 : i32
    %select_n3A_48 = arith.select %eq3A_46, %jit3A_47, %jit3A_45 : i32
    %rem3A_49 = arith.remsi %select_n3A, %select_n3A_48 : i32
    %ne3A_50 = arith.constant 0 : i32
    %ne3A_51 = arith.cmpi ne, %rem3A_49, %ne3A_50 : i32
    %lt3A = arith.constant 0 : i32
    %lt3A_52 = arith.cmpi slt, %rem3A_49, %lt3A : i32
    %lt3A_53 = arith.constant 0 : i32
    %lt3A_54 = arith.cmpi slt, %select_n3A_48, %lt3A_53 : i32
    %ne3A_55 = arith.xori %lt3A_52, %lt3A_54 : i1
    %and3A_56 = arith.andi %ne3A_55, %ne3A_51 : i1
    %add3A_57 = arith.addi %rem3A_49, %select_n3A_48 : i32
    %select_n3A_58 = arith.select %and3A_56, %add3A_57, %rem3A_49 : i32
    %run_scoped3A = arith.constant 0 : i32
    "tpu.region"() ({
      %run_scoped3A_829 = tpu.sem_alloc : memref<!tpu.dma_semaphore, #tpu.memory_space<semaphore_mem>>
      %dma_start3A_830 = arith.constant 0 : i32
      %dma_start3A_831 = tpu.memref_slice %arg8[%run_scoped3A, %dma_start3A_830] : memref<2x128xi32, #tpu.memory_space<vmem>> -> memref<1x128xi32, #tpu.memory_space<vmem>>
      %dma_start3A_832 = tpu.memref_squeeze %dma_start3A_831 : memref<1x128xi32, #tpu.memory_space<vmem>> -> memref<128xi32, #tpu.memory_space<vmem>>
      %dma_start3A_833 = arith.constant 0 : i32
      %dma_start3A_834 = tpu.memref_slice %arg2[%select_n3A_44, %select_n3A_58, %dma_start3A_833] : memref<16x8x128xi32, #tpu.memory_space<hbm>> -> memref<1x1x128xi32, #tpu.memory_space<hbm>>
      %dma_start3A_835 = tpu.memref_squeeze %dma_start3A_834 : memref<1x1x128xi32, #tpu.memory_space<hbm>> -> memref<128xi32, #tpu.memory_space<hbm>>
      %dma_start3A_836 = arith.constant 0 : i32
      %dma_start3A_837 = tpu.memref_slice %arg8[%run_scoped3A, %dma_start3A_836] : memref<2x128xi32, #tpu.memory_space<vmem>> -> memref<1x128xi32, #tpu.memory_space<vmem>>
      %dma_start3A_838 = tpu.memref_squeeze %dma_start3A_837 : memref<1x128xi32, #tpu.memory_space<vmem>> -> memref<128xi32, #tpu.memory_space<vmem>>
      %dma_start3A_839 = arith.constant 0 : i32
      %dma_start3A_840 = tpu.memref_slice %arg2[%select_n3A_44, %select_n3A_58, %dma_start3A_839] : memref<16x8x128xi32, #tpu.memory_space<hbm>> -> memref<1x1x128xi32, #tpu.memory_space<hbm>>
      %dma_start3A_841 = tpu.memref_squeeze %dma_start3A_840 : memref<1x1x128xi32, #tpu.memory_space<hbm>> -> memref<128xi32, #tpu.memory_space<hbm>>
      tpu.enqueue_dma source(%dma_start3A_841 : memref<128xi32, #tpu.memory_space<hbm>>) target(%dma_start3A_838 : memref<128xi32, #tpu.memory_space<vmem>>) target_semaphore(%run_scoped3A_829 : memref<!tpu.dma_semaphore, #tpu.memory_space<semaphore_mem>>)
      %dma_wait3A_842 = arith.constant 0 : i32
      %dma_wait3A_843 = tpu.memref_slice %arg8[%run_scoped3A, %dma_wait3A_842] : memref<2x128xi32, #tpu.memory_space<vmem>> -> memref<1x128xi32, #tpu.memory_space<vmem>>
      %dma_wait3A_844 = tpu.memref_squeeze %dma_wait3A_843 : memref<1x128xi32, #tpu.memory_space<vmem>> -> memref<128xi32, #tpu.memory_space<vmem>>
      %dma_wait3A_845 = arith.constant 0 : i32
      %dma_wait3A_846 = tpu.memref_slice %arg2[%select_n3A_44, %select_n3A_58, %dma_wait3A_845] : memref<16x8x128xi32, #tpu.memory_space<hbm>> -> memref<1x1x128xi32, #tpu.memory_space<hbm>>
      %dma_wait3A_847 = tpu.memref_squeeze %dma_wait3A_846 : memref<1x1x128xi32, #tpu.memory_space<hbm>> -> memref<128xi32, #tpu.memory_space<hbm>>
      %dma_wait3A_848 = arith.constant 0 : i32
      %dma_wait3A_849 = tpu.memref_slice %arg8[%run_scoped3A, %dma_wait3A_848] : memref<2x128xi32, #tpu.memory_space<vmem>> -> memref<1x128xi32, #tpu.memory_space<vmem>>
      %dma_wait3A_850 = tpu.memref_squeeze %dma_wait3A_849 : memref<1x128xi32, #tpu.memory_space<vmem>> -> memref<128xi32, #tpu.memory_space<vmem>>
      %dma_wait3A_851 = arith.constant 0 : i32
      %dma_wait3A_852 = tpu.memref_slice %arg2[%select_n3A_44, %select_n3A_58, %dma_wait3A_851] : memref<16x8x128xi32, #tpu.memory_space<hbm>> -> memref<1x1x128xi32, #tpu.memory_space<hbm>>
      %dma_wait3A_853 = tpu.memref_squeeze %dma_wait3A_852 : memref<1x1x128xi32, #tpu.memory_space<hbm>> -> memref<128xi32, #tpu.memory_space<hbm>>
      tpu.wait_dma2 semaphore(%run_scoped3A_829 : memref<!tpu.dma_semaphore, #tpu.memory_space<semaphore_mem>>) src(%dma_wait3A_853 : memref<128xi32, #tpu.memory_space<hbm>>) dst(%dma_wait3A_850 : memref<128xi32, #tpu.memory_space<vmem>>)
      tpu.yield
    }) : () -> ()
    %jit3A_59 = arith.constant 8 : i32
    %div3A_60 = arith.divsi %select_n3A, %jit3A_59 : i32
    %sign3A_61 = arith.constant 0 : i32
    %sign3A_62 = arith.cmpi sgt, %select_n3A, %sign3A_61 : i32
    %sign3A_63 = arith.extui %sign3A_62 : i1 to i32
    %sign3A_64 = arith.constant 0 : i32
    %sign3A_65 = arith.cmpi slt, %select_n3A, %sign3A_64 : i32
    %sign3A_66 = arith.extui %sign3A_65 : i1 to i32
    %sign3A_67 = arith.subi %sign3A_63, %sign3A_66 : i32
    %sign3A_68 = arith.constant 0 : i32
    %sign3A_69 = arith.cmpi sgt, %jit3A_59, %sign3A_68 : i32
    %sign3A_70 = arith.extui %sign3A_69 : i1 to i32
    %sign3A_71 = arith.constant 0 : i32
    %sign3A_72 = arith.cmpi slt, %jit3A_59, %sign3A_71 : i32
    %sign3A_73 = arith.extui %sign3A_72 : i1 to i32
    %sign3A_74 = arith.subi %sign3A_70, %sign3A_73 : i32
    %ne3A_75 = arith.cmpi ne, %sign3A_67, %sign3A_74 : i32
    %rem3A_76 = arith.remsi %select_n3A, %jit3A_59 : i32
    %ne3A_77 = arith.constant 0 : i32
    %ne3A_78 = arith.cmpi ne, %rem3A_76, %ne3A_77 : i32
    %and3A_79 = arith.andi %ne3A_75, %ne3A_78 : i1
    %sub3A_80 = arith.constant 1 : i32
    %sub3A_81 = arith.subi %div3A_60, %sub3A_80 : i32
    %select_n3A_82 = arith.select %and3A_79, %sub3A_81, %div3A_60 : i32
    %jit3A_83 = arith.constant 8 : i32
    %eq3A_84 = arith.constant 0 : i32
    %eq3A_85 = arith.cmpi eq, %jit3A_83, %eq3A_84 : i32
    %jit3A_86 = arith.constant 1 : i32
    %select_n3A_87 = arith.select %eq3A_85, %jit3A_86, %jit3A_83 : i32
    %rem3A_88 = arith.remsi %select_n3A, %select_n3A_87 : i32
    %ne3A_89 = arith.constant 0 : i32
    %ne3A_90 = arith.cmpi ne, %rem3A_88, %ne3A_89 : i32
    %lt3A_91 = arith.constant 0 : i32
    %lt3A_92 = arith.cmpi slt, %rem3A_88, %lt3A_91 : i32
    %lt3A_93 = arith.constant 0 : i32
    %lt3A_94 = arith.cmpi slt, %select_n3A_87, %lt3A_93 : i32
    %ne3A_95 = arith.xori %lt3A_92, %lt3A_94 : i1
    %and3A_96 = arith.andi %ne3A_95, %ne3A_90 : i1
    %add3A_97 = arith.addi %rem3A_88, %select_n3A_87 : i32
    %select_n3A_98 = arith.select %and3A_96, %add3A_97, %rem3A_88 : i32
    %run_scoped3A_99 = arith.constant 0 : i32
    "tpu.region"() ({
      %run_scoped3A_829 = tpu.sem_alloc : memref<!tpu.dma_semaphore, #tpu.memory_space<semaphore_mem>>
      %dma_start3A_830 = arith.constant 0 : i32
      %dma_start3A_831 = tpu.memref_slice %arg9[%run_scoped3A_99, %dma_start3A_830] : memref<2x128xi32, #tpu.memory_space<vmem>> -> memref<1x128xi32, #tpu.memory_space<vmem>>
      %dma_start3A_832 = tpu.memref_squeeze %dma_start3A_831 : memref<1x128xi32, #tpu.memory_space<vmem>> -> memref<128xi32, #tpu.memory_space<vmem>>
      %dma_start3A_833 = arith.constant 0 : i32
      %dma_start3A_834 = tpu.memref_slice %arg3[%select_n3A_82, %select_n3A_98, %dma_start3A_833] : memref<16x8x128xi32, #tpu.memory_space<hbm>> -> memref<1x1x128xi32, #tpu.memory_space<hbm>>
      %dma_start3A_835 = tpu.memref_squeeze %dma_start3A_834 : memref<1x1x128xi32, #tpu.memory_space<hbm>> -> memref<128xi32, #tpu.memory_space<hbm>>
      %dma_start3A_836 = arith.constant 0 : i32
      %dma_start3A_837 = tpu.memref_slice %arg9[%run_scoped3A_99, %dma_start3A_836] : memref<2x128xi32, #tpu.memory_space<vmem>> -> memref<1x128xi32, #tpu.memory_space<vmem>>
      %dma_start3A_838 = tpu.memref_squeeze %dma_start3A_837 : memref<1x128xi32, #tpu.memory_space<vmem>> -> memref<128xi32, #tpu.memory_space<vmem>>
      %dma_start3A_839 = arith.constant 0 : i32
      %dma_start3A_840 = tpu.memref_slice %arg3[%select_n3A_82, %select_n3A_98, %dma_start3A_839] : memref<16x8x128xi32, #tpu.memory_space<hbm>> -> memref<1x1x128xi32, #tpu.memory_space<hbm>>
      %dma_start3A_841 = tpu.memref_squeeze %dma_start3A_840 : memref<1x1x128xi32, #tpu.memory_space<hbm>> -> memref<128xi32, #tpu.memory_space<hbm>>
      tpu.enqueue_dma source(%dma_start3A_841 : memref<128xi32, #tpu.memory_space<hbm>>) target(%dma_start3A_838 : memref<128xi32, #tpu.memory_space<vmem>>) target_semaphore(%run_scoped3A_829 : memref<!tpu.dma_semaphore, #tpu.memory_space<semaphore_mem>>)
      %dma_wait3A_842 = arith.constant 0 : i32
      %dma_wait3A_843 = tpu.memref_slice %arg9[%run_scoped3A_99, %dma_wait3A_842] : memref<2x128xi32, #tpu.memory_space<vmem>> -> memref<1x128xi32, #tpu.memory_space<vmem>>
      %dma_wait3A_844 = tpu.memref_squeeze %dma_wait3A_843 : memref<1x128xi32, #tpu.memory_space<vmem>> -> memref<128xi32, #tpu.memory_space<vmem>>
      %dma_wait3A_845 = arith.constant 0 : i32
      %dma_wait3A_846 = tpu.memref_slice %arg3[%select_n3A_82, %select_n3A_98, %dma_wait3A_845] : memref<16x8x128xi32, #tpu.memory_space<hbm>> -> memref<1x1x128xi32, #tpu.memory_space<hbm>>
      %dma_wait3A_847 = tpu.memref_squeeze %dma_wait3A_846 : memref<1x1x128xi32, #tpu.memory_space<hbm>> -> memref<128xi32, #tpu.memory_space<hbm>>
      %dma_wait3A_848 = arith.constant 0 : i32
      %dma_wait3A_849 = tpu.memref_slice %arg9[%run_scoped3A_99, %dma_wait3A_848] : memref<2x128xi32, #tpu.memory_space<vmem>> -> memref<1x128xi32, #tpu.memory_space<vmem>>
      %dma_wait3A_850 = tpu.memref_squeeze %dma_wait3A_849 : memref<1x128xi32, #tpu.memory_space<vmem>> -> memref<128xi32, #tpu.memory_space<vmem>>
      %dma_wait3A_851 = arith.constant 0 : i32
      %dma_wait3A_852 = tpu.memref_slice %arg3[%select_n3A_82, %select_n3A_98, %dma_wait3A_851] : memref<16x8x128xi32, #tpu.memory_space<hbm>> -> memref<1x1x128xi32, #tpu.memory_space<hbm>>
      %dma_wait3A_853 = tpu.memref_squeeze %dma_wait3A_852 : memref<1x1x128xi32, #tpu.memory_space<hbm>> -> memref<128xi32, #tpu.memory_space<hbm>>
      tpu.wait_dma2 semaphore(%run_scoped3A_829 : memref<!tpu.dma_semaphore, #tpu.memory_space<semaphore_mem>>) src(%dma_wait3A_853 : memref<128xi32, #tpu.memory_space<hbm>>) dst(%dma_wait3A_850 : memref<128xi32, #tpu.memory_space<vmem>>)
      tpu.yield
    }) : () -> ()
    %dma_start3A = arith.constant 0 : i32
    %dma_start3A_100 = arith.constant 0 : i32
    %dma_start3A_101 = arith.constant 0 : i32
    %dma_start3A_102 = arith.constant 0 : i32
    %dma_start3A_103 = arith.constant 0 : i32
    %dma_start3A_104 = tpu.memref_slice %arg10[%dma_start3A_100, %dma_start3A_102, %dma_start3A_103] : memref<2x128x128xf32, #tpu.memory_space<vmem>> -> memref<1x128x128xf32, #tpu.memory_space<vmem>>
    %dma_start3A_105 = tpu.memref_squeeze %dma_start3A_104 : memref<1x128x128xf32, #tpu.memory_space<vmem>> -> memref<128x128xf32, #tpu.memory_space<vmem>>
    %dma_start3A_106 = arith.constant 0 : i32
    %dma_start3A_107 = tpu.memref_slice %arg8[%dma_start3A, %dma_start3A_106] : memref<2x128xi32, #tpu.memory_space<vmem>> -> memref<1x128xi32, #tpu.memory_space<vmem>>
    %dma_start3A_108 = tpu.memref_squeeze %dma_start3A_107 : memref<1x128xi32, #tpu.memory_space<vmem>> -> memref<128xi32, #tpu.memory_space<vmem>>
    %dma_start3A_109 = arith.constant 0 : i32
    %dma_start3A_110 = arith.constant 0 : i32
    %dma_start3A_111 = tpu.memref_slice %arg5[%dma_start3A_109, %dma_start3A_110] : memref<512x128xf32, #tpu.memory_space<hbm>> -> memref<512x128xf32, #tpu.memory_space<hbm>>
    %dma_start3A_112 = tpu.memref_slice %arg14[%dma_start3A_101] : memref<2x!tpu.dma_semaphore, #tpu.memory_space<semaphore_mem>> -> memref<1x!tpu.dma_semaphore, #tpu.memory_space<semaphore_mem>>
    %dma_start3A_113 = tpu.memref_squeeze %dma_start3A_112 : memref<1x!tpu.dma_semaphore, #tpu.memory_space<semaphore_mem>> -> memref<!tpu.dma_semaphore, #tpu.memory_space<semaphore_mem>>
    tpu.enqueue_indirect_dma source(%dma_start3A_111 : memref<512x128xf32, #tpu.memory_space<hbm>>) target(%dma_start3A_105 : memref<128x128xf32, #tpu.memory_space<vmem>>) offsets(%dma_start3A_108 : memref<128xi32, #tpu.memory_space<vmem>>) semaphore(%dma_start3A_113 : memref<!tpu.dma_semaphore, #tpu.memory_space<semaphore_mem>>)
    %dma_start3A_114 = arith.constant 0 : i32
    %dma_start3A_115 = arith.constant 0 : i32
    %dma_start3A_116 = arith.constant 0 : i32
    %dma_start3A_117 = arith.constant 0 : i32
    %dma_start3A_118 = arith.constant 0 : i32
    %dma_start3A_119 = tpu.memref_slice %arg11[%dma_start3A_115, %dma_start3A_117, %dma_start3A_118] : memref<2x128x128xf32, #tpu.memory_space<vmem>> -> memref<1x128x128xf32, #tpu.memory_space<vmem>>
    %dma_start3A_120 = tpu.memref_squeeze %dma_start3A_119 : memref<1x128x128xf32, #tpu.memory_space<vmem>> -> memref<128x128xf32, #tpu.memory_space<vmem>>
    %dma_start3A_121 = arith.constant 0 : i32
    %dma_start3A_122 = tpu.memref_slice %arg9[%dma_start3A_114, %dma_start3A_121] : memref<2x128xi32, #tpu.memory_space<vmem>> -> memref<1x128xi32, #tpu.memory_space<vmem>>
    %dma_start3A_123 = tpu.memref_squeeze %dma_start3A_122 : memref<1x128xi32, #tpu.memory_space<vmem>> -> memref<128xi32, #tpu.memory_space<vmem>>
    %dma_start3A_124 = arith.constant 0 : i32
    %dma_start3A_125 = arith.constant 0 : i32
    %dma_start3A_126 = tpu.memref_slice %arg5[%dma_start3A_124, %dma_start3A_125] : memref<512x128xf32, #tpu.memory_space<hbm>> -> memref<512x128xf32, #tpu.memory_space<hbm>>
    %dma_start3A_127 = tpu.memref_slice %arg14[%dma_start3A_116] : memref<2x!tpu.dma_semaphore, #tpu.memory_space<semaphore_mem>> -> memref<1x!tpu.dma_semaphore, #tpu.memory_space<semaphore_mem>>
    %dma_start3A_128 = tpu.memref_squeeze %dma_start3A_127 : memref<1x!tpu.dma_semaphore, #tpu.memory_space<semaphore_mem>> -> memref<!tpu.dma_semaphore, #tpu.memory_space<semaphore_mem>>
    tpu.enqueue_indirect_dma source(%dma_start3A_126 : memref<512x128xf32, #tpu.memory_space<hbm>>) target(%dma_start3A_120 : memref<128x128xf32, #tpu.memory_space<vmem>>) offsets(%dma_start3A_123 : memref<128xi32, #tpu.memory_space<vmem>>) semaphore(%dma_start3A_128 : memref<!tpu.dma_semaphore, #tpu.memory_space<semaphore_mem>>)
    %dma_start3A_129 = arith.constant 0 : i32
    %dma_start3A_130 = arith.constant 0 : i32
    %dma_start3A_131 = arith.constant 0 : i32
    %dma_start3A_132 = arith.constant 0 : i32
    %dma_start3A_133 = tpu.memref_slice %arg12[%dma_start3A_129, %dma_start3A_131, %dma_start3A_132] : memref<2x128x128xf32, #tpu.memory_space<vmem>> -> memref<1x128x128xf32, #tpu.memory_space<vmem>>
    %dma_start3A_134 = tpu.memref_squeeze %dma_start3A_133 : memref<1x128x128xf32, #tpu.memory_space<vmem>> -> memref<128x128xf32, #tpu.memory_space<vmem>>
    %dma_start3A_135 = arith.constant 0 : i32
    %dma_start3A_136 = tpu.memref_slice %arg4[%add3A_4, %dma_start3A_135] : memref<16384x128xf32, #tpu.memory_space<hbm>> -> memref<128x128xf32, #tpu.memory_space<hbm>>
    %dma_start3A_137 = tpu.memref_slice %arg14[%dma_start3A_130] : memref<2x!tpu.dma_semaphore, #tpu.memory_space<semaphore_mem>> -> memref<1x!tpu.dma_semaphore, #tpu.memory_space<semaphore_mem>>
    %dma_start3A_138 = tpu.memref_squeeze %dma_start3A_137 : memref<1x!tpu.dma_semaphore, #tpu.memory_space<semaphore_mem>> -> memref<!tpu.dma_semaphore, #tpu.memory_space<semaphore_mem>>
    %dma_start3A_139 = arith.constant 0 : i32
    %dma_start3A_140 = arith.constant 0 : i32
    %dma_start3A_141 = tpu.memref_slice %arg12[%dma_start3A_129, %dma_start3A_139, %dma_start3A_140] : memref<2x128x128xf32, #tpu.memory_space<vmem>> -> memref<1x128x128xf32, #tpu.memory_space<vmem>>
    %dma_start3A_142 = tpu.memref_squeeze %dma_start3A_141 : memref<1x128x128xf32, #tpu.memory_space<vmem>> -> memref<128x128xf32, #tpu.memory_space<vmem>>
    %dma_start3A_143 = arith.constant 0 : i32
    %dma_start3A_144 = tpu.memref_slice %arg4[%add3A_4, %dma_start3A_143] : memref<16384x128xf32, #tpu.memory_space<hbm>> -> memref<128x128xf32, #tpu.memory_space<hbm>>
    tpu.enqueue_dma source(%dma_start3A_144 : memref<128x128xf32, #tpu.memory_space<hbm>>) target(%dma_start3A_142 : memref<128x128xf32, #tpu.memory_space<vmem>>) target_semaphore(%dma_start3A_138 : memref<!tpu.dma_semaphore, #tpu.memory_space<semaphore_mem>>)
    %broadcast_in_dim3A = arith.constant 0.000000e+00 : f32
    %broadcast_in_dim3A_145 = vector.broadcast %broadcast_in_dim3A : f32 to vector<16xf32>
    %dma_wait3A = arith.constant 0 : i32
    %dma_wait3A_146 = arith.constant 0 : i32
    %dma_wait3A_147 = arith.constant 0 : i32
    %dma_wait3A_148 = arith.constant 0 : i32
    %dma_wait3A_149 = arith.constant 0 : i32
    %dma_wait3A_150 = tpu.memref_slice %arg10[%dma_wait3A_146, %dma_wait3A_148, %dma_wait3A_149] : memref<2x128x128xf32, #tpu.memory_space<vmem>> -> memref<1x128x128xf32, #tpu.memory_space<vmem>>
    %dma_wait3A_151 = tpu.memref_squeeze %dma_wait3A_150 : memref<1x128x128xf32, #tpu.memory_space<vmem>> -> memref<128x128xf32, #tpu.memory_space<vmem>>
    %dma_wait3A_152 = arith.constant 0 : i32
    %dma_wait3A_153 = tpu.memref_slice %arg8[%dma_wait3A, %dma_wait3A_152] : memref<2x128xi32, #tpu.memory_space<vmem>> -> memref<1x128xi32, #tpu.memory_space<vmem>>
    %dma_wait3A_154 = tpu.memref_squeeze %dma_wait3A_153 : memref<1x128xi32, #tpu.memory_space<vmem>> -> memref<128xi32, #tpu.memory_space<vmem>>
    %dma_wait3A_155 = arith.constant 0 : i32
    %dma_wait3A_156 = arith.constant 0 : i32
    %dma_wait3A_157 = tpu.memref_slice %arg5[%dma_wait3A_155, %dma_wait3A_156] : memref<512x128xf32, #tpu.memory_space<hbm>> -> memref<512x128xf32, #tpu.memory_space<hbm>>
    %dma_wait3A_158 = tpu.memref_slice %arg14[%dma_wait3A_147] : memref<2x!tpu.dma_semaphore, #tpu.memory_space<semaphore_mem>> -> memref<1x!tpu.dma_semaphore, #tpu.memory_space<semaphore_mem>>
    %dma_wait3A_159 = tpu.memref_squeeze %dma_wait3A_158 : memref<1x!tpu.dma_semaphore, #tpu.memory_space<semaphore_mem>> -> memref<!tpu.dma_semaphore, #tpu.memory_space<semaphore_mem>>
    tpu.wait_indirect_dma semaphore(%dma_wait3A_159 : memref<!tpu.dma_semaphore, #tpu.memory_space<semaphore_mem>>) src(%dma_wait3A_157 : memref<512x128xf32, #tpu.memory_space<hbm>>) dst(%dma_wait3A_151 : memref<128x128xf32, #tpu.memory_space<vmem>>)
    %dma_wait3A_160 = arith.constant 0 : i32
    %dma_wait3A_161 = arith.constant 0 : i32
    %dma_wait3A_162 = arith.constant 0 : i32
    %dma_wait3A_163 = arith.constant 0 : i32
    %dma_wait3A_164 = arith.constant 0 : i32
    %dma_wait3A_165 = tpu.memref_slice %arg11[%dma_wait3A_161, %dma_wait3A_163, %dma_wait3A_164] : memref<2x128x128xf32, #tpu.memory_space<vmem>> -> memref<1x128x128xf32, #tpu.memory_space<vmem>>
    %dma_wait3A_166 = tpu.memref_squeeze %dma_wait3A_165 : memref<1x128x128xf32, #tpu.memory_space<vmem>> -> memref<128x128xf32, #tpu.memory_space<vmem>>
    %dma_wait3A_167 = arith.constant 0 : i32
    %dma_wait3A_168 = tpu.memref_slice %arg9[%dma_wait3A_160, %dma_wait3A_167] : memref<2x128xi32, #tpu.memory_space<vmem>> -> memref<1x128xi32, #tpu.memory_space<vmem>>
    %dma_wait3A_169 = tpu.memref_squeeze %dma_wait3A_168 : memref<1x128xi32, #tpu.memory_space<vmem>> -> memref<128xi32, #tpu.memory_space<vmem>>
    %dma_wait3A_170 = arith.constant 0 : i32
    %dma_wait3A_171 = arith.constant 0 : i32
    %dma_wait3A_172 = tpu.memref_slice %arg5[%dma_wait3A_170, %dma_wait3A_171] : memref<512x128xf32, #tpu.memory_space<hbm>> -> memref<512x128xf32, #tpu.memory_space<hbm>>
    %dma_wait3A_173 = tpu.memref_slice %arg14[%dma_wait3A_162] : memref<2x!tpu.dma_semaphore, #tpu.memory_space<semaphore_mem>> -> memref<1x!tpu.dma_semaphore, #tpu.memory_space<semaphore_mem>>
    %dma_wait3A_174 = tpu.memref_squeeze %dma_wait3A_173 : memref<1x!tpu.dma_semaphore, #tpu.memory_space<semaphore_mem>> -> memref<!tpu.dma_semaphore, #tpu.memory_space<semaphore_mem>>
    tpu.wait_indirect_dma semaphore(%dma_wait3A_174 : memref<!tpu.dma_semaphore, #tpu.memory_space<semaphore_mem>>) src(%dma_wait3A_172 : memref<512x128xf32, #tpu.memory_space<hbm>>) dst(%dma_wait3A_166 : memref<128x128xf32, #tpu.memory_space<vmem>>)
    %dma_wait3A_175 = arith.constant 0 : i32
    %dma_wait3A_176 = arith.constant 0 : i32
    %dma_wait3A_177 = arith.constant 0 : i32
    %dma_wait3A_178 = arith.constant 0 : i32
    %dma_wait3A_179 = tpu.memref_slice %arg12[%dma_wait3A_175, %dma_wait3A_177, %dma_wait3A_178] : memref<2x128x128xf32, #tpu.memory_space<vmem>> -> memref<1x128x128xf32, #tpu.memory_space<vmem>>
    %dma_wait3A_180 = tpu.memref_squeeze %dma_wait3A_179 : memref<1x128x128xf32, #tpu.memory_space<vmem>> -> memref<128x128xf32, #tpu.memory_space<vmem>>
    %dma_wait3A_181 = arith.constant 0 : i32
    %dma_wait3A_182 = tpu.memref_slice %arg4[%add3A_4, %dma_wait3A_181] : memref<16384x128xf32, #tpu.memory_space<hbm>> -> memref<128x128xf32, #tpu.memory_space<hbm>>
    %dma_wait3A_183 = tpu.memref_slice %arg14[%dma_wait3A_176] : memref<2x!tpu.dma_semaphore, #tpu.memory_space<semaphore_mem>> -> memref<1x!tpu.dma_semaphore, #tpu.memory_space<semaphore_mem>>
    %dma_wait3A_184 = tpu.memref_squeeze %dma_wait3A_183 : memref<1x!tpu.dma_semaphore, #tpu.memory_space<semaphore_mem>> -> memref<!tpu.dma_semaphore, #tpu.memory_space<semaphore_mem>>
    %dma_wait3A_185 = arith.constant 0 : i32
    %dma_wait3A_186 = arith.constant 0 : i32
    %dma_wait3A_187 = tpu.memref_slice %arg12[%dma_wait3A_175, %dma_wait3A_185, %dma_wait3A_186] : memref<2x128x128xf32, #tpu.memory_space<vmem>> -> memref<1x128x128xf32, #tpu.memory_space<vmem>>
    %dma_wait3A_188 = tpu.memref_squeeze %dma_wait3A_187 : memref<1x128x128xf32, #tpu.memory_space<vmem>> -> memref<128x128xf32, #tpu.memory_space<vmem>>
    %dma_wait3A_189 = arith.constant 0 : i32
    %dma_wait3A_190 = tpu.memref_slice %arg4[%add3A_4, %dma_wait3A_189] : memref<16384x128xf32, #tpu.memory_space<hbm>> -> memref<128x128xf32, #tpu.memory_space<hbm>>
    tpu.wait_dma2 semaphore(%dma_wait3A_184 : memref<!tpu.dma_semaphore, #tpu.memory_space<semaphore_mem>>) src(%dma_wait3A_190 : memref<128x128xf32, #tpu.memory_space<hbm>>) dst(%dma_wait3A_188 : memref<128x128xf32, #tpu.memory_space<vmem>>)
    %add3A_191 = arith.constant 128 : i32
    %add3A_192 = arith.addi %mul3A_2, %add3A_191 : i32
    %jit3A_193 = arith.constant 128 : i32
    %div3A_194 = arith.divsi %add3A_192, %jit3A_193 : i32
    %sign3A_195 = arith.constant 0 : i32
    %sign3A_196 = arith.cmpi sgt, %add3A_192, %sign3A_195 : i32
    %sign3A_197 = arith.extui %sign3A_196 : i1 to i32
    %sign3A_198 = arith.constant 0 : i32
    %sign3A_199 = arith.cmpi slt, %add3A_192, %sign3A_198 : i32
    %sign3A_200 = arith.extui %sign3A_199 : i1 to i32
    %sign3A_201 = arith.subi %sign3A_197, %sign3A_200 : i32
    %sign3A_202 = arith.constant 0 : i32
    %sign3A_203 = arith.cmpi sgt, %jit3A_193, %sign3A_202 : i32
    %sign3A_204 = arith.extui %sign3A_203 : i1 to i32
    %sign3A_205 = arith.constant 0 : i32
    %sign3A_206 = arith.cmpi slt, %jit3A_193, %sign3A_205 : i32
    %sign3A_207 = arith.extui %sign3A_206 : i1 to i32
    %sign3A_208 = arith.subi %sign3A_204, %sign3A_207 : i32
    %ne3A_209 = arith.cmpi ne, %sign3A_201, %sign3A_208 : i32
    %rem3A_210 = arith.remsi %add3A_192, %jit3A_193 : i32
    %ne3A_211 = arith.constant 0 : i32
    %ne3A_212 = arith.cmpi ne, %rem3A_210, %ne3A_211 : i32
    %and3A_213 = arith.andi %ne3A_209, %ne3A_212 : i1
    %sub3A_214 = arith.constant 1 : i32
    %sub3A_215 = arith.subi %div3A_194, %sub3A_214 : i32
    %select_n3A_216 = arith.select %and3A_213, %sub3A_215, %div3A_194 : i32
    %jit3A_217 = arith.constant 8 : i32
    %div3A_218 = arith.divsi %select_n3A_216, %jit3A_217 : i32
    %sign3A_219 = arith.constant 0 : i32
    %sign3A_220 = arith.cmpi sgt, %select_n3A_216, %sign3A_219 : i32
    %sign3A_221 = arith.extui %sign3A_220 : i1 to i32
    %sign3A_222 = arith.constant 0 : i32
    %sign3A_223 = arith.cmpi slt, %select_n3A_216, %sign3A_222 : i32
    %sign3A_224 = arith.extui %sign3A_223 : i1 to i32
    %sign3A_225 = arith.subi %sign3A_221, %sign3A_224 : i32
    %sign3A_226 = arith.constant 0 : i32
    %sign3A_227 = arith.cmpi sgt, %jit3A_217, %sign3A_226 : i32
    %sign3A_228 = arith.extui %sign3A_227 : i1 to i32
    %sign3A_229 = arith.constant 0 : i32
    %sign3A_230 = arith.cmpi slt, %jit3A_217, %sign3A_229 : i32
    %sign3A_231 = arith.extui %sign3A_230 : i1 to i32
    %sign3A_232 = arith.subi %sign3A_228, %sign3A_231 : i32
    %ne3A_233 = arith.cmpi ne, %sign3A_225, %sign3A_232 : i32
    %rem3A_234 = arith.remsi %select_n3A_216, %jit3A_217 : i32
    %ne3A_235 = arith.constant 0 : i32
    %ne3A_236 = arith.cmpi ne, %rem3A_234, %ne3A_235 : i32
    %and3A_237 = arith.andi %ne3A_233, %ne3A_236 : i1
    %sub3A_238 = arith.constant 1 : i32
    %sub3A_239 = arith.subi %div3A_218, %sub3A_238 : i32
    %select_n3A_240 = arith.select %and3A_237, %sub3A_239, %div3A_218 : i32
    %jit3A_241 = arith.constant 8 : i32
    %eq3A_242 = arith.constant 0 : i32
    %eq3A_243 = arith.cmpi eq, %jit3A_241, %eq3A_242 : i32
    %jit3A_244 = arith.constant 1 : i32
    %select_n3A_245 = arith.select %eq3A_243, %jit3A_244, %jit3A_241 : i32
    %rem3A_246 = arith.remsi %select_n3A_216, %select_n3A_245 : i32
    %ne3A_247 = arith.constant 0 : i32
    %ne3A_248 = arith.cmpi ne, %rem3A_246, %ne3A_247 : i32
    %lt3A_249 = arith.constant 0 : i32
    %lt3A_250 = arith.cmpi slt, %rem3A_246, %lt3A_249 : i32
    %lt3A_251 = arith.constant 0 : i32
    %lt3A_252 = arith.cmpi slt, %select_n3A_245, %lt3A_251 : i32
    %ne3A_253 = arith.xori %lt3A_250, %lt3A_252 : i1
    %and3A_254 = arith.andi %ne3A_253, %ne3A_248 : i1
    %add3A_255 = arith.addi %rem3A_246, %select_n3A_245 : i32
    %select_n3A_256 = arith.select %and3A_254, %add3A_255, %rem3A_246 : i32
    %run_scoped3A_257 = arith.constant 1 : i32
    "tpu.region"() ({
      %run_scoped3A_829 = tpu.sem_alloc : memref<!tpu.dma_semaphore, #tpu.memory_space<semaphore_mem>>
      %dma_start3A_830 = arith.constant 0 : i32
      %dma_start3A_831 = tpu.memref_slice %arg8[%run_scoped3A_257, %dma_start3A_830] : memref<2x128xi32, #tpu.memory_space<vmem>> -> memref<1x128xi32, #tpu.memory_space<vmem>>
      %dma_start3A_832 = tpu.memref_squeeze %dma_start3A_831 : memref<1x128xi32, #tpu.memory_space<vmem>> -> memref<128xi32, #tpu.memory_space<vmem>>
      %dma_start3A_833 = arith.constant 0 : i32
      %dma_start3A_834 = tpu.memref_slice %arg2[%select_n3A_240, %select_n3A_256, %dma_start3A_833] : memref<16x8x128xi32, #tpu.memory_space<hbm>> -> memref<1x1x128xi32, #tpu.memory_space<hbm>>
      %dma_start3A_835 = tpu.memref_squeeze %dma_start3A_834 : memref<1x1x128xi32, #tpu.memory_space<hbm>> -> memref<128xi32, #tpu.memory_space<hbm>>
      %dma_start3A_836 = arith.constant 0 : i32
      %dma_start3A_837 = tpu.memref_slice %arg8[%run_scoped3A_257, %dma_start3A_836] : memref<2x128xi32, #tpu.memory_space<vmem>> -> memref<1x128xi32, #tpu.memory_space<vmem>>
      %dma_start3A_838 = tpu.memref_squeeze %dma_start3A_837 : memref<1x128xi32, #tpu.memory_space<vmem>> -> memref<128xi32, #tpu.memory_space<vmem>>
      %dma_start3A_839 = arith.constant 0 : i32
      %dma_start3A_840 = tpu.memref_slice %arg2[%select_n3A_240, %select_n3A_256, %dma_start3A_839] : memref<16x8x128xi32, #tpu.memory_space<hbm>> -> memref<1x1x128xi32, #tpu.memory_space<hbm>>
      %dma_start3A_841 = tpu.memref_squeeze %dma_start3A_840 : memref<1x1x128xi32, #tpu.memory_space<hbm>> -> memref<128xi32, #tpu.memory_space<hbm>>
      tpu.enqueue_dma source(%dma_start3A_841 : memref<128xi32, #tpu.memory_space<hbm>>) target(%dma_start3A_838 : memref<128xi32, #tpu.memory_space<vmem>>) target_semaphore(%run_scoped3A_829 : memref<!tpu.dma_semaphore, #tpu.memory_space<semaphore_mem>>)
      %dma_wait3A_842 = arith.constant 0 : i32
      %dma_wait3A_843 = tpu.memref_slice %arg8[%run_scoped3A_257, %dma_wait3A_842] : memref<2x128xi32, #tpu.memory_space<vmem>> -> memref<1x128xi32, #tpu.memory_space<vmem>>
      %dma_wait3A_844 = tpu.memref_squeeze %dma_wait3A_843 : memref<1x128xi32, #tpu.memory_space<vmem>> -> memref<128xi32, #tpu.memory_space<vmem>>
      %dma_wait3A_845 = arith.constant 0 : i32
      %dma_wait3A_846 = tpu.memref_slice %arg2[%select_n3A_240, %select_n3A_256, %dma_wait3A_845] : memref<16x8x128xi32, #tpu.memory_space<hbm>> -> memref<1x1x128xi32, #tpu.memory_space<hbm>>
      %dma_wait3A_847 = tpu.memref_squeeze %dma_wait3A_846 : memref<1x1x128xi32, #tpu.memory_space<hbm>> -> memref<128xi32, #tpu.memory_space<hbm>>
      %dma_wait3A_848 = arith.constant 0 : i32
      %dma_wait3A_849 = tpu.memref_slice %arg8[%run_scoped3A_257, %dma_wait3A_848] : memref<2x128xi32, #tpu.memory_space<vmem>> -> memref<1x128xi32, #tpu.memory_space<vmem>>
      %dma_wait3A_850 = tpu.memref_squeeze %dma_wait3A_849 : memref<1x128xi32, #tpu.memory_space<vmem>> -> memref<128xi32, #tpu.memory_space<vmem>>
      %dma_wait3A_851 = arith.constant 0 : i32
      %dma_wait3A_852 = tpu.memref_slice %arg2[%select_n3A_240, %select_n3A_256, %dma_wait3A_851] : memref<16x8x128xi32, #tpu.memory_space<hbm>> -> memref<1x1x128xi32, #tpu.memory_space<hbm>>
      %dma_wait3A_853 = tpu.memref_squeeze %dma_wait3A_852 : memref<1x1x128xi32, #tpu.memory_space<hbm>> -> memref<128xi32, #tpu.memory_space<hbm>>
      tpu.wait_dma2 semaphore(%run_scoped3A_829 : memref<!tpu.dma_semaphore, #tpu.memory_space<semaphore_mem>>) src(%dma_wait3A_853 : memref<128xi32, #tpu.memory_space<hbm>>) dst(%dma_wait3A_850 : memref<128xi32, #tpu.memory_space<vmem>>)
      tpu.yield
    }) : () -> ()
    %jit3A_258 = arith.constant 8 : i32
    %div3A_259 = arith.divsi %select_n3A_216, %jit3A_258 : i32
    %sign3A_260 = arith.constant 0 : i32
    %sign3A_261 = arith.cmpi sgt, %select_n3A_216, %sign3A_260 : i32
    %sign3A_262 = arith.extui %sign3A_261 : i1 to i32
    %sign3A_263 = arith.constant 0 : i32
    %sign3A_264 = arith.cmpi slt, %select_n3A_216, %sign3A_263 : i32
    %sign3A_265 = arith.extui %sign3A_264 : i1 to i32
    %sign3A_266 = arith.subi %sign3A_262, %sign3A_265 : i32
    %sign3A_267 = arith.constant 0 : i32
    %sign3A_268 = arith.cmpi sgt, %jit3A_258, %sign3A_267 : i32
    %sign3A_269 = arith.extui %sign3A_268 : i1 to i32
    %sign3A_270 = arith.constant 0 : i32
    %sign3A_271 = arith.cmpi slt, %jit3A_258, %sign3A_270 : i32
    %sign3A_272 = arith.extui %sign3A_271 : i1 to i32
    %sign3A_273 = arith.subi %sign3A_269, %sign3A_272 : i32
    %ne3A_274 = arith.cmpi ne, %sign3A_266, %sign3A_273 : i32
    %rem3A_275 = arith.remsi %select_n3A_216, %jit3A_258 : i32
    %ne3A_276 = arith.constant 0 : i32
    %ne3A_277 = arith.cmpi ne, %rem3A_275, %ne3A_276 : i32
    %and3A_278 = arith.andi %ne3A_274, %ne3A_277 : i1
    %sub3A_279 = arith.constant 1 : i32
    %sub3A_280 = arith.subi %div3A_259, %sub3A_279 : i32
    %select_n3A_281 = arith.select %and3A_278, %sub3A_280, %div3A_259 : i32
    %jit3A_282 = arith.constant 8 : i32
    %eq3A_283 = arith.constant 0 : i32
    %eq3A_284 = arith.cmpi eq, %jit3A_282, %eq3A_283 : i32
    %jit3A_285 = arith.constant 1 : i32
    %select_n3A_286 = arith.select %eq3A_284, %jit3A_285, %jit3A_282 : i32
    %rem3A_287 = arith.remsi %select_n3A_216, %select_n3A_286 : i32
    %ne3A_288 = arith.constant 0 : i32
    %ne3A_289 = arith.cmpi ne, %rem3A_287, %ne3A_288 : i32
    %lt3A_290 = arith.constant 0 : i32
    %lt3A_291 = arith.cmpi slt, %rem3A_287, %lt3A_290 : i32
    %lt3A_292 = arith.constant 0 : i32
    %lt3A_293 = arith.cmpi slt, %select_n3A_286, %lt3A_292 : i32
    %ne3A_294 = arith.xori %lt3A_291, %lt3A_293 : i1
    %and3A_295 = arith.andi %ne3A_294, %ne3A_289 : i1
    %add3A_296 = arith.addi %rem3A_287, %select_n3A_286 : i32
    %select_n3A_297 = arith.select %and3A_295, %add3A_296, %rem3A_287 : i32
    %run_scoped3A_298 = arith.constant 1 : i32
    "tpu.region"() ({
      %run_scoped3A_829 = tpu.sem_alloc : memref<!tpu.dma_semaphore, #tpu.memory_space<semaphore_mem>>
      %dma_start3A_830 = arith.constant 0 : i32
      %dma_start3A_831 = tpu.memref_slice %arg9[%run_scoped3A_298, %dma_start3A_830] : memref<2x128xi32, #tpu.memory_space<vmem>> -> memref<1x128xi32, #tpu.memory_space<vmem>>
      %dma_start3A_832 = tpu.memref_squeeze %dma_start3A_831 : memref<1x128xi32, #tpu.memory_space<vmem>> -> memref<128xi32, #tpu.memory_space<vmem>>
      %dma_start3A_833 = arith.constant 0 : i32
      %dma_start3A_834 = tpu.memref_slice %arg3[%select_n3A_281, %select_n3A_297, %dma_start3A_833] : memref<16x8x128xi32, #tpu.memory_space<hbm>> -> memref<1x1x128xi32, #tpu.memory_space<hbm>>
      %dma_start3A_835 = tpu.memref_squeeze %dma_start3A_834 : memref<1x1x128xi32, #tpu.memory_space<hbm>> -> memref<128xi32, #tpu.memory_space<hbm>>
      %dma_start3A_836 = arith.constant 0 : i32
      %dma_start3A_837 = tpu.memref_slice %arg9[%run_scoped3A_298, %dma_start3A_836] : memref<2x128xi32, #tpu.memory_space<vmem>> -> memref<1x128xi32, #tpu.memory_space<vmem>>
      %dma_start3A_838 = tpu.memref_squeeze %dma_start3A_837 : memref<1x128xi32, #tpu.memory_space<vmem>> -> memref<128xi32, #tpu.memory_space<vmem>>
      %dma_start3A_839 = arith.constant 0 : i32
      %dma_start3A_840 = tpu.memref_slice %arg3[%select_n3A_281, %select_n3A_297, %dma_start3A_839] : memref<16x8x128xi32, #tpu.memory_space<hbm>> -> memref<1x1x128xi32, #tpu.memory_space<hbm>>
      %dma_start3A_841 = tpu.memref_squeeze %dma_start3A_840 : memref<1x1x128xi32, #tpu.memory_space<hbm>> -> memref<128xi32, #tpu.memory_space<hbm>>
      tpu.enqueue_dma source(%dma_start3A_841 : memref<128xi32, #tpu.memory_space<hbm>>) target(%dma_start3A_838 : memref<128xi32, #tpu.memory_space<vmem>>) target_semaphore(%run_scoped3A_829 : memref<!tpu.dma_semaphore, #tpu.memory_space<semaphore_mem>>)
      %dma_wait3A_842 = arith.constant 0 : i32
      %dma_wait3A_843 = tpu.memref_slice %arg9[%run_scoped3A_298, %dma_wait3A_842] : memref<2x128xi32, #tpu.memory_space<vmem>> -> memref<1x128xi32, #tpu.memory_space<vmem>>
      %dma_wait3A_844 = tpu.memref_squeeze %dma_wait3A_843 : memref<1x128xi32, #tpu.memory_space<vmem>> -> memref<128xi32, #tpu.memory_space<vmem>>
      %dma_wait3A_845 = arith.constant 0 : i32
      %dma_wait3A_846 = tpu.memref_slice %arg3[%select_n3A_281, %select_n3A_297, %dma_wait3A_845] : memref<16x8x128xi32, #tpu.memory_space<hbm>> -> memref<1x1x128xi32, #tpu.memory_space<hbm>>
      %dma_wait3A_847 = tpu.memref_squeeze %dma_wait3A_846 : memref<1x1x128xi32, #tpu.memory_space<hbm>> -> memref<128xi32, #tpu.memory_space<hbm>>
      %dma_wait3A_848 = arith.constant 0 : i32
      %dma_wait3A_849 = tpu.memref_slice %arg9[%run_scoped3A_298, %dma_wait3A_848] : memref<2x128xi32, #tpu.memory_space<vmem>> -> memref<1x128xi32, #tpu.memory_space<vmem>>
      %dma_wait3A_850 = tpu.memref_squeeze %dma_wait3A_849 : memref<1x128xi32, #tpu.memory_space<vmem>> -> memref<128xi32, #tpu.memory_space<vmem>>
      %dma_wait3A_851 = arith.constant 0 : i32
      %dma_wait3A_852 = tpu.memref_slice %arg3[%select_n3A_281, %select_n3A_297, %dma_wait3A_851] : memref<16x8x128xi32, #tpu.memory_space<hbm>> -> memref<1x1x128xi32, #tpu.memory_space<hbm>>
      %dma_wait3A_853 = tpu.memref_squeeze %dma_wait3A_852 : memref<1x1x128xi32, #tpu.memory_space<hbm>> -> memref<128xi32, #tpu.memory_space<hbm>>
      tpu.wait_dma2 semaphore(%run_scoped3A_829 : memref<!tpu.dma_semaphore, #tpu.memory_space<semaphore_mem>>) src(%dma_wait3A_853 : memref<128xi32, #tpu.memory_space<hbm>>) dst(%dma_wait3A_850 : memref<128xi32, #tpu.memory_space<vmem>>)
      tpu.yield
    }) : () -> ()
    %dma_start3A_299 = arith.constant 1 : i32
    %dma_start3A_300 = arith.constant 1 : i32
    %dma_start3A_301 = arith.constant 1 : i32
    %dma_start3A_302 = arith.constant 0 : i32
    %dma_start3A_303 = arith.constant 0 : i32
    %dma_start3A_304 = tpu.memref_slice %arg10[%dma_start3A_300, %dma_start3A_302, %dma_start3A_303] : memref<2x128x128xf32, #tpu.memory_space<vmem>> -> memref<1x128x128xf32, #tpu.memory_space<vmem>>
    %dma_start3A_305 = tpu.memref_squeeze %dma_start3A_304 : memref<1x128x128xf32, #tpu.memory_space<vmem>> -> memref<128x128xf32, #tpu.memory_space<vmem>>
    %dma_start3A_306 = arith.constant 0 : i32
    %dma_start3A_307 = tpu.memref_slice %arg8[%dma_start3A_299, %dma_start3A_306] : memref<2x128xi32, #tpu.memory_space<vmem>> -> memref<1x128xi32, #tpu.memory_space<vmem>>
    %dma_start3A_308 = tpu.memref_squeeze %dma_start3A_307 : memref<1x128xi32, #tpu.memory_space<vmem>> -> memref<128xi32, #tpu.memory_space<vmem>>
    %dma_start3A_309 = arith.constant 0 : i32
    %dma_start3A_310 = arith.constant 0 : i32
    %dma_start3A_311 = tpu.memref_slice %arg5[%dma_start3A_309, %dma_start3A_310] : memref<512x128xf32, #tpu.memory_space<hbm>> -> memref<512x128xf32, #tpu.memory_space<hbm>>
    %dma_start3A_312 = tpu.memref_slice %arg14[%dma_start3A_301] : memref<2x!tpu.dma_semaphore, #tpu.memory_space<semaphore_mem>> -> memref<1x!tpu.dma_semaphore, #tpu.memory_space<semaphore_mem>>
    %dma_start3A_313 = tpu.memref_squeeze %dma_start3A_312 : memref<1x!tpu.dma_semaphore, #tpu.memory_space<semaphore_mem>> -> memref<!tpu.dma_semaphore, #tpu.memory_space<semaphore_mem>>
    tpu.enqueue_indirect_dma source(%dma_start3A_311 : memref<512x128xf32, #tpu.memory_space<hbm>>) target(%dma_start3A_305 : memref<128x128xf32, #tpu.memory_space<vmem>>) offsets(%dma_start3A_308 : memref<128xi32, #tpu.memory_space<vmem>>) semaphore(%dma_start3A_313 : memref<!tpu.dma_semaphore, #tpu.memory_space<semaphore_mem>>)
    %dma_start3A_314 = arith.constant 1 : i32
    %dma_start3A_315 = arith.constant 1 : i32
    %dma_start3A_316 = arith.constant 1 : i32
    %dma_start3A_317 = arith.constant 0 : i32
    %dma_start3A_318 = arith.constant 0 : i32
    %dma_start3A_319 = tpu.memref_slice %arg11[%dma_start3A_315, %dma_start3A_317, %dma_start3A_318] : memref<2x128x128xf32, #tpu.memory_space<vmem>> -> memref<1x128x128xf32, #tpu.memory_space<vmem>>
    %dma_start3A_320 = tpu.memref_squeeze %dma_start3A_319 : memref<1x128x128xf32, #tpu.memory_space<vmem>> -> memref<128x128xf32, #tpu.memory_space<vmem>>
    %dma_start3A_321 = arith.constant 0 : i32
    %dma_start3A_322 = tpu.memref_slice %arg9[%dma_start3A_314, %dma_start3A_321] : memref<2x128xi32, #tpu.memory_space<vmem>> -> memref<1x128xi32, #tpu.memory_space<vmem>>
    %dma_start3A_323 = tpu.memref_squeeze %dma_start3A_322 : memref<1x128xi32, #tpu.memory_space<vmem>> -> memref<128xi32, #tpu.memory_space<vmem>>
    %dma_start3A_324 = arith.constant 0 : i32
    %dma_start3A_325 = arith.constant 0 : i32
    %dma_start3A_326 = tpu.memref_slice %arg5[%dma_start3A_324, %dma_start3A_325] : memref<512x128xf32, #tpu.memory_space<hbm>> -> memref<512x128xf32, #tpu.memory_space<hbm>>
    %dma_start3A_327 = tpu.memref_slice %arg14[%dma_start3A_316] : memref<2x!tpu.dma_semaphore, #tpu.memory_space<semaphore_mem>> -> memref<1x!tpu.dma_semaphore, #tpu.memory_space<semaphore_mem>>
    %dma_start3A_328 = tpu.memref_squeeze %dma_start3A_327 : memref<1x!tpu.dma_semaphore, #tpu.memory_space<semaphore_mem>> -> memref<!tpu.dma_semaphore, #tpu.memory_space<semaphore_mem>>
    tpu.enqueue_indirect_dma source(%dma_start3A_326 : memref<512x128xf32, #tpu.memory_space<hbm>>) target(%dma_start3A_320 : memref<128x128xf32, #tpu.memory_space<vmem>>) offsets(%dma_start3A_323 : memref<128xi32, #tpu.memory_space<vmem>>) semaphore(%dma_start3A_328 : memref<!tpu.dma_semaphore, #tpu.memory_space<semaphore_mem>>)
    %dma_start3A_329 = arith.constant 1 : i32
    %dma_start3A_330 = arith.constant 1 : i32
    %dma_start3A_331 = arith.constant 0 : i32
    %dma_start3A_332 = arith.constant 0 : i32
    %dma_start3A_333 = tpu.memref_slice %arg12[%dma_start3A_329, %dma_start3A_331, %dma_start3A_332] : memref<2x128x128xf32, #tpu.memory_space<vmem>> -> memref<1x128x128xf32, #tpu.memory_space<vmem>>
    %dma_start3A_334 = tpu.memref_squeeze %dma_start3A_333 : memref<1x128x128xf32, #tpu.memory_space<vmem>> -> memref<128x128xf32, #tpu.memory_space<vmem>>
    %dma_start3A_335 = arith.constant 0 : i32
    %dma_start3A_336 = tpu.memref_slice %arg4[%add3A_192, %dma_start3A_335] : memref<16384x128xf32, #tpu.memory_space<hbm>> -> memref<128x128xf32, #tpu.memory_space<hbm>>
    %dma_start3A_337 = tpu.memref_slice %arg14[%dma_start3A_330] : memref<2x!tpu.dma_semaphore, #tpu.memory_space<semaphore_mem>> -> memref<1x!tpu.dma_semaphore, #tpu.memory_space<semaphore_mem>>
    %dma_start3A_338 = tpu.memref_squeeze %dma_start3A_337 : memref<1x!tpu.dma_semaphore, #tpu.memory_space<semaphore_mem>> -> memref<!tpu.dma_semaphore, #tpu.memory_space<semaphore_mem>>
    %dma_start3A_339 = arith.constant 0 : i32
    %dma_start3A_340 = arith.constant 0 : i32
    %dma_start3A_341 = tpu.memref_slice %arg12[%dma_start3A_329, %dma_start3A_339, %dma_start3A_340] : memref<2x128x128xf32, #tpu.memory_space<vmem>> -> memref<1x128x128xf32, #tpu.memory_space<vmem>>
    %dma_start3A_342 = tpu.memref_squeeze %dma_start3A_341 : memref<1x128x128xf32, #tpu.memory_space<vmem>> -> memref<128x128xf32, #tpu.memory_space<vmem>>
    %dma_start3A_343 = arith.constant 0 : i32
    %dma_start3A_344 = tpu.memref_slice %arg4[%add3A_192, %dma_start3A_343] : memref<16384x128xf32, #tpu.memory_space<hbm>> -> memref<128x128xf32, #tpu.memory_space<hbm>>
    tpu.enqueue_dma source(%dma_start3A_344 : memref<128x128xf32, #tpu.memory_space<hbm>>) target(%dma_start3A_342 : memref<128x128xf32, #tpu.memory_space<vmem>>) target_semaphore(%dma_start3A_338 : memref<!tpu.dma_semaphore, #tpu.memory_space<semaphore_mem>>)
    %scan3A = arith.constant 0 : i32
    %scan3A_345 = arith.constant 128 : i32
    %scan3A_346 = arith.addi %scan3A, %scan3A_345 : i32
    %scan3A_347 = arith.constant 1 : i32
    %scan3A_348 = scf.for %scan3A_829 = %scan3A to %scan3A_346 step %scan3A_347 iter_args(%scan3A_830 = %broadcast_in_dim3A_145) -> (vector<16xf32>)  : i32 {
      %get3A = arith.constant 0 : i32
      %get3A_831 = arith.index_cast %get3A : i32 to index
      %get3A_832 = arith.index_cast %scan3A_829 : i32 to index
      %get3A_833 = arith.constant 0 : index
      %get3A_834 = tpu.vector_load %arg12[%get3A_831, %get3A_832, %get3A_833] {strides = array<i32>} : memref<2x128x128xf32, #tpu.memory_space<vmem>>, vector<1x1x16xf32>,
      %get3A_835 = vector.shape_cast %get3A_834 : vector<1x1x16xf32> to vector<16xf32>
      %get3A_836 = arith.constant 0 : i32
      %get3A_837 = arith.index_cast %get3A_836 : i32 to index
      %get3A_838 = arith.index_cast %scan3A_829 : i32 to index
      %get3A_839 = arith.constant 0 : index
      %get3A_840 = tpu.vector_load %arg10[%get3A_837, %get3A_838, %get3A_839] {strides = array<i32>} : memref<2x128x128xf32, #tpu.memory_space<vmem>>, vector<1x1x16xf32>,
      %get3A_841 = vector.shape_cast %get3A_840 : vector<1x1x16xf32> to vector<16xf32>
      %sub3A_842 = arith.subf %get3A_841, %get3A_835 : vector<16xf32>
      %add3A_843 = arith.addf %get3A_835, %sub3A_842 : vector<16xf32>
      %swap3A_844 = arith.constant 0 : i32
      %swap3A_845 = arith.index_cast %swap3A_844 : i32 to index
      %swap3A_846 = arith.index_cast %scan3A_829 : i32 to index
      %swap3A_847 = arith.constant 0 : index
      %swap3A_848 = tpu.vector_load %arg12[%swap3A_845, %swap3A_846, %swap3A_847] {strides = array<i32>} : memref<2x128x128xf32, #tpu.memory_space<vmem>>, vector<1x1x16xf32>,
      %swap3A_849 = vector.shape_cast %swap3A_848 : vector<1x1x16xf32> to vector<16xf32>
      %swap3A_850 = vector.shape_cast %add3A_843 : vector<16xf32> to vector<1x1x16xf32>
      tpu.vector_store %arg12[%swap3A_845, %swap3A_846, %swap3A_847], %swap3A_850 {strides = array<i32>} : memref<2x128x128xf32, #tpu.memory_space<vmem>>, vector<1x1x16xf32>,
      %mul3A_851 = arith.mulf %sub3A_842, %sub3A_842 : vector<16xf32>
      %add3A_852 = arith.addf %scan3A_830, %mul3A_851 : vector<16xf32>
      %get3A_853 = arith.constant 0 : i32
      %get3A_854 = arith.index_cast %get3A_853 : i32 to index
      %get3A_855 = arith.index_cast %scan3A_829 : i32 to index
      %get3A_856 = arith.constant 64 : index
      %get3A_857 = tpu.vector_load %arg12[%get3A_854, %get3A_855, %get3A_856] {strides = array<i32>} : memref<2x128x128xf32, #tpu.memory_space<vmem>>, vector<1x1x16xf32>,
      %get3A_858 = vector.shape_cast %get3A_857 : vector<1x1x16xf32> to vector<16xf32>
      %get3A_859 = arith.constant 0 : i32
      %get3A_860 = arith.index_cast %get3A_859 : i32 to index
      %get3A_861 = arith.index_cast %scan3A_829 : i32 to index
      %get3A_862 = arith.constant 0 : index
      %get3A_863 = tpu.vector_load %arg11[%get3A_860, %get3A_861, %get3A_862] {strides = array<i32>} : memref<2x128x128xf32, #tpu.memory_space<vmem>>, vector<1x1x16xf32>,
      %get3A_864 = vector.shape_cast %get3A_863 : vector<1x1x16xf32> to vector<16xf32>
      %sub3A_865 = arith.subf %get3A_864, %get3A_858 : vector<16xf32>
      %add3A_866 = arith.addf %get3A_858, %sub3A_865 : vector<16xf32>
      %swap3A_867 = arith.constant 0 : i32
      %swap3A_868 = arith.index_cast %swap3A_867 : i32 to index
      %swap3A_869 = arith.index_cast %scan3A_829 : i32 to index
      %swap3A_870 = arith.constant 64 : index
      %swap3A_871 = tpu.vector_load %arg12[%swap3A_868, %swap3A_869, %swap3A_870] {strides = array<i32>} : memref<2x128x128xf32, #tpu.memory_space<vmem>>, vector<1x1x16xf32>,
      %swap3A_872 = vector.shape_cast %swap3A_871 : vector<1x1x16xf32> to vector<16xf32>
      %swap3A_873 = vector.shape_cast %add3A_866 : vector<16xf32> to vector<1x1x16xf32>
      tpu.vector_store %arg12[%swap3A_868, %swap3A_869, %swap3A_870], %swap3A_873 {strides = array<i32>} : memref<2x128x128xf32, #tpu.memory_space<vmem>>, vector<1x1x16xf32>,
      %mul3A_874 = arith.mulf %sub3A_865, %sub3A_865 : vector<16xf32>
      %add3A_875 = arith.addf %add3A_852, %mul3A_874 : vector<16xf32>
      %get3A_876 = arith.constant 0 : i32
      %get3A_877 = arith.index_cast %get3A_876 : i32 to index
      %get3A_878 = arith.index_cast %scan3A_829 : i32 to index
      %get3A_879 = arith.constant 16 : index
      %get3A_880 = tpu.vector_load %arg12[%get3A_877, %get3A_878, %get3A_879] {strides = array<i32>} : memref<2x128x128xf32, #tpu.memory_space<vmem>>, vector<1x1x16xf32>,
      %get3A_881 = vector.shape_cast %get3A_880 : vector<1x1x16xf32> to vector<16xf32>
      %get3A_882 = arith.constant 0 : i32
      %get3A_883 = arith.index_cast %get3A_882 : i32 to index
      %get3A_884 = arith.index_cast %scan3A_829 : i32 to index
      %get3A_885 = arith.constant 16 : index
      %get3A_886 = tpu.vector_load %arg10[%get3A_883, %get3A_884, %get3A_885] {strides = array<i32>} : memref<2x128x128xf32, #tpu.memory_space<vmem>>, vector<1x1x16xf32>,
      %get3A_887 = vector.shape_cast %get3A_886 : vector<1x1x16xf32> to vector<16xf32>
      %sub3A_888 = arith.subf %get3A_887, %get3A_881 : vector<16xf32>
      %add3A_889 = arith.addf %get3A_881, %sub3A_888 : vector<16xf32>
      %swap3A_890 = arith.constant 0 : i32
      %swap3A_891 = arith.index_cast %swap3A_890 : i32 to index
      %swap3A_892 = arith.index_cast %scan3A_829 : i32 to index
      %swap3A_893 = arith.constant 16 : index
      %swap3A_894 = tpu.vector_load %arg12[%swap3A_891, %swap3A_892, %swap3A_893] {strides = array<i32>} : memref<2x128x128xf32, #tpu.memory_space<vmem>>, vector<1x1x16xf32>,
      %swap3A_895 = vector.shape_cast %swap3A_894 : vector<1x1x16xf32> to vector<16xf32>
      %swap3A_896 = vector.shape_cast %add3A_889 : vector<16xf32> to vector<1x1x16xf32>
      tpu.vector_store %arg12[%swap3A_891, %swap3A_892, %swap3A_893], %swap3A_896 {strides = array<i32>} : memref<2x128x128xf32, #tpu.memory_space<vmem>>, vector<1x1x16xf32>,
      %mul3A_897 = arith.mulf %sub3A_888, %sub3A_888 : vector<16xf32>
      %add3A_898 = arith.addf %add3A_875, %mul3A_897 : vector<16xf32>
      %get3A_899 = arith.constant 0 : i32
      %get3A_900 = arith.index_cast %get3A_899 : i32 to index
      %get3A_901 = arith.index_cast %scan3A_829 : i32 to index
      %get3A_902 = arith.constant 80 : index
      %get3A_903 = tpu.vector_load %arg12[%get3A_900, %get3A_901, %get3A_902] {strides = array<i32>} : memref<2x128x128xf32, #tpu.memory_space<vmem>>, vector<1x1x16xf32>,
      %get3A_904 = vector.shape_cast %get3A_903 : vector<1x1x16xf32> to vector<16xf32>
      %get3A_905 = arith.constant 0 : i32
      %get3A_906 = arith.index_cast %get3A_905 : i32 to index
      %get3A_907 = arith.index_cast %scan3A_829 : i32 to index
      %get3A_908 = arith.constant 16 : index
      %get3A_909 = tpu.vector_load %arg11[%get3A_906, %get3A_907, %get3A_908] {strides = array<i32>} : memref<2x128x128xf32, #tpu.memory_space<vmem>>, vector<1x1x16xf32>,
      %get3A_910 = vector.shape_cast %get3A_909 : vector<1x1x16xf32> to vector<16xf32>
      %sub3A_911 = arith.subf %get3A_910, %get3A_904 : vector<16xf32>
      %add3A_912 = arith.addf %get3A_904, %sub3A_911 : vector<16xf32>
      %swap3A_913 = arith.constant 0 : i32
      %swap3A_914 = arith.index_cast %swap3A_913 : i32 to index
      %swap3A_915 = arith.index_cast %scan3A_829 : i32 to index
      %swap3A_916 = arith.constant 80 : index
      %swap3A_917 = tpu.vector_load %arg12[%swap3A_914, %swap3A_915, %swap3A_916] {strides = array<i32>} : memref<2x128x128xf32, #tpu.memory_space<vmem>>, vector<1x1x16xf32>,
      %swap3A_918 = vector.shape_cast %swap3A_917 : vector<1x1x16xf32> to vector<16xf32>
      %swap3A_919 = vector.shape_cast %add3A_912 : vector<16xf32> to vector<1x1x16xf32>
      tpu.vector_store %arg12[%swap3A_914, %swap3A_915, %swap3A_916], %swap3A_919 {strides = array<i32>} : memref<2x128x128xf32, #tpu.memory_space<vmem>>, vector<1x1x16xf32>,
      %mul3A_920 = arith.mulf %sub3A_911, %sub3A_911 : vector<16xf32>
      %add3A_921 = arith.addf %add3A_898, %mul3A_920 : vector<16xf32>
      %get3A_922 = arith.constant 0 : i32
      %get3A_923 = arith.index_cast %get3A_922 : i32 to index
      %get3A_924 = arith.index_cast %scan3A_829 : i32 to index
      %get3A_925 = arith.constant 32 : index
      %get3A_926 = tpu.vector_load %arg12[%get3A_923, %get3A_924, %get3A_925] {strides = array<i32>} : memref<2x128x128xf32, #tpu.memory_space<vmem>>, vector<1x1x16xf32>,
      %get3A_927 = vector.shape_cast %get3A_926 : vector<1x1x16xf32> to vector<16xf32>
      %get3A_928 = arith.constant 0 : i32
      %get3A_929 = arith.index_cast %get3A_928 : i32 to index
      %get3A_930 = arith.index_cast %scan3A_829 : i32 to index
      %get3A_931 = arith.constant 32 : index
      %get3A_932 = tpu.vector_load %arg10[%get3A_929, %get3A_930, %get3A_931] {strides = array<i32>} : memref<2x128x128xf32, #tpu.memory_space<vmem>>, vector<1x1x16xf32>,
      %get3A_933 = vector.shape_cast %get3A_932 : vector<1x1x16xf32> to vector<16xf32>
      %sub3A_934 = arith.subf %get3A_933, %get3A_927 : vector<16xf32>
      %add3A_935 = arith.addf %get3A_927, %sub3A_934 : vector<16xf32>
      %swap3A_936 = arith.constant 0 : i32
      %swap3A_937 = arith.index_cast %swap3A_936 : i32 to index
      %swap3A_938 = arith.index_cast %scan3A_829 : i32 to index
      %swap3A_939 = arith.constant 32 : index
      %swap3A_940 = tpu.vector_load %arg12[%swap3A_937, %swap3A_938, %swap3A_939] {strides = array<i32>} : memref<2x128x128xf32, #tpu.memory_space<vmem>>, vector<1x1x16xf32>,
      %swap3A_941 = vector.shape_cast %swap3A_940 : vector<1x1x16xf32> to vector<16xf32>
      %swap3A_942 = vector.shape_cast %add3A_935 : vector<16xf32> to vector<1x1x16xf32>
      tpu.vector_store %arg12[%swap3A_937, %swap3A_938, %swap3A_939], %swap3A_942 {strides = array<i32>} : memref<2x128x128xf32, #tpu.memory_space<vmem>>, vector<1x1x16xf32>,
      %mul3A_943 = arith.mulf %sub3A_934, %sub3A_934 : vector<16xf32>
      %add3A_944 = arith.addf %add3A_921, %mul3A_943 : vector<16xf32>
      %get3A_945 = arith.constant 0 : i32
      %get3A_946 = arith.index_cast %get3A_945 : i32 to index
      %get3A_947 = arith.index_cast %scan3A_829 : i32 to index
      %get3A_948 = arith.constant 96 : index
      %get3A_949 = tpu.vector_load %arg12[%get3A_946, %get3A_947, %get3A_948] {strides = array<i32>} : memref<2x128x128xf32, #tpu.memory_space<vmem>>, vector<1x1x16xf32>,
      %get3A_950 = vector.shape_cast %get3A_949 : vector<1x1x16xf32> to vector<16xf32>
      %get3A_951 = arith.constant 0 : i32
      %get3A_952 = arith.index_cast %get3A_951 : i32 to index
      %get3A_953 = arith.index_cast %scan3A_829 : i32 to index
      %get3A_954 = arith.constant 32 : index
      %get3A_955 = tpu.vector_load %arg11[%get3A_952, %get3A_953, %get3A_954] {strides = array<i32>} : memref<2x128x128xf32, #tpu.memory_space<vmem>>, vector<1x1x16xf32>,
      %get3A_956 = vector.shape_cast %get3A_955 : vector<1x1x16xf32> to vector<16xf32>
      %sub3A_957 = arith.subf %get3A_956, %get3A_950 : vector<16xf32>
      %add3A_958 = arith.addf %get3A_950, %sub3A_957 : vector<16xf32>
      %swap3A_959 = arith.constant 0 : i32
      %swap3A_960 = arith.index_cast %swap3A_959 : i32 to index
      %swap3A_961 = arith.index_cast %scan3A_829 : i32 to index
      %swap3A_962 = arith.constant 96 : index
      %swap3A_963 = tpu.vector_load %arg12[%swap3A_960, %swap3A_961, %swap3A_962] {strides = array<i32>} : memref<2x128x128xf32, #tpu.memory_space<vmem>>, vector<1x1x16xf32>,
      %swap3A_964 = vector.shape_cast %swap3A_963 : vector<1x1x16xf32> to vector<16xf32>
      %swap3A_965 = vector.shape_cast %add3A_958 : vector<16xf32> to vector<1x1x16xf32>
      tpu.vector_store %arg12[%swap3A_960, %swap3A_961, %swap3A_962], %swap3A_965 {strides = array<i32>} : memref<2x128x128xf32, #tpu.memory_space<vmem>>, vector<1x1x16xf32>,
      %mul3A_966 = arith.mulf %sub3A_957, %sub3A_957 : vector<16xf32>
      %add3A_967 = arith.addf %add3A_944, %mul3A_966 : vector<16xf32>
      %get3A_968 = arith.constant 0 : i32
      %get3A_969 = arith.index_cast %get3A_968 : i32 to index
      %get3A_970 = arith.index_cast %scan3A_829 : i32 to index
      %get3A_971 = arith.constant 48 : index
      %get3A_972 = tpu.vector_load %arg12[%get3A_969, %get3A_970, %get3A_971] {strides = array<i32>} : memref<2x128x128xf32, #tpu.memory_space<vmem>>, vector<1x1x16xf32>,
      %get3A_973 = vector.shape_cast %get3A_972 : vector<1x1x16xf32> to vector<16xf32>
      %get3A_974 = arith.constant 0 : i32
      %get3A_975 = arith.index_cast %get3A_974 : i32 to index
      %get3A_976 = arith.index_cast %scan3A_829 : i32 to index
      %get3A_977 = arith.constant 48 : index
      %get3A_978 = tpu.vector_load %arg10[%get3A_975, %get3A_976, %get3A_977] {strides = array<i32>} : memref<2x128x128xf32, #tpu.memory_space<vmem>>, vector<1x1x16xf32>,
      %get3A_979 = vector.shape_cast %get3A_978 : vector<1x1x16xf32> to vector<16xf32>
      %sub3A_980 = arith.subf %get3A_979, %get3A_973 : vector<16xf32>
      %add3A_981 = arith.addf %get3A_973, %sub3A_980 : vector<16xf32>
      %swap3A_982 = arith.constant 0 : i32
      %swap3A_983 = arith.index_cast %swap3A_982 : i32 to index
      %swap3A_984 = arith.index_cast %scan3A_829 : i32 to index
      %swap3A_985 = arith.constant 48 : index
      %swap3A_986 = tpu.vector_load %arg12[%swap3A_983, %swap3A_984, %swap3A_985] {strides = array<i32>} : memref<2x128x128xf32, #tpu.memory_space<vmem>>, vector<1x1x16xf32>,
      %swap3A_987 = vector.shape_cast %swap3A_986 : vector<1x1x16xf32> to vector<16xf32>
      %swap3A_988 = vector.shape_cast %add3A_981 : vector<16xf32> to vector<1x1x16xf32>
      tpu.vector_store %arg12[%swap3A_983, %swap3A_984, %swap3A_985], %swap3A_988 {strides = array<i32>} : memref<2x128x128xf32, #tpu.memory_space<vmem>>, vector<1x1x16xf32>,
      %mul3A_989 = arith.mulf %sub3A_980, %sub3A_980 : vector<16xf32>
      %add3A_990 = arith.addf %add3A_967, %mul3A_989 : vector<16xf32>
      %get3A_991 = arith.constant 0 : i32
      %get3A_992 = arith.index_cast %get3A_991 : i32 to index
      %get3A_993 = arith.index_cast %scan3A_829 : i32 to index
      %get3A_994 = arith.constant 112 : index
      %get3A_995 = tpu.vector_load %arg12[%get3A_992, %get3A_993, %get3A_994] {strides = array<i32>} : memref<2x128x128xf32, #tpu.memory_space<vmem>>, vector<1x1x16xf32>,
      %get3A_996 = vector.shape_cast %get3A_995 : vector<1x1x16xf32> to vector<16xf32>
      %get3A_997 = arith.constant 0 : i32
      %get3A_998 = arith.index_cast %get3A_997 : i32 to index
      %get3A_999 = arith.index_cast %scan3A_829 : i32 to index
      %get3A_1000 = arith.constant 48 : index
      %get3A_1001 = tpu.vector_load %arg11[%get3A_998, %get3A_999, %get3A_1000] {strides = array<i32>} : memref<2x128x128xf32, #tpu.memory_space<vmem>>, vector<1x1x16xf32>,
      %get3A_1002 = vector.shape_cast %get3A_1001 : vector<1x1x16xf32> to vector<16xf32>
      %sub3A_1003 = arith.subf %get3A_1002, %get3A_996 : vector<16xf32>
      %add3A_1004 = arith.addf %get3A_996, %sub3A_1003 : vector<16xf32>
      %swap3A_1005 = arith.constant 0 : i32
      %swap3A_1006 = arith.index_cast %swap3A_1005 : i32 to index
      %swap3A_1007 = arith.index_cast %scan3A_829 : i32 to index
      %swap3A_1008 = arith.constant 112 : index
      %swap3A_1009 = tpu.vector_load %arg12[%swap3A_1006, %swap3A_1007, %swap3A_1008] {strides = array<i32>} : memref<2x128x128xf32, #tpu.memory_space<vmem>>, vector<1x1x16xf32>,
      %swap3A_1010 = vector.shape_cast %swap3A_1009 : vector<1x1x16xf32> to vector<16xf32>
      %swap3A_1011 = vector.shape_cast %add3A_1004 : vector<16xf32> to vector<1x1x16xf32>
      tpu.vector_store %arg12[%swap3A_1006, %swap3A_1007, %swap3A_1008], %swap3A_1011 {strides = array<i32>} : memref<2x128x128xf32, #tpu.memory_space<vmem>>, vector<1x1x16xf32>,
      %mul3A_1012 = arith.mulf %sub3A_1003, %sub3A_1003 : vector<16xf32>
      %add3A_1013 = arith.addf %add3A_990, %mul3A_1012 : vector<16xf32>
      scf.yield %add3A_1013 : vector<16xf32>
    }
    %scan3A_349 = arith.constant 128 : i32
    %add3A_350 = arith.constant 0 : i32
    %add3A_351 = arith.addi %mul3A_2, %add3A_350 : i32
    %run_scoped3A_352 = arith.constant 0 : i32
    "tpu.region"() ({
      %run_scoped3A_829 = tpu.sem_alloc : memref<!tpu.dma_semaphore, #tpu.memory_space<semaphore_mem>>
      %dma_start3A_830 = arith.constant 0 : i32
      %dma_start3A_831 = arith.constant 0 : i32
      %dma_start3A_832 = tpu.memref_slice %arg12[%run_scoped3A_352, %dma_start3A_830, %dma_start3A_831] : memref<2x128x128xf32, #tpu.memory_space<vmem>> -> memref<1x128x128xf32, #tpu.memory_space<vmem>>
      %dma_start3A_833 = tpu.memref_squeeze %dma_start3A_832 : memref<1x128x128xf32, #tpu.memory_space<vmem>> -> memref<128x128xf32, #tpu.memory_space<vmem>>
      %dma_start3A_834 = arith.constant 0 : i32
      %dma_start3A_835 = tpu.memref_slice %arg6[%add3A_351, %dma_start3A_834] : memref<16384x128xf32, #tpu.memory_space<hbm>> -> memref<128x128xf32, #tpu.memory_space<hbm>>
      %dma_start3A_836 = arith.constant 0 : i32
      %dma_start3A_837 = tpu.memref_slice %arg6[%add3A_351, %dma_start3A_836] : memref<16384x128xf32, #tpu.memory_space<hbm>> -> memref<128x128xf32, #tpu.memory_space<hbm>>
      %dma_start3A_838 = arith.constant 0 : i32
      %dma_start3A_839 = arith.constant 0 : i32
      %dma_start3A_840 = tpu.memref_slice %arg12[%run_scoped3A_352, %dma_start3A_838, %dma_start3A_839] : memref<2x128x128xf32, #tpu.memory_space<vmem>> -> memref<1x128x128xf32, #tpu.memory_space<vmem>>
      %dma_start3A_841 = tpu.memref_squeeze %dma_start3A_840 : memref<1x128x128xf32, #tpu.memory_space<vmem>> -> memref<128x128xf32, #tpu.memory_space<vmem>>
      tpu.enqueue_dma source(%dma_start3A_841 : memref<128x128xf32, #tpu.memory_space<vmem>>) target(%dma_start3A_837 : memref<128x128xf32, #tpu.memory_space<hbm>>) target_semaphore(%run_scoped3A_829 : memref<!tpu.dma_semaphore, #tpu.memory_space<semaphore_mem>>)
      %dma_wait3A_842 = arith.constant 0 : i32
      %dma_wait3A_843 = arith.constant 0 : i32
      %dma_wait3A_844 = tpu.memref_slice %arg12[%run_scoped3A_352, %dma_wait3A_842, %dma_wait3A_843] : memref<2x128x128xf32, #tpu.memory_space<vmem>> -> memref<1x128x128xf32, #tpu.memory_space<vmem>>
      %dma_wait3A_845 = tpu.memref_squeeze %dma_wait3A_844 : memref<1x128x128xf32, #tpu.memory_space<vmem>> -> memref<128x128xf32, #tpu.memory_space<vmem>>
      %dma_wait3A_846 = arith.constant 0 : i32
      %dma_wait3A_847 = tpu.memref_slice %arg6[%add3A_351, %dma_wait3A_846] : memref<16384x128xf32, #tpu.memory_space<hbm>> -> memref<128x128xf32, #tpu.memory_space<hbm>>
      %dma_wait3A_848 = arith.constant 0 : i32
      %dma_wait3A_849 = tpu.memref_slice %arg6[%add3A_351, %dma_wait3A_848] : memref<16384x128xf32, #tpu.memory_space<hbm>> -> memref<128x128xf32, #tpu.memory_space<hbm>>
      %dma_wait3A_850 = arith.constant 0 : i32
      %dma_wait3A_851 = arith.constant 0 : i32
      %dma_wait3A_852 = tpu.memref_slice %arg12[%run_scoped3A_352, %dma_wait3A_850, %dma_wait3A_851] : memref<2x128x128xf32, #tpu.memory_space<vmem>> -> memref<1x128x128xf32, #tpu.memory_space<vmem>>
      %dma_wait3A_853 = tpu.memref_squeeze %dma_wait3A_852 : memref<1x128x128xf32, #tpu.memory_space<vmem>> -> memref<128x128xf32, #tpu.memory_space<vmem>>
      tpu.wait_dma2 semaphore(%run_scoped3A_829 : memref<!tpu.dma_semaphore, #tpu.memory_space<semaphore_mem>>) src(%dma_wait3A_853 : memref<128x128xf32, #tpu.memory_space<vmem>>) dst(%dma_wait3A_849 : memref<128x128xf32, #tpu.memory_space<hbm>>)
      tpu.yield
    }) : () -> ()
    %dma_wait3A_353 = arith.constant 1 : i32
    %dma_wait3A_354 = arith.constant 1 : i32
    %dma_wait3A_355 = arith.constant 1 : i32
    %dma_wait3A_356 = arith.constant 0 : i32
    %dma_wait3A_357 = arith.constant 0 : i32
    %dma_wait3A_358 = tpu.memref_slice %arg10[%dma_wait3A_354, %dma_wait3A_356, %dma_wait3A_357] : memref<2x128x128xf32, #tpu.memory_space<vmem>> -> memref<1x128x128xf32, #tpu.memory_space<vmem>>
    %dma_wait3A_359 = tpu.memref_squeeze %dma_wait3A_358 : memref<1x128x128xf32, #tpu.memory_space<vmem>> -> memref<128x128xf32, #tpu.memory_space<vmem>>
    %dma_wait3A_360 = arith.constant 0 : i32
    %dma_wait3A_361 = tpu.memref_slice %arg8[%dma_wait3A_353, %dma_wait3A_360] : memref<2x128xi32, #tpu.memory_space<vmem>> -> memref<1x128xi32, #tpu.memory_space<vmem>>
    %dma_wait3A_362 = tpu.memref_squeeze %dma_wait3A_361 : memref<1x128xi32, #tpu.memory_space<vmem>> -> memref<128xi32, #tpu.memory_space<vmem>>
    %dma_wait3A_363 = arith.constant 0 : i32
    %dma_wait3A_364 = arith.constant 0 : i32
    %dma_wait3A_365 = tpu.memref_slice %arg5[%dma_wait3A_363, %dma_wait3A_364] : memref<512x128xf32, #tpu.memory_space<hbm>> -> memref<512x128xf32, #tpu.memory_space<hbm>>
    %dma_wait3A_366 = tpu.memref_slice %arg14[%dma_wait3A_355] : memref<2x!tpu.dma_semaphore, #tpu.memory_space<semaphore_mem>> -> memref<1x!tpu.dma_semaphore, #tpu.memory_space<semaphore_mem>>
    %dma_wait3A_367 = tpu.memref_squeeze %dma_wait3A_366 : memref<1x!tpu.dma_semaphore, #tpu.memory_space<semaphore_mem>> -> memref<!tpu.dma_semaphore, #tpu.memory_space<semaphore_mem>>
    tpu.wait_indirect_dma semaphore(%dma_wait3A_367 : memref<!tpu.dma_semaphore, #tpu.memory_space<semaphore_mem>>) src(%dma_wait3A_365 : memref<512x128xf32, #tpu.memory_space<hbm>>) dst(%dma_wait3A_359 : memref<128x128xf32, #tpu.memory_space<vmem>>)
    %dma_wait3A_368 = arith.constant 1 : i32
    %dma_wait3A_369 = arith.constant 1 : i32
    %dma_wait3A_370 = arith.constant 1 : i32
    %dma_wait3A_371 = arith.constant 0 : i32
    %dma_wait3A_372 = arith.constant 0 : i32
    %dma_wait3A_373 = tpu.memref_slice %arg11[%dma_wait3A_369, %dma_wait3A_371, %dma_wait3A_372] : memref<2x128x128xf32, #tpu.memory_space<vmem>> -> memref<1x128x128xf32, #tpu.memory_space<vmem>>
    %dma_wait3A_374 = tpu.memref_squeeze %dma_wait3A_373 : memref<1x128x128xf32, #tpu.memory_space<vmem>> -> memref<128x128xf32, #tpu.memory_space<vmem>>
    %dma_wait3A_375 = arith.constant 0 : i32
    %dma_wait3A_376 = tpu.memref_slice %arg9[%dma_wait3A_368, %dma_wait3A_375] : memref<2x128xi32, #tpu.memory_space<vmem>> -> memref<1x128xi32, #tpu.memory_space<vmem>>
    %dma_wait3A_377 = tpu.memref_squeeze %dma_wait3A_376 : memref<1x128xi32, #tpu.memory_space<vmem>> -> memref<128xi32, #tpu.memory_space<vmem>>
    %dma_wait3A_378 = arith.constant 0 : i32
    %dma_wait3A_379 = arith.constant 0 : i32
    %dma_wait3A_380 = tpu.memref_slice %arg5[%dma_wait3A_378, %dma_wait3A_379] : memref<512x128xf32, #tpu.memory_space<hbm>> -> memref<512x128xf32, #tpu.memory_space<hbm>>
    %dma_wait3A_381 = tpu.memref_slice %arg14[%dma_wait3A_370] : memref<2x!tpu.dma_semaphore, #tpu.memory_space<semaphore_mem>> -> memref<1x!tpu.dma_semaphore, #tpu.memory_space<semaphore_mem>>
    %dma_wait3A_382 = tpu.memref_squeeze %dma_wait3A_381 : memref<1x!tpu.dma_semaphore, #tpu.memory_space<semaphore_mem>> -> memref<!tpu.dma_semaphore, #tpu.memory_space<semaphore_mem>>
    tpu.wait_indirect_dma semaphore(%dma_wait3A_382 : memref<!tpu.dma_semaphore, #tpu.memory_space<semaphore_mem>>) src(%dma_wait3A_380 : memref<512x128xf32, #tpu.memory_space<hbm>>) dst(%dma_wait3A_374 : memref<128x128xf32, #tpu.memory_space<vmem>>)
    %dma_wait3A_383 = arith.constant 1 : i32
    %dma_wait3A_384 = arith.constant 1 : i32
    %dma_wait3A_385 = arith.constant 0 : i32
    %dma_wait3A_386 = arith.constant 0 : i32
    %dma_wait3A_387 = tpu.memref_slice %arg12[%dma_wait3A_383, %dma_wait3A_385, %dma_wait3A_386] : memref<2x128x128xf32, #tpu.memory_space<vmem>> -> memref<1x128x128xf32, #tpu.memory_space<vmem>>
    %dma_wait3A_388 = tpu.memref_squeeze %dma_wait3A_387 : memref<1x128x128xf32, #tpu.memory_space<vmem>> -> memref<128x128xf32, #tpu.memory_space<vmem>>
    %dma_wait3A_389 = arith.constant 0 : i32
    %dma_wait3A_390 = tpu.memref_slice %arg4[%add3A_192, %dma_wait3A_389] : memref<16384x128xf32, #tpu.memory_space<hbm>> -> memref<128x128xf32, #tpu.memory_space<hbm>>
    %dma_wait3A_391 = tpu.memref_slice %arg14[%dma_wait3A_384] : memref<2x!tpu.dma_semaphore, #tpu.memory_space<semaphore_mem>> -> memref<1x!tpu.dma_semaphore, #tpu.memory_space<semaphore_mem>>
    %dma_wait3A_392 = tpu.memref_squeeze %dma_wait3A_391 : memref<1x!tpu.dma_semaphore, #tpu.memory_space<semaphore_mem>> -> memref<!tpu.dma_semaphore, #tpu.memory_space<semaphore_mem>>
    %dma_wait3A_393 = arith.constant 0 : i32
    %dma_wait3A_394 = arith.constant 0 : i32
    %dma_wait3A_395 = tpu.memref_slice %arg12[%dma_wait3A_383, %dma_wait3A_393, %dma_wait3A_394] : memref<2x128x128xf32, #tpu.memory_space<vmem>> -> memref<1x128x128xf32, #tpu.memory_space<vmem>>
    %dma_wait3A_396 = tpu.memref_squeeze %dma_wait3A_395 : memref<1x128x128xf32, #tpu.memory_space<vmem>> -> memref<128x128xf32, #tpu.memory_space<vmem>>
    %dma_wait3A_397 = arith.constant 0 : i32
    %dma_wait3A_398 = tpu.memref_slice %arg4[%add3A_192, %dma_wait3A_397] : memref<16384x128xf32, #tpu.memory_space<hbm>> -> memref<128x128xf32, #tpu.memory_space<hbm>>
    tpu.wait_dma2 semaphore(%dma_wait3A_392 : memref<!tpu.dma_semaphore, #tpu.memory_space<semaphore_mem>>) src(%dma_wait3A_398 : memref<128x128xf32, #tpu.memory_space<hbm>>) dst(%dma_wait3A_396 : memref<128x128xf32, #tpu.memory_space<vmem>>)
    %add3A_399 = arith.constant 256 : i32
    %add3A_400 = arith.addi %mul3A_2, %add3A_399 : i32
    %jit3A_401 = arith.constant 128 : i32
    %div3A_402 = arith.divsi %add3A_400, %jit3A_401 : i32
    %sign3A_403 = arith.constant 0 : i32
    %sign3A_404 = arith.cmpi sgt, %add3A_400, %sign3A_403 : i32
    %sign3A_405 = arith.extui %sign3A_404 : i1 to i32
    %sign3A_406 = arith.constant 0 : i32
    %sign3A_407 = arith.cmpi slt, %add3A_400, %sign3A_406 : i32
    %sign3A_408 = arith.extui %sign3A_407 : i1 to i32
    %sign3A_409 = arith.subi %sign3A_405, %sign3A_408 : i32
    %sign3A_410 = arith.constant 0 : i32
    %sign3A_411 = arith.cmpi sgt, %jit3A_401, %sign3A_410 : i32
    %sign3A_412 = arith.extui %sign3A_411 : i1 to i32
    %sign3A_413 = arith.constant 0 : i32
    %sign3A_414 = arith.cmpi slt, %jit3A_401, %sign3A_413 : i32
    %sign3A_415 = arith.extui %sign3A_414 : i1 to i32
    %sign3A_416 = arith.subi %sign3A_412, %sign3A_415 : i32
    %ne3A_417 = arith.cmpi ne, %sign3A_409, %sign3A_416 : i32
    %rem3A_418 = arith.remsi %add3A_400, %jit3A_401 : i32
    %ne3A_419 = arith.constant 0 : i32
    %ne3A_420 = arith.cmpi ne, %rem3A_418, %ne3A_419 : i32
    %and3A_421 = arith.andi %ne3A_417, %ne3A_420 : i1
    %sub3A_422 = arith.constant 1 : i32
    %sub3A_423 = arith.subi %div3A_402, %sub3A_422 : i32
    %select_n3A_424 = arith.select %and3A_421, %sub3A_423, %div3A_402 : i32
    %jit3A_425 = arith.constant 8 : i32
    %div3A_426 = arith.divsi %select_n3A_424, %jit3A_425 : i32
    %sign3A_427 = arith.constant 0 : i32
    %sign3A_428 = arith.cmpi sgt, %select_n3A_424, %sign3A_427 : i32
    %sign3A_429 = arith.extui %sign3A_428 : i1 to i32
    %sign3A_430 = arith.constant 0 : i32
    %sign3A_431 = arith.cmpi slt, %select_n3A_424, %sign3A_430 : i32
    %sign3A_432 = arith.extui %sign3A_431 : i1 to i32
    %sign3A_433 = arith.subi %sign3A_429, %sign3A_432 : i32
    %sign3A_434 = arith.constant 0 : i32
    %sign3A_435 = arith.cmpi sgt, %jit3A_425, %sign3A_434 : i32
    %sign3A_436 = arith.extui %sign3A_435 : i1 to i32
    %sign3A_437 = arith.constant 0 : i32
    %sign3A_438 = arith.cmpi slt, %jit3A_425, %sign3A_437 : i32
    %sign3A_439 = arith.extui %sign3A_438 : i1 to i32
    %sign3A_440 = arith.subi %sign3A_436, %sign3A_439 : i32
    %ne3A_441 = arith.cmpi ne, %sign3A_433, %sign3A_440 : i32
    %rem3A_442 = arith.remsi %select_n3A_424, %jit3A_425 : i32
    %ne3A_443 = arith.constant 0 : i32
    %ne3A_444 = arith.cmpi ne, %rem3A_442, %ne3A_443 : i32
    %and3A_445 = arith.andi %ne3A_441, %ne3A_444 : i1
    %sub3A_446 = arith.constant 1 : i32
    %sub3A_447 = arith.subi %div3A_426, %sub3A_446 : i32
    %select_n3A_448 = arith.select %and3A_445, %sub3A_447, %div3A_426 : i32
    %jit3A_449 = arith.constant 8 : i32
    %eq3A_450 = arith.constant 0 : i32
    %eq3A_451 = arith.cmpi eq, %jit3A_449, %eq3A_450 : i32
    %jit3A_452 = arith.constant 1 : i32
    %select_n3A_453 = arith.select %eq3A_451, %jit3A_452, %jit3A_449 : i32
    %rem3A_454 = arith.remsi %select_n3A_424, %select_n3A_453 : i32
    %ne3A_455 = arith.constant 0 : i32
    %ne3A_456 = arith.cmpi ne, %rem3A_454, %ne3A_455 : i32
    %lt3A_457 = arith.constant 0 : i32
    %lt3A_458 = arith.cmpi slt, %rem3A_454, %lt3A_457 : i32
    %lt3A_459 = arith.constant 0 : i32
    %lt3A_460 = arith.cmpi slt, %select_n3A_453, %lt3A_459 : i32
    %ne3A_461 = arith.xori %lt3A_458, %lt3A_460 : i1
    %and3A_462 = arith.andi %ne3A_461, %ne3A_456 : i1
    %add3A_463 = arith.addi %rem3A_454, %select_n3A_453 : i32
    %select_n3A_464 = arith.select %and3A_462, %add3A_463, %rem3A_454 : i32
    %run_scoped3A_465 = arith.constant 0 : i32
    "tpu.region"() ({
      %run_scoped3A_829 = tpu.sem_alloc : memref<!tpu.dma_semaphore, #tpu.memory_space<semaphore_mem>>
      %dma_start3A_830 = arith.constant 0 : i32
      %dma_start3A_831 = tpu.memref_slice %arg8[%run_scoped3A_465, %dma_start3A_830] : memref<2x128xi32, #tpu.memory_space<vmem>> -> memref<1x128xi32, #tpu.memory_space<vmem>>
      %dma_start3A_832 = tpu.memref_squeeze %dma_start3A_831 : memref<1x128xi32, #tpu.memory_space<vmem>> -> memref<128xi32, #tpu.memory_space<vmem>>
      %dma_start3A_833 = arith.constant 0 : i32
      %dma_start3A_834 = tpu.memref_slice %arg2[%select_n3A_448, %select_n3A_464, %dma_start3A_833] : memref<16x8x128xi32, #tpu.memory_space<hbm>> -> memref<1x1x128xi32, #tpu.memory_space<hbm>>
      %dma_start3A_835 = tpu.memref_squeeze %dma_start3A_834 : memref<1x1x128xi32, #tpu.memory_space<hbm>> -> memref<128xi32, #tpu.memory_space<hbm>>
      %dma_start3A_836 = arith.constant 0 : i32
      %dma_start3A_837 = tpu.memref_slice %arg8[%run_scoped3A_465, %dma_start3A_836] : memref<2x128xi32, #tpu.memory_space<vmem>> -> memref<1x128xi32, #tpu.memory_space<vmem>>
      %dma_start3A_838 = tpu.memref_squeeze %dma_start3A_837 : memref<1x128xi32, #tpu.memory_space<vmem>> -> memref<128xi32, #tpu.memory_space<vmem>>
      %dma_start3A_839 = arith.constant 0 : i32
      %dma_start3A_840 = tpu.memref_slice %arg2[%select_n3A_448, %select_n3A_464, %dma_start3A_839] : memref<16x8x128xi32, #tpu.memory_space<hbm>> -> memref<1x1x128xi32, #tpu.memory_space<hbm>>
      %dma_start3A_841 = tpu.memref_squeeze %dma_start3A_840 : memref<1x1x128xi32, #tpu.memory_space<hbm>> -> memref<128xi32, #tpu.memory_space<hbm>>
      tpu.enqueue_dma source(%dma_start3A_841 : memref<128xi32, #tpu.memory_space<hbm>>) target(%dma_start3A_838 : memref<128xi32, #tpu.memory_space<vmem>>) target_semaphore(%run_scoped3A_829 : memref<!tpu.dma_semaphore, #tpu.memory_space<semaphore_mem>>)
      %dma_wait3A_842 = arith.constant 0 : i32
      %dma_wait3A_843 = tpu.memref_slice %arg8[%run_scoped3A_465, %dma_wait3A_842] : memref<2x128xi32, #tpu.memory_space<vmem>> -> memref<1x128xi32, #tpu.memory_space<vmem>>
      %dma_wait3A_844 = tpu.memref_squeeze %dma_wait3A_843 : memref<1x128xi32, #tpu.memory_space<vmem>> -> memref<128xi32, #tpu.memory_space<vmem>>
      %dma_wait3A_845 = arith.constant 0 : i32
      %dma_wait3A_846 = tpu.memref_slice %arg2[%select_n3A_448, %select_n3A_464, %dma_wait3A_845] : memref<16x8x128xi32, #tpu.memory_space<hbm>> -> memref<1x1x128xi32, #tpu.memory_space<hbm>>
      %dma_wait3A_847 = tpu.memref_squeeze %dma_wait3A_846 : memref<1x1x128xi32, #tpu.memory_space<hbm>> -> memref<128xi32, #tpu.memory_space<hbm>>
      %dma_wait3A_848 = arith.constant 0 : i32
      %dma_wait3A_849 = tpu.memref_slice %arg8[%run_scoped3A_465, %dma_wait3A_848] : memref<2x128xi32, #tpu.memory_space<vmem>> -> memref<1x128xi32, #tpu.memory_space<vmem>>
      %dma_wait3A_850 = tpu.memref_squeeze %dma_wait3A_849 : memref<1x128xi32, #tpu.memory_space<vmem>> -> memref<128xi32, #tpu.memory_space<vmem>>
      %dma_wait3A_851 = arith.constant 0 : i32
      %dma_wait3A_852 = tpu.memref_slice %arg2[%select_n3A_448, %select_n3A_464, %dma_wait3A_851] : memref<16x8x128xi32, #tpu.memory_space<hbm>> -> memref<1x1x128xi32, #tpu.memory_space<hbm>>
      %dma_wait3A_853 = tpu.memref_squeeze %dma_wait3A_852 : memref<1x1x128xi32, #tpu.memory_space<hbm>> -> memref<128xi32, #tpu.memory_space<hbm>>
      tpu.wait_dma2 semaphore(%run_scoped3A_829 : memref<!tpu.dma_semaphore, #tpu.memory_space<semaphore_mem>>) src(%dma_wait3A_853 : memref<128xi32, #tpu.memory_space<hbm>>) dst(%dma_wait3A_850 : memref<128xi32, #tpu.memory_space<vmem>>)
      tpu.yield
    }) : () -> ()
    %jit3A_466 = arith.constant 8 : i32
    %div3A_467 = arith.divsi %select_n3A_424, %jit3A_466 : i32
    %sign3A_468 = arith.constant 0 : i32
    %sign3A_469 = arith.cmpi sgt, %select_n3A_424, %sign3A_468 : i32
    %sign3A_470 = arith.extui %sign3A_469 : i1 to i32
    %sign3A_471 = arith.constant 0 : i32
    %sign3A_472 = arith.cmpi slt, %select_n3A_424, %sign3A_471 : i32
    %sign3A_473 = arith.extui %sign3A_472 : i1 to i32
    %sign3A_474 = arith.subi %sign3A_470, %sign3A_473 : i32
    %sign3A_475 = arith.constant 0 : i32
    %sign3A_476 = arith.cmpi sgt, %jit3A_466, %sign3A_475 : i32
    %sign3A_477 = arith.extui %sign3A_476 : i1 to i32
    %sign3A_478 = arith.constant 0 : i32
    %sign3A_479 = arith.cmpi slt, %jit3A_466, %sign3A_478 : i32
    %sign3A_480 = arith.extui %sign3A_479 : i1 to i32
    %sign3A_481 = arith.subi %sign3A_477, %sign3A_480 : i32
    %ne3A_482 = arith.cmpi ne, %sign3A_474, %sign3A_481 : i32
    %rem3A_483 = arith.remsi %select_n3A_424, %jit3A_466 : i32
    %ne3A_484 = arith.constant 0 : i32
    %ne3A_485 = arith.cmpi ne, %rem3A_483, %ne3A_484 : i32
    %and3A_486 = arith.andi %ne3A_482, %ne3A_485 : i1
    %sub3A_487 = arith.constant 1 : i32
    %sub3A_488 = arith.subi %div3A_467, %sub3A_487 : i32
    %select_n3A_489 = arith.select %and3A_486, %sub3A_488, %div3A_467 : i32
    %jit3A_490 = arith.constant 8 : i32
    %eq3A_491 = arith.constant 0 : i32
    %eq3A_492 = arith.cmpi eq, %jit3A_490, %eq3A_491 : i32
    %jit3A_493 = arith.constant 1 : i32
    %select_n3A_494 = arith.select %eq3A_492, %jit3A_493, %jit3A_490 : i32
    %rem3A_495 = arith.remsi %select_n3A_424, %select_n3A_494 : i32
    %ne3A_496 = arith.constant 0 : i32
    %ne3A_497 = arith.cmpi ne, %rem3A_495, %ne3A_496 : i32
    %lt3A_498 = arith.constant 0 : i32
    %lt3A_499 = arith.cmpi slt, %rem3A_495, %lt3A_498 : i32
    %lt3A_500 = arith.constant 0 : i32
    %lt3A_501 = arith.cmpi slt, %select_n3A_494, %lt3A_500 : i32
    %ne3A_502 = arith.xori %lt3A_499, %lt3A_501 : i1
    %and3A_503 = arith.andi %ne3A_502, %ne3A_497 : i1
    %add3A_504 = arith.addi %rem3A_495, %select_n3A_494 : i32
    %select_n3A_505 = arith.select %and3A_503, %add3A_504, %rem3A_495 : i32
    %run_scoped3A_506 = arith.constant 0 : i32
    "tpu.region"() ({
      %run_scoped3A_829 = tpu.sem_alloc : memref<!tpu.dma_semaphore, #tpu.memory_space<semaphore_mem>>
      %dma_start3A_830 = arith.constant 0 : i32
      %dma_start3A_831 = tpu.memref_slice %arg9[%run_scoped3A_506, %dma_start3A_830] : memref<2x128xi32, #tpu.memory_space<vmem>> -> memref<1x128xi32, #tpu.memory_space<vmem>>
      %dma_start3A_832 = tpu.memref_squeeze %dma_start3A_831 : memref<1x128xi32, #tpu.memory_space<vmem>> -> memref<128xi32, #tpu.memory_space<vmem>>
      %dma_start3A_833 = arith.constant 0 : i32
      %dma_start3A_834 = tpu.memref_slice %arg3[%select_n3A_489, %select_n3A_505, %dma_start3A_833] : memref<16x8x128xi32, #tpu.memory_space<hbm>> -> memref<1x1x128xi32, #tpu.memory_space<hbm>>
      %dma_start3A_835 = tpu.memref_squeeze %dma_start3A_834 : memref<1x1x128xi32, #tpu.memory_space<hbm>> -> memref<128xi32, #tpu.memory_space<hbm>>
      %dma_start3A_836 = arith.constant 0 : i32
      %dma_start3A_837 = tpu.memref_slice %arg9[%run_scoped3A_506, %dma_start3A_836] : memref<2x128xi32, #tpu.memory_space<vmem>> -> memref<1x128xi32, #tpu.memory_space<vmem>>
      %dma_start3A_838 = tpu.memref_squeeze %dma_start3A_837 : memref<1x128xi32, #tpu.memory_space<vmem>> -> memref<128xi32, #tpu.memory_space<vmem>>
      %dma_start3A_839 = arith.constant 0 : i32
      %dma_start3A_840 = tpu.memref_slice %arg3[%select_n3A_489, %select_n3A_505, %dma_start3A_839] : memref<16x8x128xi32, #tpu.memory_space<hbm>> -> memref<1x1x128xi32, #tpu.memory_space<hbm>>
      %dma_start3A_841 = tpu.memref_squeeze %dma_start3A_840 : memref<1x1x128xi32, #tpu.memory_space<hbm>> -> memref<128xi32, #tpu.memory_space<hbm>>
      tpu.enqueue_dma source(%dma_start3A_841 : memref<128xi32, #tpu.memory_space<hbm>>) target(%dma_start3A_838 : memref<128xi32, #tpu.memory_space<vmem>>) target_semaphore(%run_scoped3A_829 : memref<!tpu.dma_semaphore, #tpu.memory_space<semaphore_mem>>)
      %dma_wait3A_842 = arith.constant 0 : i32
      %dma_wait3A_843 = tpu.memref_slice %arg9[%run_scoped3A_506, %dma_wait3A_842] : memref<2x128xi32, #tpu.memory_space<vmem>> -> memref<1x128xi32, #tpu.memory_space<vmem>>
      %dma_wait3A_844 = tpu.memref_squeeze %dma_wait3A_843 : memref<1x128xi32, #tpu.memory_space<vmem>> -> memref<128xi32, #tpu.memory_space<vmem>>
      %dma_wait3A_845 = arith.constant 0 : i32
      %dma_wait3A_846 = tpu.memref_slice %arg3[%select_n3A_489, %select_n3A_505, %dma_wait3A_845] : memref<16x8x128xi32, #tpu.memory_space<hbm>> -> memref<1x1x128xi32, #tpu.memory_space<hbm>>
      %dma_wait3A_847 = tpu.memref_squeeze %dma_wait3A_846 : memref<1x1x128xi32, #tpu.memory_space<hbm>> -> memref<128xi32, #tpu.memory_space<hbm>>
      %dma_wait3A_848 = arith.constant 0 : i32
      %dma_wait3A_849 = tpu.memref_slice %arg9[%run_scoped3A_506, %dma_wait3A_848] : memref<2x128xi32, #tpu.memory_space<vmem>> -> memref<1x128xi32, #tpu.memory_space<vmem>>
      %dma_wait3A_850 = tpu.memref_squeeze %dma_wait3A_849 : memref<1x128xi32, #tpu.memory_space<vmem>> -> memref<128xi32, #tpu.memory_space<vmem>>
      %dma_wait3A_851 = arith.constant 0 : i32
      %dma_wait3A_852 = tpu.memref_slice %arg3[%select_n3A_489, %select_n3A_505, %dma_wait3A_851] : memref<16x8x128xi32, #tpu.memory_space<hbm>> -> memref<1x1x128xi32, #tpu.memory_space<hbm>>
      %dma_wait3A_853 = tpu.memref_squeeze %dma_wait3A_852 : memref<1x1x128xi32, #tpu.memory_space<hbm>> -> memref<128xi32, #tpu.memory_space<hbm>>
      tpu.wait_dma2 semaphore(%run_scoped3A_829 : memref<!tpu.dma_semaphore, #tpu.memory_space<semaphore_mem>>) src(%dma_wait3A_853 : memref<128xi32, #tpu.memory_space<hbm>>) dst(%dma_wait3A_850 : memref<128xi32, #tpu.memory_space<vmem>>)
      tpu.yield
    }) : () -> ()
    %dma_start3A_507 = arith.constant 0 : i32
    %dma_start3A_508 = arith.constant 0 : i32
    %dma_start3A_509 = arith.constant 0 : i32
    %dma_start3A_510 = arith.constant 0 : i32
    %dma_start3A_511 = arith.constant 0 : i32
    %dma_start3A_512 = tpu.memref_slice %arg10[%dma_start3A_508, %dma_start3A_510, %dma_start3A_511] : memref<2x128x128xf32, #tpu.memory_space<vmem>> -> memref<1x128x128xf32, #tpu.memory_space<vmem>>
    %dma_start3A_513 = tpu.memref_squeeze %dma_start3A_512 : memref<1x128x128xf32, #tpu.memory_space<vmem>> -> memref<128x128xf32, #tpu.memory_space<vmem>>
    %dma_start3A_514 = arith.constant 0 : i32
    %dma_start3A_515 = tpu.memref_slice %arg8[%dma_start3A_507, %dma_start3A_514] : memref<2x128xi32, #tpu.memory_space<vmem>> -> memref<1x128xi32, #tpu.memory_space<vmem>>
    %dma_start3A_516 = tpu.memref_squeeze %dma_start3A_515 : memref<1x128xi32, #tpu.memory_space<vmem>> -> memref<128xi32, #tpu.memory_space<vmem>>
    %dma_start3A_517 = arith.constant 0 : i32
    %dma_start3A_518 = arith.constant 0 : i32
    %dma_start3A_519 = tpu.memref_slice %arg5[%dma_start3A_517, %dma_start3A_518] : memref<512x128xf32, #tpu.memory_space<hbm>> -> memref<512x128xf32, #tpu.memory_space<hbm>>
    %dma_start3A_520 = tpu.memref_slice %arg14[%dma_start3A_509] : memref<2x!tpu.dma_semaphore, #tpu.memory_space<semaphore_mem>> -> memref<1x!tpu.dma_semaphore, #tpu.memory_space<semaphore_mem>>
    %dma_start3A_521 = tpu.memref_squeeze %dma_start3A_520 : memref<1x!tpu.dma_semaphore, #tpu.memory_space<semaphore_mem>> -> memref<!tpu.dma_semaphore, #tpu.memory_space<semaphore_mem>>
    tpu.enqueue_indirect_dma source(%dma_start3A_519 : memref<512x128xf32, #tpu.memory_space<hbm>>) target(%dma_start3A_513 : memref<128x128xf32, #tpu.memory_space<vmem>>) offsets(%dma_start3A_516 : memref<128xi32, #tpu.memory_space<vmem>>) semaphore(%dma_start3A_521 : memref<!tpu.dma_semaphore, #tpu.memory_space<semaphore_mem>>)
    %dma_start3A_522 = arith.constant 0 : i32
    %dma_start3A_523 = arith.constant 0 : i32
    %dma_start3A_524 = arith.constant 0 : i32
    %dma_start3A_525 = arith.constant 0 : i32
    %dma_start3A_526 = arith.constant 0 : i32
    %dma_start3A_527 = tpu.memref_slice %arg11[%dma_start3A_523, %dma_start3A_525, %dma_start3A_526] : memref<2x128x128xf32, #tpu.memory_space<vmem>> -> memref<1x128x128xf32, #tpu.memory_space<vmem>>
    %dma_start3A_528 = tpu.memref_squeeze %dma_start3A_527 : memref<1x128x128xf32, #tpu.memory_space<vmem>> -> memref<128x128xf32, #tpu.memory_space<vmem>>
    %dma_start3A_529 = arith.constant 0 : i32
    %dma_start3A_530 = tpu.memref_slice %arg9[%dma_start3A_522, %dma_start3A_529] : memref<2x128xi32, #tpu.memory_space<vmem>> -> memref<1x128xi32, #tpu.memory_space<vmem>>
    %dma_start3A_531 = tpu.memref_squeeze %dma_start3A_530 : memref<1x128xi32, #tpu.memory_space<vmem>> -> memref<128xi32, #tpu.memory_space<vmem>>
    %dma_start3A_532 = arith.constant 0 : i32
    %dma_start3A_533 = arith.constant 0 : i32
    %dma_start3A_534 = tpu.memref_slice %arg5[%dma_start3A_532, %dma_start3A_533] : memref<512x128xf32, #tpu.memory_space<hbm>> -> memref<512x128xf32, #tpu.memory_space<hbm>>
    %dma_start3A_535 = tpu.memref_slice %arg14[%dma_start3A_524] : memref<2x!tpu.dma_semaphore, #tpu.memory_space<semaphore_mem>> -> memref<1x!tpu.dma_semaphore, #tpu.memory_space<semaphore_mem>>
    %dma_start3A_536 = tpu.memref_squeeze %dma_start3A_535 : memref<1x!tpu.dma_semaphore, #tpu.memory_space<semaphore_mem>> -> memref<!tpu.dma_semaphore, #tpu.memory_space<semaphore_mem>>
    tpu.enqueue_indirect_dma source(%dma_start3A_534 : memref<512x128xf32, #tpu.memory_space<hbm>>) target(%dma_start3A_528 : memref<128x128xf32, #tpu.memory_space<vmem>>) offsets(%dma_start3A_531 : memref<128xi32, #tpu.memory_space<vmem>>) semaphore(%dma_start3A_536 : memref<!tpu.dma_semaphore, #tpu.memory_space<semaphore_mem>>)
    %dma_start3A_537 = arith.constant 0 : i32
    %dma_start3A_538 = arith.constant 0 : i32
    %dma_start3A_539 = arith.constant 0 : i32
    %dma_start3A_540 = arith.constant 0 : i32
    %dma_start3A_541 = tpu.memref_slice %arg12[%dma_start3A_537, %dma_start3A_539, %dma_start3A_540] : memref<2x128x128xf32, #tpu.memory_space<vmem>> -> memref<1x128x128xf32, #tpu.memory_space<vmem>>
    %dma_start3A_542 = tpu.memref_squeeze %dma_start3A_541 : memref<1x128x128xf32, #tpu.memory_space<vmem>> -> memref<128x128xf32, #tpu.memory_space<vmem>>
    %dma_start3A_543 = arith.constant 0 : i32
    %dma_start3A_544 = tpu.memref_slice %arg4[%add3A_400, %dma_start3A_543] : memref<16384x128xf32, #tpu.memory_space<hbm>> -> memref<128x128xf32, #tpu.memory_space<hbm>>
    %dma_start3A_545 = tpu.memref_slice %arg14[%dma_start3A_538] : memref<2x!tpu.dma_semaphore, #tpu.memory_space<semaphore_mem>> -> memref<1x!tpu.dma_semaphore, #tpu.memory_space<semaphore_mem>>
    %dma_start3A_546 = tpu.memref_squeeze %dma_start3A_545 : memref<1x!tpu.dma_semaphore, #tpu.memory_space<semaphore_mem>> -> memref<!tpu.dma_semaphore, #tpu.memory_space<semaphore_mem>>
    %dma_start3A_547 = arith.constant 0 : i32
    %dma_start3A_548 = arith.constant 0 : i32
    %dma_start3A_549 = tpu.memref_slice %arg12[%dma_start3A_537, %dma_start3A_547, %dma_start3A_548] : memref<2x128x128xf32, #tpu.memory_space<vmem>> -> memref<1x128x128xf32, #tpu.memory_space<vmem>>
    %dma_start3A_550 = tpu.memref_squeeze %dma_start3A_549 : memref<1x128x128xf32, #tpu.memory_space<vmem>> -> memref<128x128xf32, #tpu.memory_space<vmem>>
    %dma_start3A_551 = arith.constant 0 : i32
    %dma_start3A_552 = tpu.memref_slice %arg4[%add3A_400, %dma_start3A_551] : memref<16384x128xf32, #tpu.memory_space<hbm>> -> memref<128x128xf32, #tpu.memory_space<hbm>>
    tpu.enqueue_dma source(%dma_start3A_552 : memref<128x128xf32, #tpu.memory_space<hbm>>) target(%dma_start3A_550 : memref<128x128xf32, #tpu.memory_space<vmem>>) target_semaphore(%dma_start3A_546 : memref<!tpu.dma_semaphore, #tpu.memory_space<semaphore_mem>>)
    %scan3A_553 = arith.constant 0 : i32
    %scan3A_554 = arith.constant 128 : i32
    %scan3A_555 = arith.addi %scan3A_553, %scan3A_554 : i32
    %scan3A_556 = arith.constant 1 : i32
    %scan3A_557 = scf.for %scan3A_829 = %scan3A_553 to %scan3A_555 step %scan3A_556 iter_args(%scan3A_830 = %scan3A_348) -> (vector<16xf32>)  : i32 {
      %get3A = arith.constant 1 : i32
      %get3A_831 = arith.index_cast %get3A : i32 to index
      %get3A_832 = arith.index_cast %scan3A_829 : i32 to index
      %get3A_833 = arith.constant 0 : index
      %get3A_834 = tpu.vector_load %arg12[%get3A_831, %get3A_832, %get3A_833] {strides = array<i32>} : memref<2x128x128xf32, #tpu.memory_space<vmem>>, vector<1x1x16xf32>,
      %get3A_835 = vector.shape_cast %get3A_834 : vector<1x1x16xf32> to vector<16xf32>
      %get3A_836 = arith.constant 1 : i32
      %get3A_837 = arith.index_cast %get3A_836 : i32 to index
      %get3A_838 = arith.index_cast %scan3A_829 : i32 to index
      %get3A_839 = arith.constant 0 : index
      %get3A_840 = tpu.vector_load %arg10[%get3A_837, %get3A_838, %get3A_839] {strides = array<i32>} : memref<2x128x128xf32, #tpu.memory_space<vmem>>, vector<1x1x16xf32>,
      %get3A_841 = vector.shape_cast %get3A_840 : vector<1x1x16xf32> to vector<16xf32>
      %sub3A_842 = arith.subf %get3A_841, %get3A_835 : vector<16xf32>
      %add3A_843 = arith.addf %get3A_835, %sub3A_842 : vector<16xf32>
      %swap3A_844 = arith.constant 1 : i32
      %swap3A_845 = arith.index_cast %swap3A_844 : i32 to index
      %swap3A_846 = arith.index_cast %scan3A_829 : i32 to index
      %swap3A_847 = arith.constant 0 : index
      %swap3A_848 = tpu.vector_load %arg12[%swap3A_845, %swap3A_846, %swap3A_847] {strides = array<i32>} : memref<2x128x128xf32, #tpu.memory_space<vmem>>, vector<1x1x16xf32>,
      %swap3A_849 = vector.shape_cast %swap3A_848 : vector<1x1x16xf32> to vector<16xf32>
      %swap3A_850 = vector.shape_cast %add3A_843 : vector<16xf32> to vector<1x1x16xf32>
      tpu.vector_store %arg12[%swap3A_845, %swap3A_846, %swap3A_847], %swap3A_850 {strides = array<i32>} : memref<2x128x128xf32, #tpu.memory_space<vmem>>, vector<1x1x16xf32>,
      %mul3A_851 = arith.mulf %sub3A_842, %sub3A_842 : vector<16xf32>
      %add3A_852 = arith.addf %scan3A_830, %mul3A_851 : vector<16xf32>
      %get3A_853 = arith.constant 1 : i32
      %get3A_854 = arith.index_cast %get3A_853 : i32 to index
      %get3A_855 = arith.index_cast %scan3A_829 : i32 to index
      %get3A_856 = arith.constant 64 : index
      %get3A_857 = tpu.vector_load %arg12[%get3A_854, %get3A_855, %get3A_856] {strides = array<i32>} : memref<2x128x128xf32, #tpu.memory_space<vmem>>, vector<1x1x16xf32>,
      %get3A_858 = vector.shape_cast %get3A_857 : vector<1x1x16xf32> to vector<16xf32>
      %get3A_859 = arith.constant 1 : i32
      %get3A_860 = arith.index_cast %get3A_859 : i32 to index
      %get3A_861 = arith.index_cast %scan3A_829 : i32 to index
      %get3A_862 = arith.constant 0 : index
      %get3A_863 = tpu.vector_load %arg11[%get3A_860, %get3A_861, %get3A_862] {strides = array<i32>} : memref<2x128x128xf32, #tpu.memory_space<vmem>>, vector<1x1x16xf32>,
      %get3A_864 = vector.shape_cast %get3A_863 : vector<1x1x16xf32> to vector<16xf32>
      %sub3A_865 = arith.subf %get3A_864, %get3A_858 : vector<16xf32>
      %add3A_866 = arith.addf %get3A_858, %sub3A_865 : vector<16xf32>
      %swap3A_867 = arith.constant 1 : i32
      %swap3A_868 = arith.index_cast %swap3A_867 : i32 to index
      %swap3A_869 = arith.index_cast %scan3A_829 : i32 to index
      %swap3A_870 = arith.constant 64 : index
      %swap3A_871 = tpu.vector_load %arg12[%swap3A_868, %swap3A_869, %swap3A_870] {strides = array<i32>} : memref<2x128x128xf32, #tpu.memory_space<vmem>>, vector<1x1x16xf32>,
      %swap3A_872 = vector.shape_cast %swap3A_871 : vector<1x1x16xf32> to vector<16xf32>
      %swap3A_873 = vector.shape_cast %add3A_866 : vector<16xf32> to vector<1x1x16xf32>
      tpu.vector_store %arg12[%swap3A_868, %swap3A_869, %swap3A_870], %swap3A_873 {strides = array<i32>} : memref<2x128x128xf32, #tpu.memory_space<vmem>>, vector<1x1x16xf32>,
      %mul3A_874 = arith.mulf %sub3A_865, %sub3A_865 : vector<16xf32>
      %add3A_875 = arith.addf %add3A_852, %mul3A_874 : vector<16xf32>
      %get3A_876 = arith.constant 1 : i32
      %get3A_877 = arith.index_cast %get3A_876 : i32 to index
      %get3A_878 = arith.index_cast %scan3A_829 : i32 to index
      %get3A_879 = arith.constant 16 : index
      %get3A_880 = tpu.vector_load %arg12[%get3A_877, %get3A_878, %get3A_879] {strides = array<i32>} : memref<2x128x128xf32, #tpu.memory_space<vmem>>, vector<1x1x16xf32>,
      %get3A_881 = vector.shape_cast %get3A_880 : vector<1x1x16xf32> to vector<16xf32>
      %get3A_882 = arith.constant 1 : i32
      %get3A_883 = arith.index_cast %get3A_882 : i32 to index
      %get3A_884 = arith.index_cast %scan3A_829 : i32 to index
      %get3A_885 = arith.constant 16 : index
      %get3A_886 = tpu.vector_load %arg10[%get3A_883, %get3A_884, %get3A_885] {strides = array<i32>} : memref<2x128x128xf32, #tpu.memory_space<vmem>>, vector<1x1x16xf32>,
      %get3A_887 = vector.shape_cast %get3A_886 : vector<1x1x16xf32> to vector<16xf32>
      %sub3A_888 = arith.subf %get3A_887, %get3A_881 : vector<16xf32>
      %add3A_889 = arith.addf %get3A_881, %sub3A_888 : vector<16xf32>
      %swap3A_890 = arith.constant 1 : i32
      %swap3A_891 = arith.index_cast %swap3A_890 : i32 to index
      %swap3A_892 = arith.index_cast %scan3A_829 : i32 to index
      %swap3A_893 = arith.constant 16 : index
      %swap3A_894 = tpu.vector_load %arg12[%swap3A_891, %swap3A_892, %swap3A_893] {strides = array<i32>} : memref<2x128x128xf32, #tpu.memory_space<vmem>>, vector<1x1x16xf32>,
      %swap3A_895 = vector.shape_cast %swap3A_894 : vector<1x1x16xf32> to vector<16xf32>
      %swap3A_896 = vector.shape_cast %add3A_889 : vector<16xf32> to vector<1x1x16xf32>
      tpu.vector_store %arg12[%swap3A_891, %swap3A_892, %swap3A_893], %swap3A_896 {strides = array<i32>} : memref<2x128x128xf32, #tpu.memory_space<vmem>>, vector<1x1x16xf32>,
      %mul3A_897 = arith.mulf %sub3A_888, %sub3A_888 : vector<16xf32>
      %add3A_898 = arith.addf %add3A_875, %mul3A_897 : vector<16xf32>
      %get3A_899 = arith.constant 1 : i32
      %get3A_900 = arith.index_cast %get3A_899 : i32 to index
      %get3A_901 = arith.index_cast %scan3A_829 : i32 to index
      %get3A_902 = arith.constant 80 : index
      %get3A_903 = tpu.vector_load %arg12[%get3A_900, %get3A_901, %get3A_902] {strides = array<i32>} : memref<2x128x128xf32, #tpu.memory_space<vmem>>, vector<1x1x16xf32>,
      %get3A_904 = vector.shape_cast %get3A_903 : vector<1x1x16xf32> to vector<16xf32>
      %get3A_905 = arith.constant 1 : i32
      %get3A_906 = arith.index_cast %get3A_905 : i32 to index
      %get3A_907 = arith.index_cast %scan3A_829 : i32 to index
      %get3A_908 = arith.constant 16 : index
      %get3A_909 = tpu.vector_load %arg11[%get3A_906, %get3A_907, %get3A_908] {strides = array<i32>} : memref<2x128x128xf32, #tpu.memory_space<vmem>>, vector<1x1x16xf32>,
      %get3A_910 = vector.shape_cast %get3A_909 : vector<1x1x16xf32> to vector<16xf32>
      %sub3A_911 = arith.subf %get3A_910, %get3A_904 : vector<16xf32>
      %add3A_912 = arith.addf %get3A_904, %sub3A_911 : vector<16xf32>
      %swap3A_913 = arith.constant 1 : i32
      %swap3A_914 = arith.index_cast %swap3A_913 : i32 to index
      %swap3A_915 = arith.index_cast %scan3A_829 : i32 to index
      %swap3A_916 = arith.constant 80 : index
      %swap3A_917 = tpu.vector_load %arg12[%swap3A_914, %swap3A_915, %swap3A_916] {strides = array<i32>} : memref<2x128x128xf32, #tpu.memory_space<vmem>>, vector<1x1x16xf32>,
      %swap3A_918 = vector.shape_cast %swap3A_917 : vector<1x1x16xf32> to vector<16xf32>
      %swap3A_919 = vector.shape_cast %add3A_912 : vector<16xf32> to vector<1x1x16xf32>
      tpu.vector_store %arg12[%swap3A_914, %swap3A_915, %swap3A_916], %swap3A_919 {strides = array<i32>} : memref<2x128x128xf32, #tpu.memory_space<vmem>>, vector<1x1x16xf32>,
      %mul3A_920 = arith.mulf %sub3A_911, %sub3A_911 : vector<16xf32>
      %add3A_921 = arith.addf %add3A_898, %mul3A_920 : vector<16xf32>
      %get3A_922 = arith.constant 1 : i32
      %get3A_923 = arith.index_cast %get3A_922 : i32 to index
      %get3A_924 = arith.index_cast %scan3A_829 : i32 to index
      %get3A_925 = arith.constant 32 : index
      %get3A_926 = tpu.vector_load %arg12[%get3A_923, %get3A_924, %get3A_925] {strides = array<i32>} : memref<2x128x128xf32, #tpu.memory_space<vmem>>, vector<1x1x16xf32>,
      %get3A_927 = vector.shape_cast %get3A_926 : vector<1x1x16xf32> to vector<16xf32>
      %get3A_928 = arith.constant 1 : i32
      %get3A_929 = arith.index_cast %get3A_928 : i32 to index
      %get3A_930 = arith.index_cast %scan3A_829 : i32 to index
      %get3A_931 = arith.constant 32 : index
      %get3A_932 = tpu.vector_load %arg10[%get3A_929, %get3A_930, %get3A_931] {strides = array<i32>} : memref<2x128x128xf32, #tpu.memory_space<vmem>>, vector<1x1x16xf32>,
      %get3A_933 = vector.shape_cast %get3A_932 : vector<1x1x16xf32> to vector<16xf32>
      %sub3A_934 = arith.subf %get3A_933, %get3A_927 : vector<16xf32>
      %add3A_935 = arith.addf %get3A_927, %sub3A_934 : vector<16xf32>
      %swap3A_936 = arith.constant 1 : i32
      %swap3A_937 = arith.index_cast %swap3A_936 : i32 to index
      %swap3A_938 = arith.index_cast %scan3A_829 : i32 to index
      %swap3A_939 = arith.constant 32 : index
      %swap3A_940 = tpu.vector_load %arg12[%swap3A_937, %swap3A_938, %swap3A_939] {strides = array<i32>} : memref<2x128x128xf32, #tpu.memory_space<vmem>>, vector<1x1x16xf32>,
      %swap3A_941 = vector.shape_cast %swap3A_940 : vector<1x1x16xf32> to vector<16xf32>
      %swap3A_942 = vector.shape_cast %add3A_935 : vector<16xf32> to vector<1x1x16xf32>
      tpu.vector_store %arg12[%swap3A_937, %swap3A_938, %swap3A_939], %swap3A_942 {strides = array<i32>} : memref<2x128x128xf32, #tpu.memory_space<vmem>>, vector<1x1x16xf32>,
      %mul3A_943 = arith.mulf %sub3A_934, %sub3A_934 : vector<16xf32>
      %add3A_944 = arith.addf %add3A_921, %mul3A_943 : vector<16xf32>
      %get3A_945 = arith.constant 1 : i32
      %get3A_946 = arith.index_cast %get3A_945 : i32 to index
      %get3A_947 = arith.index_cast %scan3A_829 : i32 to index
      %get3A_948 = arith.constant 96 : index
      %get3A_949 = tpu.vector_load %arg12[%get3A_946, %get3A_947, %get3A_948] {strides = array<i32>} : memref<2x128x128xf32, #tpu.memory_space<vmem>>, vector<1x1x16xf32>,
      %get3A_950 = vector.shape_cast %get3A_949 : vector<1x1x16xf32> to vector<16xf32>
      %get3A_951 = arith.constant 1 : i32
      %get3A_952 = arith.index_cast %get3A_951 : i32 to index
      %get3A_953 = arith.index_cast %scan3A_829 : i32 to index
      %get3A_954 = arith.constant 32 : index
      %get3A_955 = tpu.vector_load %arg11[%get3A_952, %get3A_953, %get3A_954] {strides = array<i32>} : memref<2x128x128xf32, #tpu.memory_space<vmem>>, vector<1x1x16xf32>,
      %get3A_956 = vector.shape_cast %get3A_955 : vector<1x1x16xf32> to vector<16xf32>
      %sub3A_957 = arith.subf %get3A_956, %get3A_950 : vector<16xf32>
      %add3A_958 = arith.addf %get3A_950, %sub3A_957 : vector<16xf32>
      %swap3A_959 = arith.constant 1 : i32
      %swap3A_960 = arith.index_cast %swap3A_959 : i32 to index
      %swap3A_961 = arith.index_cast %scan3A_829 : i32 to index
      %swap3A_962 = arith.constant 96 : index
      %swap3A_963 = tpu.vector_load %arg12[%swap3A_960, %swap3A_961, %swap3A_962] {strides = array<i32>} : memref<2x128x128xf32, #tpu.memory_space<vmem>>, vector<1x1x16xf32>,
      %swap3A_964 = vector.shape_cast %swap3A_963 : vector<1x1x16xf32> to vector<16xf32>
      %swap3A_965 = vector.shape_cast %add3A_958 : vector<16xf32> to vector<1x1x16xf32>
      tpu.vector_store %arg12[%swap3A_960, %swap3A_961, %swap3A_962], %swap3A_965 {strides = array<i32>} : memref<2x128x128xf32, #tpu.memory_space<vmem>>, vector<1x1x16xf32>,
      %mul3A_966 = arith.mulf %sub3A_957, %sub3A_957 : vector<16xf32>
      %add3A_967 = arith.addf %add3A_944, %mul3A_966 : vector<16xf32>
      %get3A_968 = arith.constant 1 : i32
      %get3A_969 = arith.index_cast %get3A_968 : i32 to index
      %get3A_970 = arith.index_cast %scan3A_829 : i32 to index
      %get3A_971 = arith.constant 48 : index
      %get3A_972 = tpu.vector_load %arg12[%get3A_969, %get3A_970, %get3A_971] {strides = array<i32>} : memref<2x128x128xf32, #tpu.memory_space<vmem>>, vector<1x1x16xf32>,
      %get3A_973 = vector.shape_cast %get3A_972 : vector<1x1x16xf32> to vector<16xf32>
      %get3A_974 = arith.constant 1 : i32
      %get3A_975 = arith.index_cast %get3A_974 : i32 to index
      %get3A_976 = arith.index_cast %scan3A_829 : i32 to index
      %get3A_977 = arith.constant 48 : index
      %get3A_978 = tpu.vector_load %arg10[%get3A_975, %get3A_976, %get3A_977] {strides = array<i32>} : memref<2x128x128xf32, #tpu.memory_space<vmem>>, vector<1x1x16xf32>,
      %get3A_979 = vector.shape_cast %get3A_978 : vector<1x1x16xf32> to vector<16xf32>
      %sub3A_980 = arith.subf %get3A_979, %get3A_973 : vector<16xf32>
      %add3A_981 = arith.addf %get3A_973, %sub3A_980 : vector<16xf32>
      %swap3A_982 = arith.constant 1 : i32
      %swap3A_983 = arith.index_cast %swap3A_982 : i32 to index
      %swap3A_984 = arith.index_cast %scan3A_829 : i32 to index
      %swap3A_985 = arith.constant 48 : index
      %swap3A_986 = tpu.vector_load %arg12[%swap3A_983, %swap3A_984, %swap3A_985] {strides = array<i32>} : memref<2x128x128xf32, #tpu.memory_space<vmem>>, vector<1x1x16xf32>,
      %swap3A_987 = vector.shape_cast %swap3A_986 : vector<1x1x16xf32> to vector<16xf32>
      %swap3A_988 = vector.shape_cast %add3A_981 : vector<16xf32> to vector<1x1x16xf32>
      tpu.vector_store %arg12[%swap3A_983, %swap3A_984, %swap3A_985], %swap3A_988 {strides = array<i32>} : memref<2x128x128xf32, #tpu.memory_space<vmem>>, vector<1x1x16xf32>,
      %mul3A_989 = arith.mulf %sub3A_980, %sub3A_980 : vector<16xf32>
      %add3A_990 = arith.addf %add3A_967, %mul3A_989 : vector<16xf32>
      %get3A_991 = arith.constant 1 : i32
      %get3A_992 = arith.index_cast %get3A_991 : i32 to index
      %get3A_993 = arith.index_cast %scan3A_829 : i32 to index
      %get3A_994 = arith.constant 112 : index
      %get3A_995 = tpu.vector_load %arg12[%get3A_992, %get3A_993, %get3A_994] {strides = array<i32>} : memref<2x128x128xf32, #tpu.memory_space<vmem>>, vector<1x1x16xf32>,
      %get3A_996 = vector.shape_cast %get3A_995 : vector<1x1x16xf32> to vector<16xf32>
      %get3A_997 = arith.constant 1 : i32
      %get3A_998 = arith.index_cast %get3A_997 : i32 to index
      %get3A_999 = arith.index_cast %scan3A_829 : i32 to index
      %get3A_1000 = arith.constant 48 : index
      %get3A_1001 = tpu.vector_load %arg11[%get3A_998, %get3A_999, %get3A_1000] {strides = array<i32>} : memref<2x128x128xf32, #tpu.memory_space<vmem>>, vector<1x1x16xf32>,
      %get3A_1002 = vector.shape_cast %get3A_1001 : vector<1x1x16xf32> to vector<16xf32>
      %sub3A_1003 = arith.subf %get3A_1002, %get3A_996 : vector<16xf32>
      %add3A_1004 = arith.addf %get3A_996, %sub3A_1003 : vector<16xf32>
      %swap3A_1005 = arith.constant 1 : i32
      %swap3A_1006 = arith.index_cast %swap3A_1005 : i32 to index
      %swap3A_1007 = arith.index_cast %scan3A_829 : i32 to index
      %swap3A_1008 = arith.constant 112 : index
      %swap3A_1009 = tpu.vector_load %arg12[%swap3A_1006, %swap3A_1007, %swap3A_1008] {strides = array<i32>} : memref<2x128x128xf32, #tpu.memory_space<vmem>>, vector<1x1x16xf32>,
      %swap3A_1010 = vector.shape_cast %swap3A_1009 : vector<1x1x16xf32> to vector<16xf32>
      %swap3A_1011 = vector.shape_cast %add3A_1004 : vector<16xf32> to vector<1x1x16xf32>
      tpu.vector_store %arg12[%swap3A_1006, %swap3A_1007, %swap3A_1008], %swap3A_1011 {strides = array<i32>} : memref<2x128x128xf32, #tpu.memory_space<vmem>>, vector<1x1x16xf32>,
      %mul3A_1012 = arith.mulf %sub3A_1003, %sub3A_1003 : vector<16xf32>
      %add3A_1013 = arith.addf %add3A_990, %mul3A_1012 : vector<16xf32>
      scf.yield %add3A_1013 : vector<16xf32>
    }
    %scan3A_558 = arith.constant 128 : i32
    %add3A_559 = arith.constant 128 : i32
    %add3A_560 = arith.addi %mul3A_2, %add3A_559 : i32
    %run_scoped3A_561 = arith.constant 1 : i32
    "tpu.region"() ({
      %run_scoped3A_829 = tpu.sem_alloc : memref<!tpu.dma_semaphore, #tpu.memory_space<semaphore_mem>>
      %dma_start3A_830 = arith.constant 0 : i32
      %dma_start3A_831 = arith.constant 0 : i32
      %dma_start3A_832 = tpu.memref_slice %arg12[%run_scoped3A_561, %dma_start3A_830, %dma_start3A_831] : memref<2x128x128xf32, #tpu.memory_space<vmem>> -> memref<1x128x128xf32, #tpu.memory_space<vmem>>
      %dma_start3A_833 = tpu.memref_squeeze %dma_start3A_832 : memref<1x128x128xf32, #tpu.memory_space<vmem>> -> memref<128x128xf32, #tpu.memory_space<vmem>>
      %dma_start3A_834 = arith.constant 0 : i32
      %dma_start3A_835 = tpu.memref_slice %arg6[%add3A_560, %dma_start3A_834] : memref<16384x128xf32, #tpu.memory_space<hbm>> -> memref<128x128xf32, #tpu.memory_space<hbm>>
      %dma_start3A_836 = arith.constant 0 : i32
      %dma_start3A_837 = tpu.memref_slice %arg6[%add3A_560, %dma_start3A_836] : memref<16384x128xf32, #tpu.memory_space<hbm>> -> memref<128x128xf32, #tpu.memory_space<hbm>>
      %dma_start3A_838 = arith.constant 0 : i32
      %dma_start3A_839 = arith.constant 0 : i32
      %dma_start3A_840 = tpu.memref_slice %arg12[%run_scoped3A_561, %dma_start3A_838, %dma_start3A_839] : memref<2x128x128xf32, #tpu.memory_space<vmem>> -> memref<1x128x128xf32, #tpu.memory_space<vmem>>
      %dma_start3A_841 = tpu.memref_squeeze %dma_start3A_840 : memref<1x128x128xf32, #tpu.memory_space<vmem>> -> memref<128x128xf32, #tpu.memory_space<vmem>>
      tpu.enqueue_dma source(%dma_start3A_841 : memref<128x128xf32, #tpu.memory_space<vmem>>) target(%dma_start3A_837 : memref<128x128xf32, #tpu.memory_space<hbm>>) target_semaphore(%run_scoped3A_829 : memref<!tpu.dma_semaphore, #tpu.memory_space<semaphore_mem>>)
      %dma_wait3A_842 = arith.constant 0 : i32
      %dma_wait3A_843 = arith.constant 0 : i32
      %dma_wait3A_844 = tpu.memref_slice %arg12[%run_scoped3A_561, %dma_wait3A_842, %dma_wait3A_843] : memref<2x128x128xf32, #tpu.memory_space<vmem>> -> memref<1x128x128xf32, #tpu.memory_space<vmem>>
      %dma_wait3A_845 = tpu.memref_squeeze %dma_wait3A_844 : memref<1x128x128xf32, #tpu.memory_space<vmem>> -> memref<128x128xf32, #tpu.memory_space<vmem>>
      %dma_wait3A_846 = arith.constant 0 : i32
      %dma_wait3A_847 = tpu.memref_slice %arg6[%add3A_560, %dma_wait3A_846] : memref<16384x128xf32, #tpu.memory_space<hbm>> -> memref<128x128xf32, #tpu.memory_space<hbm>>
      %dma_wait3A_848 = arith.constant 0 : i32
      %dma_wait3A_849 = tpu.memref_slice %arg6[%add3A_560, %dma_wait3A_848] : memref<16384x128xf32, #tpu.memory_space<hbm>> -> memref<128x128xf32, #tpu.memory_space<hbm>>
      %dma_wait3A_850 = arith.constant 0 : i32
      %dma_wait3A_851 = arith.constant 0 : i32
      %dma_wait3A_852 = tpu.memref_slice %arg12[%run_scoped3A_561, %dma_wait3A_850, %dma_wait3A_851] : memref<2x128x128xf32, #tpu.memory_space<vmem>> -> memref<1x128x128xf32, #tpu.memory_space<vmem>>
      %dma_wait3A_853 = tpu.memref_squeeze %dma_wait3A_852 : memref<1x128x128xf32, #tpu.memory_space<vmem>> -> memref<128x128xf32, #tpu.memory_space<vmem>>
      tpu.wait_dma2 semaphore(%run_scoped3A_829 : memref<!tpu.dma_semaphore, #tpu.memory_space<semaphore_mem>>) src(%dma_wait3A_853 : memref<128x128xf32, #tpu.memory_space<vmem>>) dst(%dma_wait3A_849 : memref<128x128xf32, #tpu.memory_space<hbm>>)
      tpu.yield
    }) : () -> ()
    %dma_wait3A_562 = arith.constant 0 : i32
    %dma_wait3A_563 = arith.constant 0 : i32
    %dma_wait3A_564 = arith.constant 0 : i32
    %dma_wait3A_565 = arith.constant 0 : i32
    %dma_wait3A_566 = arith.constant 0 : i32
    %dma_wait3A_567 = tpu.memref_slice %arg10[%dma_wait3A_563, %dma_wait3A_565, %dma_wait3A_566] : memref<2x128x128xf32, #tpu.memory_space<vmem>> -> memref<1x128x128xf32, #tpu.memory_space<vmem>>
    %dma_wait3A_568 = tpu.memref_squeeze %dma_wait3A_567 : memref<1x128x128xf32, #tpu.memory_space<vmem>> -> memref<128x128xf32, #tpu.memory_space<vmem>>
    %dma_wait3A_569 = arith.constant 0 : i32
    %dma_wait3A_570 = tpu.memref_slice %arg8[%dma_wait3A_562, %dma_wait3A_569] : memref<2x128xi32, #tpu.memory_space<vmem>> -> memref<1x128xi32, #tpu.memory_space<vmem>>
    %dma_wait3A_571 = tpu.memref_squeeze %dma_wait3A_570 : memref<1x128xi32, #tpu.memory_space<vmem>> -> memref<128xi32, #tpu.memory_space<vmem>>
    %dma_wait3A_572 = arith.constant 0 : i32
    %dma_wait3A_573 = arith.constant 0 : i32
    %dma_wait3A_574 = tpu.memref_slice %arg5[%dma_wait3A_572, %dma_wait3A_573] : memref<512x128xf32, #tpu.memory_space<hbm>> -> memref<512x128xf32, #tpu.memory_space<hbm>>
    %dma_wait3A_575 = tpu.memref_slice %arg14[%dma_wait3A_564] : memref<2x!tpu.dma_semaphore, #tpu.memory_space<semaphore_mem>> -> memref<1x!tpu.dma_semaphore, #tpu.memory_space<semaphore_mem>>
    %dma_wait3A_576 = tpu.memref_squeeze %dma_wait3A_575 : memref<1x!tpu.dma_semaphore, #tpu.memory_space<semaphore_mem>> -> memref<!tpu.dma_semaphore, #tpu.memory_space<semaphore_mem>>
    tpu.wait_indirect_dma semaphore(%dma_wait3A_576 : memref<!tpu.dma_semaphore, #tpu.memory_space<semaphore_mem>>) src(%dma_wait3A_574 : memref<512x128xf32, #tpu.memory_space<hbm>>) dst(%dma_wait3A_568 : memref<128x128xf32, #tpu.memory_space<vmem>>)
    %dma_wait3A_577 = arith.constant 0 : i32
    %dma_wait3A_578 = arith.constant 0 : i32
    %dma_wait3A_579 = arith.constant 0 : i32
    %dma_wait3A_580 = arith.constant 0 : i32
    %dma_wait3A_581 = arith.constant 0 : i32
    %dma_wait3A_582 = tpu.memref_slice %arg11[%dma_wait3A_578, %dma_wait3A_580, %dma_wait3A_581] : memref<2x128x128xf32, #tpu.memory_space<vmem>> -> memref<1x128x128xf32, #tpu.memory_space<vmem>>
    %dma_wait3A_583 = tpu.memref_squeeze %dma_wait3A_582 : memref<1x128x128xf32, #tpu.memory_space<vmem>> -> memref<128x128xf32, #tpu.memory_space<vmem>>
    %dma_wait3A_584 = arith.constant 0 : i32
    %dma_wait3A_585 = tpu.memref_slice %arg9[%dma_wait3A_577, %dma_wait3A_584] : memref<2x128xi32, #tpu.memory_space<vmem>> -> memref<1x128xi32, #tpu.memory_space<vmem>>
    %dma_wait3A_586 = tpu.memref_squeeze %dma_wait3A_585 : memref<1x128xi32, #tpu.memory_space<vmem>> -> memref<128xi32, #tpu.memory_space<vmem>>
    %dma_wait3A_587 = arith.constant 0 : i32
    %dma_wait3A_588 = arith.constant 0 : i32
    %dma_wait3A_589 = tpu.memref_slice %arg5[%dma_wait3A_587, %dma_wait3A_588] : memref<512x128xf32, #tpu.memory_space<hbm>> -> memref<512x128xf32, #tpu.memory_space<hbm>>
    %dma_wait3A_590 = tpu.memref_slice %arg14[%dma_wait3A_579] : memref<2x!tpu.dma_semaphore, #tpu.memory_space<semaphore_mem>> -> memref<1x!tpu.dma_semaphore, #tpu.memory_space<semaphore_mem>>
    %dma_wait3A_591 = tpu.memref_squeeze %dma_wait3A_590 : memref<1x!tpu.dma_semaphore, #tpu.memory_space<semaphore_mem>> -> memref<!tpu.dma_semaphore, #tpu.memory_space<semaphore_mem>>
    tpu.wait_indirect_dma semaphore(%dma_wait3A_591 : memref<!tpu.dma_semaphore, #tpu.memory_space<semaphore_mem>>) src(%dma_wait3A_589 : memref<512x128xf32, #tpu.memory_space<hbm>>) dst(%dma_wait3A_583 : memref<128x128xf32, #tpu.memory_space<vmem>>)
    %dma_wait3A_592 = arith.constant 0 : i32
    %dma_wait3A_593 = arith.constant 0 : i32
    %dma_wait3A_594 = arith.constant 0 : i32
    %dma_wait3A_595 = arith.constant 0 : i32
    %dma_wait3A_596 = tpu.memref_slice %arg12[%dma_wait3A_592, %dma_wait3A_594, %dma_wait3A_595] : memref<2x128x128xf32, #tpu.memory_space<vmem>> -> memref<1x128x128xf32, #tpu.memory_space<vmem>>
    %dma_wait3A_597 = tpu.memref_squeeze %dma_wait3A_596 : memref<1x128x128xf32, #tpu.memory_space<vmem>> -> memref<128x128xf32, #tpu.memory_space<vmem>>
    %dma_wait3A_598 = arith.constant 0 : i32
    %dma_wait3A_599 = tpu.memref_slice %arg4[%add3A_400, %dma_wait3A_598] : memref<16384x128xf32, #tpu.memory_space<hbm>> -> memref<128x128xf32, #tpu.memory_space<hbm>>
    %dma_wait3A_600 = tpu.memref_slice %arg14[%dma_wait3A_593] : memref<2x!tpu.dma_semaphore, #tpu.memory_space<semaphore_mem>> -> memref<1x!tpu.dma_semaphore, #tpu.memory_space<semaphore_mem>>
    %dma_wait3A_601 = tpu.memref_squeeze %dma_wait3A_600 : memref<1x!tpu.dma_semaphore, #tpu.memory_space<semaphore_mem>> -> memref<!tpu.dma_semaphore, #tpu.memory_space<semaphore_mem>>
    %dma_wait3A_602 = arith.constant 0 : i32
    %dma_wait3A_603 = arith.constant 0 : i32
    %dma_wait3A_604 = tpu.memref_slice %arg12[%dma_wait3A_592, %dma_wait3A_602, %dma_wait3A_603] : memref<2x128x128xf32, #tpu.memory_space<vmem>> -> memref<1x128x128xf32, #tpu.memory_space<vmem>>
    %dma_wait3A_605 = tpu.memref_squeeze %dma_wait3A_604 : memref<1x128x128xf32, #tpu.memory_space<vmem>> -> memref<128x128xf32, #tpu.memory_space<vmem>>
    %dma_wait3A_606 = arith.constant 0 : i32
    %dma_wait3A_607 = tpu.memref_slice %arg4[%add3A_400, %dma_wait3A_606] : memref<16384x128xf32, #tpu.memory_space<hbm>> -> memref<128x128xf32, #tpu.memory_space<hbm>>
    tpu.wait_dma2 semaphore(%dma_wait3A_601 : memref<!tpu.dma_semaphore, #tpu.memory_space<semaphore_mem>>) src(%dma_wait3A_607 : memref<128x128xf32, #tpu.memory_space<hbm>>) dst(%dma_wait3A_605 : memref<128x128xf32, #tpu.memory_space<vmem>>)
    %add3A_608 = arith.constant 384 : i32
    %add3A_609 = arith.addi %mul3A_2, %add3A_608 : i32
    %jit3A_610 = arith.constant 128 : i32
    %div3A_611 = arith.divsi %add3A_609, %jit3A_610 : i32
    %sign3A_612 = arith.constant 0 : i32
    %sign3A_613 = arith.cmpi sgt, %add3A_609, %sign3A_612 : i32
    %sign3A_614 = arith.extui %sign3A_613 : i1 to i32
    %sign3A_615 = arith.constant 0 : i32
    %sign3A_616 = arith.cmpi slt, %add3A_609, %sign3A_615 : i32
    %sign3A_617 = arith.extui %sign3A_616 : i1 to i32
    %sign3A_618 = arith.subi %sign3A_614, %sign3A_617 : i32
    %sign3A_619 = arith.constant 0 : i32
    %sign3A_620 = arith.cmpi sgt, %jit3A_610, %sign3A_619 : i32
    %sign3A_621 = arith.extui %sign3A_620 : i1 to i32
    %sign3A_622 = arith.constant 0 : i32
    %sign3A_623 = arith.cmpi slt, %jit3A_610, %sign3A_622 : i32
    %sign3A_624 = arith.extui %sign3A_623 : i1 to i32
    %sign3A_625 = arith.subi %sign3A_621, %sign3A_624 : i32
    %ne3A_626 = arith.cmpi ne, %sign3A_618, %sign3A_625 : i32
    %rem3A_627 = arith.remsi %add3A_609, %jit3A_610 : i32
    %ne3A_628 = arith.constant 0 : i32
    %ne3A_629 = arith.cmpi ne, %rem3A_627, %ne3A_628 : i32
    %and3A_630 = arith.andi %ne3A_626, %ne3A_629 : i1
    %sub3A_631 = arith.constant 1 : i32
    %sub3A_632 = arith.subi %div3A_611, %sub3A_631 : i32
    %select_n3A_633 = arith.select %and3A_630, %sub3A_632, %div3A_611 : i32
    %jit3A_634 = arith.constant 8 : i32
    %div3A_635 = arith.divsi %select_n3A_633, %jit3A_634 : i32
    %sign3A_636 = arith.constant 0 : i32
    %sign3A_637 = arith.cmpi sgt, %select_n3A_633, %sign3A_636 : i32
    %sign3A_638 = arith.extui %sign3A_637 : i1 to i32
    %sign3A_639 = arith.constant 0 : i32
    %sign3A_640 = arith.cmpi slt, %select_n3A_633, %sign3A_639 : i32
    %sign3A_641 = arith.extui %sign3A_640 : i1 to i32
    %sign3A_642 = arith.subi %sign3A_638, %sign3A_641 : i32
    %sign3A_643 = arith.constant 0 : i32
    %sign3A_644 = arith.cmpi sgt, %jit3A_634, %sign3A_643 : i32
    %sign3A_645 = arith.extui %sign3A_644 : i1 to i32
    %sign3A_646 = arith.constant 0 : i32
    %sign3A_647 = arith.cmpi slt, %jit3A_634, %sign3A_646 : i32
    %sign3A_648 = arith.extui %sign3A_647 : i1 to i32
    %sign3A_649 = arith.subi %sign3A_645, %sign3A_648 : i32
    %ne3A_650 = arith.cmpi ne, %sign3A_642, %sign3A_649 : i32
    %rem3A_651 = arith.remsi %select_n3A_633, %jit3A_634 : i32
    %ne3A_652 = arith.constant 0 : i32
    %ne3A_653 = arith.cmpi ne, %rem3A_651, %ne3A_652 : i32
    %and3A_654 = arith.andi %ne3A_650, %ne3A_653 : i1
    %sub3A_655 = arith.constant 1 : i32
    %sub3A_656 = arith.subi %div3A_635, %sub3A_655 : i32
    %select_n3A_657 = arith.select %and3A_654, %sub3A_656, %div3A_635 : i32
    %jit3A_658 = arith.constant 8 : i32
    %eq3A_659 = arith.constant 0 : i32
    %eq3A_660 = arith.cmpi eq, %jit3A_658, %eq3A_659 : i32
    %jit3A_661 = arith.constant 1 : i32
    %select_n3A_662 = arith.select %eq3A_660, %jit3A_661, %jit3A_658 : i32
    %rem3A_663 = arith.remsi %select_n3A_633, %select_n3A_662 : i32
    %ne3A_664 = arith.constant 0 : i32
    %ne3A_665 = arith.cmpi ne, %rem3A_663, %ne3A_664 : i32
    %lt3A_666 = arith.constant 0 : i32
    %lt3A_667 = arith.cmpi slt, %rem3A_663, %lt3A_666 : i32
    %lt3A_668 = arith.constant 0 : i32
    %lt3A_669 = arith.cmpi slt, %select_n3A_662, %lt3A_668 : i32
    %ne3A_670 = arith.xori %lt3A_667, %lt3A_669 : i1
    %and3A_671 = arith.andi %ne3A_670, %ne3A_665 : i1
    %add3A_672 = arith.addi %rem3A_663, %select_n3A_662 : i32
    %select_n3A_673 = arith.select %and3A_671, %add3A_672, %rem3A_663 : i32
    %run_scoped3A_674 = arith.constant 1 : i32
    "tpu.region"() ({
      %run_scoped3A_829 = tpu.sem_alloc : memref<!tpu.dma_semaphore, #tpu.memory_space<semaphore_mem>>
      %dma_start3A_830 = arith.constant 0 : i32
      %dma_start3A_831 = tpu.memref_slice %arg8[%run_scoped3A_674, %dma_start3A_830] : memref<2x128xi32, #tpu.memory_space<vmem>> -> memref<1x128xi32, #tpu.memory_space<vmem>>
      %dma_start3A_832 = tpu.memref_squeeze %dma_start3A_831 : memref<1x128xi32, #tpu.memory_space<vmem>> -> memref<128xi32, #tpu.memory_space<vmem>>
      %dma_start3A_833 = arith.constant 0 : i32
      %dma_start3A_834 = tpu.memref_slice %arg2[%select_n3A_657, %select_n3A_673, %dma_start3A_833] : memref<16x8x128xi32, #tpu.memory_space<hbm>> -> memref<1x1x128xi32, #tpu.memory_space<hbm>>
      %dma_start3A_835 = tpu.memref_squeeze %dma_start3A_834 : memref<1x1x128xi32, #tpu.memory_space<hbm>> -> memref<128xi32, #tpu.memory_space<hbm>>
      %dma_start3A_836 = arith.constant 0 : i32
      %dma_start3A_837 = tpu.memref_slice %arg8[%run_scoped3A_674, %dma_start3A_836] : memref<2x128xi32, #tpu.memory_space<vmem>> -> memref<1x128xi32, #tpu.memory_space<vmem>>
      %dma_start3A_838 = tpu.memref_squeeze %dma_start3A_837 : memref<1x128xi32, #tpu.memory_space<vmem>> -> memref<128xi32, #tpu.memory_space<vmem>>
      %dma_start3A_839 = arith.constant 0 : i32
      %dma_start3A_840 = tpu.memref_slice %arg2[%select_n3A_657, %select_n3A_673, %dma_start3A_839] : memref<16x8x128xi32, #tpu.memory_space<hbm>> -> memref<1x1x128xi32, #tpu.memory_space<hbm>>
      %dma_start3A_841 = tpu.memref_squeeze %dma_start3A_840 : memref<1x1x128xi32, #tpu.memory_space<hbm>> -> memref<128xi32, #tpu.memory_space<hbm>>
      tpu.enqueue_dma source(%dma_start3A_841 : memref<128xi32, #tpu.memory_space<hbm>>) target(%dma_start3A_838 : memref<128xi32, #tpu.memory_space<vmem>>) target_semaphore(%run_scoped3A_829 : memref<!tpu.dma_semaphore, #tpu.memory_space<semaphore_mem>>)
      %dma_wait3A_842 = arith.constant 0 : i32
      %dma_wait3A_843 = tpu.memref_slice %arg8[%run_scoped3A_674, %dma_wait3A_842] : memref<2x128xi32, #tpu.memory_space<vmem>> -> memref<1x128xi32, #tpu.memory_space<vmem>>
      %dma_wait3A_844 = tpu.memref_squeeze %dma_wait3A_843 : memref<1x128xi32, #tpu.memory_space<vmem>> -> memref<128xi32, #tpu.memory_space<vmem>>
      %dma_wait3A_845 = arith.constant 0 : i32
      %dma_wait3A_846 = tpu.memref_slice %arg2[%select_n3A_657, %select_n3A_673, %dma_wait3A_845] : memref<16x8x128xi32, #tpu.memory_space<hbm>> -> memref<1x1x128xi32, #tpu.memory_space<hbm>>
      %dma_wait3A_847 = tpu.memref_squeeze %dma_wait3A_846 : memref<1x1x128xi32, #tpu.memory_space<hbm>> -> memref<128xi32, #tpu.memory_space<hbm>>
      %dma_wait3A_848 = arith.constant 0 : i32
      %dma_wait3A_849 = tpu.memref_slice %arg8[%run_scoped3A_674, %dma_wait3A_848] : memref<2x128xi32, #tpu.memory_space<vmem>> -> memref<1x128xi32, #tpu.memory_space<vmem>>
      %dma_wait3A_850 = tpu.memref_squeeze %dma_wait3A_849 : memref<1x128xi32, #tpu.memory_space<vmem>> -> memref<128xi32, #tpu.memory_space<vmem>>
      %dma_wait3A_851 = arith.constant 0 : i32
      %dma_wait3A_852 = tpu.memref_slice %arg2[%select_n3A_657, %select_n3A_673, %dma_wait3A_851] : memref<16x8x128xi32, #tpu.memory_space<hbm>> -> memref<1x1x128xi32, #tpu.memory_space<hbm>>
      %dma_wait3A_853 = tpu.memref_squeeze %dma_wait3A_852 : memref<1x1x128xi32, #tpu.memory_space<hbm>> -> memref<128xi32, #tpu.memory_space<hbm>>
      tpu.wait_dma2 semaphore(%run_scoped3A_829 : memref<!tpu.dma_semaphore, #tpu.memory_space<semaphore_mem>>) src(%dma_wait3A_853 : memref<128xi32, #tpu.memory_space<hbm>>) dst(%dma_wait3A_850 : memref<128xi32, #tpu.memory_space<vmem>>)
      tpu.yield
    }) : () -> ()
    %jit3A_675 = arith.constant 8 : i32
    %div3A_676 = arith.divsi %select_n3A_633, %jit3A_675 : i32
    %sign3A_677 = arith.constant 0 : i32
    %sign3A_678 = arith.cmpi sgt, %select_n3A_633, %sign3A_677 : i32
    %sign3A_679 = arith.extui %sign3A_678 : i1 to i32
    %sign3A_680 = arith.constant 0 : i32
    %sign3A_681 = arith.cmpi slt, %select_n3A_633, %sign3A_680 : i32
    %sign3A_682 = arith.extui %sign3A_681 : i1 to i32
    %sign3A_683 = arith.subi %sign3A_679, %sign3A_682 : i32
    %sign3A_684 = arith.constant 0 : i32
    %sign3A_685 = arith.cmpi sgt, %jit3A_675, %sign3A_684 : i32
    %sign3A_686 = arith.extui %sign3A_685 : i1 to i32
    %sign3A_687 = arith.constant 0 : i32
    %sign3A_688 = arith.cmpi slt, %jit3A_675, %sign3A_687 : i32
    %sign3A_689 = arith.extui %sign3A_688 : i1 to i32
    %sign3A_690 = arith.subi %sign3A_686, %sign3A_689 : i32
    %ne3A_691 = arith.cmpi ne, %sign3A_683, %sign3A_690 : i32
    %rem3A_692 = arith.remsi %select_n3A_633, %jit3A_675 : i32
    %ne3A_693 = arith.constant 0 : i32
    %ne3A_694 = arith.cmpi ne, %rem3A_692, %ne3A_693 : i32
    %and3A_695 = arith.andi %ne3A_691, %ne3A_694 : i1
    %sub3A_696 = arith.constant 1 : i32
    %sub3A_697 = arith.subi %div3A_676, %sub3A_696 : i32
    %select_n3A_698 = arith.select %and3A_695, %sub3A_697, %div3A_676 : i32
    %jit3A_699 = arith.constant 8 : i32
    %eq3A_700 = arith.constant 0 : i32
    %eq3A_701 = arith.cmpi eq, %jit3A_699, %eq3A_700 : i32
    %jit3A_702 = arith.constant 1 : i32
    %select_n3A_703 = arith.select %eq3A_701, %jit3A_702, %jit3A_699 : i32
    %rem3A_704 = arith.remsi %select_n3A_633, %select_n3A_703 : i32
    %ne3A_705 = arith.constant 0 : i32
    %ne3A_706 = arith.cmpi ne, %rem3A_704, %ne3A_705 : i32
    %lt3A_707 = arith.constant 0 : i32
    %lt3A_708 = arith.cmpi slt, %rem3A_704, %lt3A_707 : i32
    %lt3A_709 = arith.constant 0 : i32
    %lt3A_710 = arith.cmpi slt, %select_n3A_703, %lt3A_709 : i32
    %ne3A_711 = arith.xori %lt3A_708, %lt3A_710 : i1
    %and3A_712 = arith.andi %ne3A_711, %ne3A_706 : i1
    %add3A_713 = arith.addi %rem3A_704, %select_n3A_703 : i32
    %select_n3A_714 = arith.select %and3A_712, %add3A_713, %rem3A_704 : i32
    %run_scoped3A_715 = arith.constant 1 : i32
    "tpu.region"() ({
      %run_scoped3A_829 = tpu.sem_alloc : memref<!tpu.dma_semaphore, #tpu.memory_space<semaphore_mem>>
      %dma_start3A_830 = arith.constant 0 : i32
      %dma_start3A_831 = tpu.memref_slice %arg9[%run_scoped3A_715, %dma_start3A_830] : memref<2x128xi32, #tpu.memory_space<vmem>> -> memref<1x128xi32, #tpu.memory_space<vmem>>
      %dma_start3A_832 = tpu.memref_squeeze %dma_start3A_831 : memref<1x128xi32, #tpu.memory_space<vmem>> -> memref<128xi32, #tpu.memory_space<vmem>>
      %dma_start3A_833 = arith.constant 0 : i32
      %dma_start3A_834 = tpu.memref_slice %arg3[%select_n3A_698, %select_n3A_714, %dma_start3A_833] : memref<16x8x128xi32, #tpu.memory_space<hbm>> -> memref<1x1x128xi32, #tpu.memory_space<hbm>>
      %dma_start3A_835 = tpu.memref_squeeze %dma_start3A_834 : memref<1x1x128xi32, #tpu.memory_space<hbm>> -> memref<128xi32, #tpu.memory_space<hbm>>
      %dma_start3A_836 = arith.constant 0 : i32
      %dma_start3A_837 = tpu.memref_slice %arg9[%run_scoped3A_715, %dma_start3A_836] : memref<2x128xi32, #tpu.memory_space<vmem>> -> memref<1x128xi32, #tpu.memory_space<vmem>>
      %dma_start3A_838 = tpu.memref_squeeze %dma_start3A_837 : memref<1x128xi32, #tpu.memory_space<vmem>> -> memref<128xi32, #tpu.memory_space<vmem>>
      %dma_start3A_839 = arith.constant 0 : i32
      %dma_start3A_840 = tpu.memref_slice %arg3[%select_n3A_698, %select_n3A_714, %dma_start3A_839] : memref<16x8x128xi32, #tpu.memory_space<hbm>> -> memref<1x1x128xi32, #tpu.memory_space<hbm>>
      %dma_start3A_841 = tpu.memref_squeeze %dma_start3A_840 : memref<1x1x128xi32, #tpu.memory_space<hbm>> -> memref<128xi32, #tpu.memory_space<hbm>>
      tpu.enqueue_dma source(%dma_start3A_841 : memref<128xi32, #tpu.memory_space<hbm>>) target(%dma_start3A_838 : memref<128xi32, #tpu.memory_space<vmem>>) target_semaphore(%run_scoped3A_829 : memref<!tpu.dma_semaphore, #tpu.memory_space<semaphore_mem>>)
      %dma_wait3A_842 = arith.constant 0 : i32
      %dma_wait3A_843 = tpu.memref_slice %arg9[%run_scoped3A_715, %dma_wait3A_842] : memref<2x128xi32, #tpu.memory_space<vmem>> -> memref<1x128xi32, #tpu.memory_space<vmem>>
      %dma_wait3A_844 = tpu.memref_squeeze %dma_wait3A_843 : memref<1x128xi32, #tpu.memory_space<vmem>> -> memref<128xi32, #tpu.memory_space<vmem>>
      %dma_wait3A_845 = arith.constant 0 : i32
      %dma_wait3A_846 = tpu.memref_slice %arg3[%select_n3A_698, %select_n3A_714, %dma_wait3A_845] : memref<16x8x128xi32, #tpu.memory_space<hbm>> -> memref<1x1x128xi32, #tpu.memory_space<hbm>>
      %dma_wait3A_847 = tpu.memref_squeeze %dma_wait3A_846 : memref<1x1x128xi32, #tpu.memory_space<hbm>> -> memref<128xi32, #tpu.memory_space<hbm>>
      %dma_wait3A_848 = arith.constant 0 : i32
      %dma_wait3A_849 = tpu.memref_slice %arg9[%run_scoped3A_715, %dma_wait3A_848] : memref<2x128xi32, #tpu.memory_space<vmem>> -> memref<1x128xi32, #tpu.memory_space<vmem>>
      %dma_wait3A_850 = tpu.memref_squeeze %dma_wait3A_849 : memref<1x128xi32, #tpu.memory_space<vmem>> -> memref<128xi32, #tpu.memory_space<vmem>>
      %dma_wait3A_851 = arith.constant 0 : i32
      %dma_wait3A_852 = tpu.memref_slice %arg3[%select_n3A_698, %select_n3A_714, %dma_wait3A_851] : memref<16x8x128xi32, #tpu.memory_space<hbm>> -> memref<1x1x128xi32, #tpu.memory_space<hbm>>
      %dma_wait3A_853 = tpu.memref_squeeze %dma_wait3A_852 : memref<1x1x128xi32, #tpu.memory_space<hbm>> -> memref<128xi32, #tpu.memory_space<hbm>>
      tpu.wait_dma2 semaphore(%run_scoped3A_829 : memref<!tpu.dma_semaphore, #tpu.memory_space<semaphore_mem>>) src(%dma_wait3A_853 : memref<128xi32, #tpu.memory_space<hbm>>) dst(%dma_wait3A_850 : memref<128xi32, #tpu.memory_space<vmem>>)
      tpu.yield
    }) : () -> ()
    %dma_start3A_716 = arith.constant 1 : i32
    %dma_start3A_717 = arith.constant 1 : i32
    %dma_start3A_718 = arith.constant 1 : i32
    %dma_start3A_719 = arith.constant 0 : i32
    %dma_start3A_720 = arith.constant 0 : i32
    %dma_start3A_721 = tpu.memref_slice %arg10[%dma_start3A_717, %dma_start3A_719, %dma_start3A_720] : memref<2x128x128xf32, #tpu.memory_space<vmem>> -> memref<1x128x128xf32, #tpu.memory_space<vmem>>
    %dma_start3A_722 = tpu.memref_squeeze %dma_start3A_721 : memref<1x128x128xf32, #tpu.memory_space<vmem>> -> memref<128x128xf32, #tpu.memory_space<vmem>>
    %dma_start3A_723 = arith.constant 0 : i32
    %dma_start3A_724 = tpu.memref_slice %arg8[%dma_start3A_716, %dma_start3A_723] : memref<2x128xi32, #tpu.memory_space<vmem>> -> memref<1x128xi32, #tpu.memory_space<vmem>>
    %dma_start3A_725 = tpu.memref_squeeze %dma_start3A_724 : memref<1x128xi32, #tpu.memory_space<vmem>> -> memref<128xi32, #tpu.memory_space<vmem>>
    %dma_start3A_726 = arith.constant 0 : i32
    %dma_start3A_727 = arith.constant 0 : i32
    %dma_start3A_728 = tpu.memref_slice %arg5[%dma_start3A_726, %dma_start3A_727] : memref<512x128xf32, #tpu.memory_space<hbm>> -> memref<512x128xf32, #tpu.memory_space<hbm>>
    %dma_start3A_729 = tpu.memref_slice %arg14[%dma_start3A_718] : memref<2x!tpu.dma_semaphore, #tpu.memory_space<semaphore_mem>> -> memref<1x!tpu.dma_semaphore, #tpu.memory_space<semaphore_mem>>
    %dma_start3A_730 = tpu.memref_squeeze %dma_start3A_729 : memref<1x!tpu.dma_semaphore, #tpu.memory_space<semaphore_mem>> -> memref<!tpu.dma_semaphore, #tpu.memory_space<semaphore_mem>>
    tpu.enqueue_indirect_dma source(%dma_start3A_728 : memref<512x128xf32, #tpu.memory_space<hbm>>) target(%dma_start3A_722 : memref<128x128xf32, #tpu.memory_space<vmem>>) offsets(%dma_start3A_725 : memref<128xi32, #tpu.memory_space<vmem>>) semaphore(%dma_start3A_730 : memref<!tpu.dma_semaphore, #tpu.memory_space<semaphore_mem>>)
    %dma_start3A_731 = arith.constant 1 : i32
    %dma_start3A_732 = arith.constant 1 : i32
    %dma_start3A_733 = arith.constant 1 : i32
    %dma_start3A_734 = arith.constant 0 : i32
    %dma_start3A_735 = arith.constant 0 : i32
    %dma_start3A_736 = tpu.memref_slice %arg11[%dma_start3A_732, %dma_start3A_734, %dma_start3A_735] : memref<2x128x128xf32, #tpu.memory_space<vmem>> -> memref<1x128x128xf32, #tpu.memory_space<vmem>>
    %dma_start3A_737 = tpu.memref_squeeze %dma_start3A_736 : memref<1x128x128xf32, #tpu.memory_space<vmem>> -> memref<128x128xf32, #tpu.memory_space<vmem>>
    %dma_start3A_738 = arith.constant 0 : i32
    %dma_start3A_739 = tpu.memref_slice %arg9[%dma_start3A_731, %dma_start3A_738] : memref<2x128xi32, #tpu.memory_space<vmem>> -> memref<1x128xi32, #tpu.memory_space<vmem>>
    %dma_start3A_740 = tpu.memref_squeeze %dma_start3A_739 : memref<1x128xi32, #tpu.memory_space<vmem>> -> memref<128xi32, #tpu.memory_space<vmem>>
    %dma_start3A_741 = arith.constant 0 : i32
    %dma_start3A_742 = arith.constant 0 : i32
    %dma_start3A_743 = tpu.memref_slice %arg5[%dma_start3A_741, %dma_start3A_742] : memref<512x128xf32, #tpu.memory_space<hbm>> -> memref<512x128xf32, #tpu.memory_space<hbm>>
    %dma_start3A_744 = tpu.memref_slice %arg14[%dma_start3A_733] : memref<2x!tpu.dma_semaphore, #tpu.memory_space<semaphore_mem>> -> memref<1x!tpu.dma_semaphore, #tpu.memory_space<semaphore_mem>>
    %dma_start3A_745 = tpu.memref_squeeze %dma_start3A_744 : memref<1x!tpu.dma_semaphore, #tpu.memory_space<semaphore_mem>> -> memref<!tpu.dma_semaphore, #tpu.memory_space<semaphore_mem>>
    tpu.enqueue_indirect_dma source(%dma_start3A_743 : memref<512x128xf32, #tpu.memory_space<hbm>>) target(%dma_start3A_737 : memref<128x128xf32, #tpu.memory_space<vmem>>) offsets(%dma_start3A_740 : memref<128xi32, #tpu.memory_space<vmem>>) semaphore(%dma_start3A_745 : memref<!tpu.dma_semaphore, #tpu.memory_space<semaphore_mem>>)
    %dma_start3A_746 = arith.constant 1 : i32
    %dma_start3A_747 = arith.constant 1 : i32
    %dma_start3A_748 = arith.constant 0 : i32
    %dma_start3A_749 = arith.constant 0 : i32
    %dma_start3A_750 = tpu.memref_slice %arg12[%dma_start3A_746, %dma_start3A_748, %dma_start3A_749] : memref<2x128x128xf32, #tpu.memory_space<vmem>> -> memref<1x128x128xf32, #tpu.memory_space<vmem>>
    %dma_start3A_751 = tpu.memref_squeeze %dma_start3A_750 : memref<1x128x128xf32, #tpu.memory_space<vmem>> -> memref<128x128xf32, #tpu.memory_space<vmem>>
    %dma_start3A_752 = arith.constant 0 : i32
    %dma_start3A_753 = tpu.memref_slice %arg4[%add3A_609, %dma_start3A_752] : memref<16384x128xf32, #tpu.memory_space<hbm>> -> memref<128x128xf32, #tpu.memory_space<hbm>>
    %dma_start3A_754 = tpu.memref_slice %arg14[%dma_start3A_747] : memref<2x!tpu.dma_semaphore, #tpu.memory_space<semaphore_mem>> -> memref<1x!tpu.dma_semaphore, #tpu.memory_space<semaphore_mem>>
    %dma_start3A_755 = tpu.memref_squeeze %dma_start3A_754 : memref<1x!tpu.dma_semaphore, #tpu.memory_space<semaphore_mem>> -> memref<!tpu.dma_semaphore, #tpu.memory_space<semaphore_mem>>
    %dma_start3A_756 = arith.constant 0 : i32
    %dma_start3A_757 = arith.constant 0 : i32
    %dma_start3A_758 = tpu.memref_slice %arg12[%dma_start3A_746, %dma_start3A_756, %dma_start3A_757] : memref<2x128x128xf32, #tpu.memory_space<vmem>> -> memref<1x128x128xf32, #tpu.memory_space<vmem>>
    %dma_start3A_759 = tpu.memref_squeeze %dma_start3A_758 : memref<1x128x128xf32, #tpu.memory_space<vmem>> -> memref<128x128xf32, #tpu.memory_space<vmem>>
    %dma_start3A_760 = arith.constant 0 : i32
    %dma_start3A_761 = tpu.memref_slice %arg4[%add3A_609, %dma_start3A_760] : memref<16384x128xf32, #tpu.memory_space<hbm>> -> memref<128x128xf32, #tpu.memory_space<hbm>>
    tpu.enqueue_dma source(%dma_start3A_761 : memref<128x128xf32, #tpu.memory_space<hbm>>) target(%dma_start3A_759 : memref<128x128xf32, #tpu.memory_space<vmem>>) target_semaphore(%dma_start3A_755 : memref<!tpu.dma_semaphore, #tpu.memory_space<semaphore_mem>>)
    %scan3A_762 = arith.constant 0 : i32
    %scan3A_763 = arith.constant 128 : i32
    %scan3A_764 = arith.addi %scan3A_762, %scan3A_763 : i32
    %scan3A_765 = arith.constant 1 : i32
    %scan3A_766 = scf.for %scan3A_829 = %scan3A_762 to %scan3A_764 step %scan3A_765 iter_args(%scan3A_830 = %scan3A_557) -> (vector<16xf32>)  : i32 {
      %get3A = arith.constant 0 : i32
      %get3A_831 = arith.index_cast %get3A : i32 to index
      %get3A_832 = arith.index_cast %scan3A_829 : i32 to index
      %get3A_833 = arith.constant 0 : index
      %get3A_834 = tpu.vector_load %arg12[%get3A_831, %get3A_832, %get3A_833] {strides = array<i32>} : memref<2x128x128xf32, #tpu.memory_space<vmem>>, vector<1x1x16xf32>,
      %get3A_835 = vector.shape_cast %get3A_834 : vector<1x1x16xf32> to vector<16xf32>
      %get3A_836 = arith.constant 0 : i32
      %get3A_837 = arith.index_cast %get3A_836 : i32 to index
      %get3A_838 = arith.index_cast %scan3A_829 : i32 to index
      %get3A_839 = arith.constant 0 : index
      %get3A_840 = tpu.vector_load %arg10[%get3A_837, %get3A_838, %get3A_839] {strides = array<i32>} : memref<2x128x128xf32, #tpu.memory_space<vmem>>, vector<1x1x16xf32>,
      %get3A_841 = vector.shape_cast %get3A_840 : vector<1x1x16xf32> to vector<16xf32>
      %sub3A_842 = arith.subf %get3A_841, %get3A_835 : vector<16xf32>
      %add3A_843 = arith.addf %get3A_835, %sub3A_842 : vector<16xf32>
      %swap3A_844 = arith.constant 0 : i32
      %swap3A_845 = arith.index_cast %swap3A_844 : i32 to index
      %swap3A_846 = arith.index_cast %scan3A_829 : i32 to index
      %swap3A_847 = arith.constant 0 : index
      %swap3A_848 = tpu.vector_load %arg12[%swap3A_845, %swap3A_846, %swap3A_847] {strides = array<i32>} : memref<2x128x128xf32, #tpu.memory_space<vmem>>, vector<1x1x16xf32>,
      %swap3A_849 = vector.shape_cast %swap3A_848 : vector<1x1x16xf32> to vector<16xf32>
      %swap3A_850 = vector.shape_cast %add3A_843 : vector<16xf32> to vector<1x1x16xf32>
      tpu.vector_store %arg12[%swap3A_845, %swap3A_846, %swap3A_847], %swap3A_850 {strides = array<i32>} : memref<2x128x128xf32, #tpu.memory_space<vmem>>, vector<1x1x16xf32>,
      %mul3A_851 = arith.mulf %sub3A_842, %sub3A_842 : vector<16xf32>
      %add3A_852 = arith.addf %scan3A_830, %mul3A_851 : vector<16xf32>
      %get3A_853 = arith.constant 0 : i32
      %get3A_854 = arith.index_cast %get3A_853 : i32 to index
      %get3A_855 = arith.index_cast %scan3A_829 : i32 to index
      %get3A_856 = arith.constant 64 : index
      %get3A_857 = tpu.vector_load %arg12[%get3A_854, %get3A_855, %get3A_856] {strides = array<i32>} : memref<2x128x128xf32, #tpu.memory_space<vmem>>, vector<1x1x16xf32>,
      %get3A_858 = vector.shape_cast %get3A_857 : vector<1x1x16xf32> to vector<16xf32>
      %get3A_859 = arith.constant 0 : i32
      %get3A_860 = arith.index_cast %get3A_859 : i32 to index
      %get3A_861 = arith.index_cast %scan3A_829 : i32 to index
      %get3A_862 = arith.constant 0 : index
      %get3A_863 = tpu.vector_load %arg11[%get3A_860, %get3A_861, %get3A_862] {strides = array<i32>} : memref<2x128x128xf32, #tpu.memory_space<vmem>>, vector<1x1x16xf32>,
      %get3A_864 = vector.shape_cast %get3A_863 : vector<1x1x16xf32> to vector<16xf32>
      %sub3A_865 = arith.subf %get3A_864, %get3A_858 : vector<16xf32>
      %add3A_866 = arith.addf %get3A_858, %sub3A_865 : vector<16xf32>
      %swap3A_867 = arith.constant 0 : i32
      %swap3A_868 = arith.index_cast %swap3A_867 : i32 to index
      %swap3A_869 = arith.index_cast %scan3A_829 : i32 to index
      %swap3A_870 = arith.constant 64 : index
      %swap3A_871 = tpu.vector_load %arg12[%swap3A_868, %swap3A_869, %swap3A_870] {strides = array<i32>} : memref<2x128x128xf32, #tpu.memory_space<vmem>>, vector<1x1x16xf32>,
      %swap3A_872 = vector.shape_cast %swap3A_871 : vector<1x1x16xf32> to vector<16xf32>
      %swap3A_873 = vector.shape_cast %add3A_866 : vector<16xf32> to vector<1x1x16xf32>
      tpu.vector_store %arg12[%swap3A_868, %swap3A_869, %swap3A_870], %swap3A_873 {strides = array<i32>} : memref<2x128x128xf32, #tpu.memory_space<vmem>>, vector<1x1x16xf32>,
      %mul3A_874 = arith.mulf %sub3A_865, %sub3A_865 : vector<16xf32>
      %add3A_875 = arith.addf %add3A_852, %mul3A_874 : vector<16xf32>
      %get3A_876 = arith.constant 0 : i32
      %get3A_877 = arith.index_cast %get3A_876 : i32 to index
      %get3A_878 = arith.index_cast %scan3A_829 : i32 to index
      %get3A_879 = arith.constant 16 : index
      %get3A_880 = tpu.vector_load %arg12[%get3A_877, %get3A_878, %get3A_879] {strides = array<i32>} : memref<2x128x128xf32, #tpu.memory_space<vmem>>, vector<1x1x16xf32>,
      %get3A_881 = vector.shape_cast %get3A_880 : vector<1x1x16xf32> to vector<16xf32>
      %get3A_882 = arith.constant 0 : i32
      %get3A_883 = arith.index_cast %get3A_882 : i32 to index
      %get3A_884 = arith.index_cast %scan3A_829 : i32 to index
      %get3A_885 = arith.constant 16 : index
      %get3A_886 = tpu.vector_load %arg10[%get3A_883, %get3A_884, %get3A_885] {strides = array<i32>} : memref<2x128x128xf32, #tpu.memory_space<vmem>>, vector<1x1x16xf32>,
      %get3A_887 = vector.shape_cast %get3A_886 : vector<1x1x16xf32> to vector<16xf32>
      %sub3A_888 = arith.subf %get3A_887, %get3A_881 : vector<16xf32>
      %add3A_889 = arith.addf %get3A_881, %sub3A_888 : vector<16xf32>
      %swap3A_890 = arith.constant 0 : i32
      %swap3A_891 = arith.index_cast %swap3A_890 : i32 to index
      %swap3A_892 = arith.index_cast %scan3A_829 : i32 to index
      %swap3A_893 = arith.constant 16 : index
      %swap3A_894 = tpu.vector_load %arg12[%swap3A_891, %swap3A_892, %swap3A_893] {strides = array<i32>} : memref<2x128x128xf32, #tpu.memory_space<vmem>>, vector<1x1x16xf32>,
      %swap3A_895 = vector.shape_cast %swap3A_894 : vector<1x1x16xf32> to vector<16xf32>
      %swap3A_896 = vector.shape_cast %add3A_889 : vector<16xf32> to vector<1x1x16xf32>
      tpu.vector_store %arg12[%swap3A_891, %swap3A_892, %swap3A_893], %swap3A_896 {strides = array<i32>} : memref<2x128x128xf32, #tpu.memory_space<vmem>>, vector<1x1x16xf32>,
      %mul3A_897 = arith.mulf %sub3A_888, %sub3A_888 : vector<16xf32>
      %add3A_898 = arith.addf %add3A_875, %mul3A_897 : vector<16xf32>
      %get3A_899 = arith.constant 0 : i32
      %get3A_900 = arith.index_cast %get3A_899 : i32 to index
      %get3A_901 = arith.index_cast %scan3A_829 : i32 to index
      %get3A_902 = arith.constant 80 : index
      %get3A_903 = tpu.vector_load %arg12[%get3A_900, %get3A_901, %get3A_902] {strides = array<i32>} : memref<2x128x128xf32, #tpu.memory_space<vmem>>, vector<1x1x16xf32>,
      %get3A_904 = vector.shape_cast %get3A_903 : vector<1x1x16xf32> to vector<16xf32>
      %get3A_905 = arith.constant 0 : i32
      %get3A_906 = arith.index_cast %get3A_905 : i32 to index
      %get3A_907 = arith.index_cast %scan3A_829 : i32 to index
      %get3A_908 = arith.constant 16 : index
      %get3A_909 = tpu.vector_load %arg11[%get3A_906, %get3A_907, %get3A_908] {strides = array<i32>} : memref<2x128x128xf32, #tpu.memory_space<vmem>>, vector<1x1x16xf32>,
      %get3A_910 = vector.shape_cast %get3A_909 : vector<1x1x16xf32> to vector<16xf32>
      %sub3A_911 = arith.subf %get3A_910, %get3A_904 : vector<16xf32>
      %add3A_912 = arith.addf %get3A_904, %sub3A_911 : vector<16xf32>
      %swap3A_913 = arith.constant 0 : i32
      %swap3A_914 = arith.index_cast %swap3A_913 : i32 to index
      %swap3A_915 = arith.index_cast %scan3A_829 : i32 to index
      %swap3A_916 = arith.constant 80 : index
      %swap3A_917 = tpu.vector_load %arg12[%swap3A_914, %swap3A_915, %swap3A_916] {strides = array<i32>} : memref<2x128x128xf32, #tpu.memory_space<vmem>>, vector<1x1x16xf32>,
      %swap3A_918 = vector.shape_cast %swap3A_917 : vector<1x1x16xf32> to vector<16xf32>
      %swap3A_919 = vector.shape_cast %add3A_912 : vector<16xf32> to vector<1x1x16xf32>
      tpu.vector_store %arg12[%swap3A_914, %swap3A_915, %swap3A_916], %swap3A_919 {strides = array<i32>} : memref<2x128x128xf32, #tpu.memory_space<vmem>>, vector<1x1x16xf32>,
      %mul3A_920 = arith.mulf %sub3A_911, %sub3A_911 : vector<16xf32>
      %add3A_921 = arith.addf %add3A_898, %mul3A_920 : vector<16xf32>
      %get3A_922 = arith.constant 0 : i32
      %get3A_923 = arith.index_cast %get3A_922 : i32 to index
      %get3A_924 = arith.index_cast %scan3A_829 : i32 to index
      %get3A_925 = arith.constant 32 : index
      %get3A_926 = tpu.vector_load %arg12[%get3A_923, %get3A_924, %get3A_925] {strides = array<i32>} : memref<2x128x128xf32, #tpu.memory_space<vmem>>, vector<1x1x16xf32>,
      %get3A_927 = vector.shape_cast %get3A_926 : vector<1x1x16xf32> to vector<16xf32>
      %get3A_928 = arith.constant 0 : i32
      %get3A_929 = arith.index_cast %get3A_928 : i32 to index
      %get3A_930 = arith.index_cast %scan3A_829 : i32 to index
      %get3A_931 = arith.constant 32 : index
      %get3A_932 = tpu.vector_load %arg10[%get3A_929, %get3A_930, %get3A_931] {strides = array<i32>} : memref<2x128x128xf32, #tpu.memory_space<vmem>>, vector<1x1x16xf32>,
      %get3A_933 = vector.shape_cast %get3A_932 : vector<1x1x16xf32> to vector<16xf32>
      %sub3A_934 = arith.subf %get3A_933, %get3A_927 : vector<16xf32>
      %add3A_935 = arith.addf %get3A_927, %sub3A_934 : vector<16xf32>
      %swap3A_936 = arith.constant 0 : i32
      %swap3A_937 = arith.index_cast %swap3A_936 : i32 to index
      %swap3A_938 = arith.index_cast %scan3A_829 : i32 to index
      %swap3A_939 = arith.constant 32 : index
      %swap3A_940 = tpu.vector_load %arg12[%swap3A_937, %swap3A_938, %swap3A_939] {strides = array<i32>} : memref<2x128x128xf32, #tpu.memory_space<vmem>>, vector<1x1x16xf32>,
      %swap3A_941 = vector.shape_cast %swap3A_940 : vector<1x1x16xf32> to vector<16xf32>
      %swap3A_942 = vector.shape_cast %add3A_935 : vector<16xf32> to vector<1x1x16xf32>
      tpu.vector_store %arg12[%swap3A_937, %swap3A_938, %swap3A_939], %swap3A_942 {strides = array<i32>} : memref<2x128x128xf32, #tpu.memory_space<vmem>>, vector<1x1x16xf32>,
      %mul3A_943 = arith.mulf %sub3A_934, %sub3A_934 : vector<16xf32>
      %add3A_944 = arith.addf %add3A_921, %mul3A_943 : vector<16xf32>
      %get3A_945 = arith.constant 0 : i32
      %get3A_946 = arith.index_cast %get3A_945 : i32 to index
      %get3A_947 = arith.index_cast %scan3A_829 : i32 to index
      %get3A_948 = arith.constant 96 : index
      %get3A_949 = tpu.vector_load %arg12[%get3A_946, %get3A_947, %get3A_948] {strides = array<i32>} : memref<2x128x128xf32, #tpu.memory_space<vmem>>, vector<1x1x16xf32>,
      %get3A_950 = vector.shape_cast %get3A_949 : vector<1x1x16xf32> to vector<16xf32>
      %get3A_951 = arith.constant 0 : i32
      %get3A_952 = arith.index_cast %get3A_951 : i32 to index
      %get3A_953 = arith.index_cast %scan3A_829 : i32 to index
      %get3A_954 = arith.constant 32 : index
      %get3A_955 = tpu.vector_load %arg11[%get3A_952, %get3A_953, %get3A_954] {strides = array<i32>} : memref<2x128x128xf32, #tpu.memory_space<vmem>>, vector<1x1x16xf32>,
      %get3A_956 = vector.shape_cast %get3A_955 : vector<1x1x16xf32> to vector<16xf32>
      %sub3A_957 = arith.subf %get3A_956, %get3A_950 : vector<16xf32>
      %add3A_958 = arith.addf %get3A_950, %sub3A_957 : vector<16xf32>
      %swap3A_959 = arith.constant 0 : i32
      %swap3A_960 = arith.index_cast %swap3A_959 : i32 to index
      %swap3A_961 = arith.index_cast %scan3A_829 : i32 to index
      %swap3A_962 = arith.constant 96 : index
      %swap3A_963 = tpu.vector_load %arg12[%swap3A_960, %swap3A_961, %swap3A_962] {strides = array<i32>} : memref<2x128x128xf32, #tpu.memory_space<vmem>>, vector<1x1x16xf32>,
      %swap3A_964 = vector.shape_cast %swap3A_963 : vector<1x1x16xf32> to vector<16xf32>
      %swap3A_965 = vector.shape_cast %add3A_958 : vector<16xf32> to vector<1x1x16xf32>
      tpu.vector_store %arg12[%swap3A_960, %swap3A_961, %swap3A_962], %swap3A_965 {strides = array<i32>} : memref<2x128x128xf32, #tpu.memory_space<vmem>>, vector<1x1x16xf32>,
      %mul3A_966 = arith.mulf %sub3A_957, %sub3A_957 : vector<16xf32>
      %add3A_967 = arith.addf %add3A_944, %mul3A_966 : vector<16xf32>
      %get3A_968 = arith.constant 0 : i32
      %get3A_969 = arith.index_cast %get3A_968 : i32 to index
      %get3A_970 = arith.index_cast %scan3A_829 : i32 to index
      %get3A_971 = arith.constant 48 : index
      %get3A_972 = tpu.vector_load %arg12[%get3A_969, %get3A_970, %get3A_971] {strides = array<i32>} : memref<2x128x128xf32, #tpu.memory_space<vmem>>, vector<1x1x16xf32>,
      %get3A_973 = vector.shape_cast %get3A_972 : vector<1x1x16xf32> to vector<16xf32>
      %get3A_974 = arith.constant 0 : i32
      %get3A_975 = arith.index_cast %get3A_974 : i32 to index
      %get3A_976 = arith.index_cast %scan3A_829 : i32 to index
      %get3A_977 = arith.constant 48 : index
      %get3A_978 = tpu.vector_load %arg10[%get3A_975, %get3A_976, %get3A_977] {strides = array<i32>} : memref<2x128x128xf32, #tpu.memory_space<vmem>>, vector<1x1x16xf32>,
      %get3A_979 = vector.shape_cast %get3A_978 : vector<1x1x16xf32> to vector<16xf32>
      %sub3A_980 = arith.subf %get3A_979, %get3A_973 : vector<16xf32>
      %add3A_981 = arith.addf %get3A_973, %sub3A_980 : vector<16xf32>
      %swap3A_982 = arith.constant 0 : i32
      %swap3A_983 = arith.index_cast %swap3A_982 : i32 to index
      %swap3A_984 = arith.index_cast %scan3A_829 : i32 to index
      %swap3A_985 = arith.constant 48 : index
      %swap3A_986 = tpu.vector_load %arg12[%swap3A_983, %swap3A_984, %swap3A_985] {strides = array<i32>} : memref<2x128x128xf32, #tpu.memory_space<vmem>>, vector<1x1x16xf32>,
      %swap3A_987 = vector.shape_cast %swap3A_986 : vector<1x1x16xf32> to vector<16xf32>
      %swap3A_988 = vector.shape_cast %add3A_981 : vector<16xf32> to vector<1x1x16xf32>
      tpu.vector_store %arg12[%swap3A_983, %swap3A_984, %swap3A_985], %swap3A_988 {strides = array<i32>} : memref<2x128x128xf32, #tpu.memory_space<vmem>>, vector<1x1x16xf32>,
      %mul3A_989 = arith.mulf %sub3A_980, %sub3A_980 : vector<16xf32>
      %add3A_990 = arith.addf %add3A_967, %mul3A_989 : vector<16xf32>
      %get3A_991 = arith.constant 0 : i32
      %get3A_992 = arith.index_cast %get3A_991 : i32 to index
      %get3A_993 = arith.index_cast %scan3A_829 : i32 to index
      %get3A_994 = arith.constant 112 : index
      %get3A_995 = tpu.vector_load %arg12[%get3A_992, %get3A_993, %get3A_994] {strides = array<i32>} : memref<2x128x128xf32, #tpu.memory_space<vmem>>, vector<1x1x16xf32>,
      %get3A_996 = vector.shape_cast %get3A_995 : vector<1x1x16xf32> to vector<16xf32>
      %get3A_997 = arith.constant 0 : i32
      %get3A_998 = arith.index_cast %get3A_997 : i32 to index
      %get3A_999 = arith.index_cast %scan3A_829 : i32 to index
      %get3A_1000 = arith.constant 48 : index
      %get3A_1001 = tpu.vector_load %arg11[%get3A_998, %get3A_999, %get3A_1000] {strides = array<i32>} : memref<2x128x128xf32, #tpu.memory_space<vmem>>, vector<1x1x16xf32>,
      %get3A_1002 = vector.shape_cast %get3A_1001 : vector<1x1x16xf32> to vector<16xf32>
      %sub3A_1003 = arith.subf %get3A_1002, %get3A_996 : vector<16xf32>
      %add3A_1004 = arith.addf %get3A_996, %sub3A_1003 : vector<16xf32>
      %swap3A_1005 = arith.constant 0 : i32
      %swap3A_1006 = arith.index_cast %swap3A_1005 : i32 to index
      %swap3A_1007 = arith.index_cast %scan3A_829 : i32 to index
      %swap3A_1008 = arith.constant 112 : index
      %swap3A_1009 = tpu.vector_load %arg12[%swap3A_1006, %swap3A_1007, %swap3A_1008] {strides = array<i32>} : memref<2x128x128xf32, #tpu.memory_space<vmem>>, vector<1x1x16xf32>,
      %swap3A_1010 = vector.shape_cast %swap3A_1009 : vector<1x1x16xf32> to vector<16xf32>
      %swap3A_1011 = vector.shape_cast %add3A_1004 : vector<16xf32> to vector<1x1x16xf32>
      tpu.vector_store %arg12[%swap3A_1006, %swap3A_1007, %swap3A_1008], %swap3A_1011 {strides = array<i32>} : memref<2x128x128xf32, #tpu.memory_space<vmem>>, vector<1x1x16xf32>,
      %mul3A_1012 = arith.mulf %sub3A_1003, %sub3A_1003 : vector<16xf32>
      %add3A_1013 = arith.addf %add3A_990, %mul3A_1012 : vector<16xf32>
      scf.yield %add3A_1013 : vector<16xf32>
    }
    %scan3A_767 = arith.constant 128 : i32
    %add3A_768 = arith.constant 256 : i32
    %add3A_769 = arith.addi %mul3A_2, %add3A_768 : i32
    %run_scoped3A_770 = arith.constant 0 : i32
    "tpu.region"() ({
      %run_scoped3A_829 = tpu.sem_alloc : memref<!tpu.dma_semaphore, #tpu.memory_space<semaphore_mem>>
      %dma_start3A_830 = arith.constant 0 : i32
      %dma_start3A_831 = arith.constant 0 : i32
      %dma_start3A_832 = tpu.memref_slice %arg12[%run_scoped3A_770, %dma_start3A_830, %dma_start3A_831] : memref<2x128x128xf32, #tpu.memory_space<vmem>> -> memref<1x128x128xf32, #tpu.memory_space<vmem>>
      %dma_start3A_833 = tpu.memref_squeeze %dma_start3A_832 : memref<1x128x128xf32, #tpu.memory_space<vmem>> -> memref<128x128xf32, #tpu.memory_space<vmem>>
      %dma_start3A_834 = arith.constant 0 : i32
      %dma_start3A_835 = tpu.memref_slice %arg6[%add3A_769, %dma_start3A_834] : memref<16384x128xf32, #tpu.memory_space<hbm>> -> memref<128x128xf32, #tpu.memory_space<hbm>>
      %dma_start3A_836 = arith.constant 0 : i32
      %dma_start3A_837 = tpu.memref_slice %arg6[%add3A_769, %dma_start3A_836] : memref<16384x128xf32, #tpu.memory_space<hbm>> -> memref<128x128xf32, #tpu.memory_space<hbm>>
      %dma_start3A_838 = arith.constant 0 : i32
      %dma_start3A_839 = arith.constant 0 : i32
      %dma_start3A_840 = tpu.memref_slice %arg12[%run_scoped3A_770, %dma_start3A_838, %dma_start3A_839] : memref<2x128x128xf32, #tpu.memory_space<vmem>> -> memref<1x128x128xf32, #tpu.memory_space<vmem>>
      %dma_start3A_841 = tpu.memref_squeeze %dma_start3A_840 : memref<1x128x128xf32, #tpu.memory_space<vmem>> -> memref<128x128xf32, #tpu.memory_space<vmem>>
      tpu.enqueue_dma source(%dma_start3A_841 : memref<128x128xf32, #tpu.memory_space<vmem>>) target(%dma_start3A_837 : memref<128x128xf32, #tpu.memory_space<hbm>>) target_semaphore(%run_scoped3A_829 : memref<!tpu.dma_semaphore, #tpu.memory_space<semaphore_mem>>)
      %dma_wait3A_842 = arith.constant 0 : i32
      %dma_wait3A_843 = arith.constant 0 : i32
      %dma_wait3A_844 = tpu.memref_slice %arg12[%run_scoped3A_770, %dma_wait3A_842, %dma_wait3A_843] : memref<2x128x128xf32, #tpu.memory_space<vmem>> -> memref<1x128x128xf32, #tpu.memory_space<vmem>>
      %dma_wait3A_845 = tpu.memref_squeeze %dma_wait3A_844 : memref<1x128x128xf32, #tpu.memory_space<vmem>> -> memref<128x128xf32, #tpu.memory_space<vmem>>
      %dma_wait3A_846 = arith.constant 0 : i32
      %dma_wait3A_847 = tpu.memref_slice %arg6[%add3A_769, %dma_wait3A_846] : memref<16384x128xf32, #tpu.memory_space<hbm>> -> memref<128x128xf32, #tpu.memory_space<hbm>>
      %dma_wait3A_848 = arith.constant 0 : i32
      %dma_wait3A_849 = tpu.memref_slice %arg6[%add3A_769, %dma_wait3A_848] : memref<16384x128xf32, #tpu.memory_space<hbm>> -> memref<128x128xf32, #tpu.memory_space<hbm>>
      %dma_wait3A_850 = arith.constant 0 : i32
      %dma_wait3A_851 = arith.constant 0 : i32
      %dma_wait3A_852 = tpu.memref_slice %arg12[%run_scoped3A_770, %dma_wait3A_850, %dma_wait3A_851] : memref<2x128x128xf32, #tpu.memory_space<vmem>> -> memref<1x128x128xf32, #tpu.memory_space<vmem>>
      %dma_wait3A_853 = tpu.memref_squeeze %dma_wait3A_852 : memref<1x128x128xf32, #tpu.memory_space<vmem>> -> memref<128x128xf32, #tpu.memory_space<vmem>>
      tpu.wait_dma2 semaphore(%run_scoped3A_829 : memref<!tpu.dma_semaphore, #tpu.memory_space<semaphore_mem>>) src(%dma_wait3A_853 : memref<128x128xf32, #tpu.memory_space<vmem>>) dst(%dma_wait3A_849 : memref<128x128xf32, #tpu.memory_space<hbm>>)
      tpu.yield
    }) : () -> ()
    %dma_wait3A_771 = arith.constant 1 : i32
    %dma_wait3A_772 = arith.constant 1 : i32
    %dma_wait3A_773 = arith.constant 1 : i32
    %dma_wait3A_774 = arith.constant 0 : i32
    %dma_wait3A_775 = arith.constant 0 : i32
    %dma_wait3A_776 = tpu.memref_slice %arg10[%dma_wait3A_772, %dma_wait3A_774, %dma_wait3A_775] : memref<2x128x128xf32, #tpu.memory_space<vmem>> -> memref<1x128x128xf32, #tpu.memory_space<vmem>>
    %dma_wait3A_777 = tpu.memref_squeeze %dma_wait3A_776 : memref<1x128x128xf32, #tpu.memory_space<vmem>> -> memref<128x128xf32, #tpu.memory_space<vmem>>
    %dma_wait3A_778 = arith.constant 0 : i32
    %dma_wait3A_779 = tpu.memref_slice %arg8[%dma_wait3A_771, %dma_wait3A_778] : memref<2x128xi32, #tpu.memory_space<vmem>> -> memref<1x128xi32, #tpu.memory_space<vmem>>
    %dma_wait3A_780 = tpu.memref_squeeze %dma_wait3A_779 : memref<1x128xi32, #tpu.memory_space<vmem>> -> memref<128xi32, #tpu.memory_space<vmem>>
    %dma_wait3A_781 = arith.constant 0 : i32
    %dma_wait3A_782 = arith.constant 0 : i32
    %dma_wait3A_783 = tpu.memref_slice %arg5[%dma_wait3A_781, %dma_wait3A_782] : memref<512x128xf32, #tpu.memory_space<hbm>> -> memref<512x128xf32, #tpu.memory_space<hbm>>
    %dma_wait3A_784 = tpu.memref_slice %arg14[%dma_wait3A_773] : memref<2x!tpu.dma_semaphore, #tpu.memory_space<semaphore_mem>> -> memref<1x!tpu.dma_semaphore, #tpu.memory_space<semaphore_mem>>
    %dma_wait3A_785 = tpu.memref_squeeze %dma_wait3A_784 : memref<1x!tpu.dma_semaphore, #tpu.memory_space<semaphore_mem>> -> memref<!tpu.dma_semaphore, #tpu.memory_space<semaphore_mem>>
    tpu.wait_indirect_dma semaphore(%dma_wait3A_785 : memref<!tpu.dma_semaphore, #tpu.memory_space<semaphore_mem>>) src(%dma_wait3A_783 : memref<512x128xf32, #tpu.memory_space<hbm>>) dst(%dma_wait3A_777 : memref<128x128xf32, #tpu.memory_space<vmem>>)
    %dma_wait3A_786 = arith.constant 1 : i32
    %dma_wait3A_787 = arith.constant 1 : i32
    %dma_wait3A_788 = arith.constant 1 : i32
    %dma_wait3A_789 = arith.constant 0 : i32
    %dma_wait3A_790 = arith.constant 0 : i32
    %dma_wait3A_791 = tpu.memref_slice %arg11[%dma_wait3A_787, %dma_wait3A_789, %dma_wait3A_790] : memref<2x128x128xf32, #tpu.memory_space<vmem>> -> memref<1x128x128xf32, #tpu.memory_space<vmem>>
    %dma_wait3A_792 = tpu.memref_squeeze %dma_wait3A_791 : memref<1x128x128xf32, #tpu.memory_space<vmem>> -> memref<128x128xf32, #tpu.memory_space<vmem>>
    %dma_wait3A_793 = arith.constant 0 : i32
    %dma_wait3A_794 = tpu.memref_slice %arg9[%dma_wait3A_786, %dma_wait3A_793] : memref<2x128xi32, #tpu.memory_space<vmem>> -> memref<1x128xi32, #tpu.memory_space<vmem>>
    %dma_wait3A_795 = tpu.memref_squeeze %dma_wait3A_794 : memref<1x128xi32, #tpu.memory_space<vmem>> -> memref<128xi32, #tpu.memory_space<vmem>>
    %dma_wait3A_796 = arith.constant 0 : i32
    %dma_wait3A_797 = arith.constant 0 : i32
    %dma_wait3A_798 = tpu.memref_slice %arg5[%dma_wait3A_796, %dma_wait3A_797] : memref<512x128xf32, #tpu.memory_space<hbm>> -> memref<512x128xf32, #tpu.memory_space<hbm>>
    %dma_wait3A_799 = tpu.memref_slice %arg14[%dma_wait3A_788] : memref<2x!tpu.dma_semaphore, #tpu.memory_space<semaphore_mem>> -> memref<1x!tpu.dma_semaphore, #tpu.memory_space<semaphore_mem>>
    %dma_wait3A_800 = tpu.memref_squeeze %dma_wait3A_799 : memref<1x!tpu.dma_semaphore, #tpu.memory_space<semaphore_mem>> -> memref<!tpu.dma_semaphore, #tpu.memory_space<semaphore_mem>>
    tpu.wait_indirect_dma semaphore(%dma_wait3A_800 : memref<!tpu.dma_semaphore, #tpu.memory_space<semaphore_mem>>) src(%dma_wait3A_798 : memref<512x128xf32, #tpu.memory_space<hbm>>) dst(%dma_wait3A_792 : memref<128x128xf32, #tpu.memory_space<vmem>>)
    %dma_wait3A_801 = arith.constant 1 : i32
    %dma_wait3A_802 = arith.constant 1 : i32
    %dma_wait3A_803 = arith.constant 0 : i32
    %dma_wait3A_804 = arith.constant 0 : i32
    %dma_wait3A_805 = tpu.memref_slice %arg12[%dma_wait3A_801, %dma_wait3A_803, %dma_wait3A_804] : memref<2x128x128xf32, #tpu.memory_space<vmem>> -> memref<1x128x128xf32, #tpu.memory_space<vmem>>
    %dma_wait3A_806 = tpu.memref_squeeze %dma_wait3A_805 : memref<1x128x128xf32, #tpu.memory_space<vmem>> -> memref<128x128xf32, #tpu.memory_space<vmem>>
    %dma_wait3A_807 = arith.constant 0 : i32
    %dma_wait3A_808 = tpu.memref_slice %arg4[%add3A_609, %dma_wait3A_807] : memref<16384x128xf32, #tpu.memory_space<hbm>> -> memref<128x128xf32, #tpu.memory_space<hbm>>
    %dma_wait3A_809 = tpu.memref_slice %arg14[%dma_wait3A_802] : memref<2x!tpu.dma_semaphore, #tpu.memory_space<semaphore_mem>> -> memref<1x!tpu.dma_semaphore, #tpu.memory_space<semaphore_mem>>
    %dma_wait3A_810 = tpu.memref_squeeze %dma_wait3A_809 : memref<1x!tpu.dma_semaphore, #tpu.memory_space<semaphore_mem>> -> memref<!tpu.dma_semaphore, #tpu.memory_space<semaphore_mem>>
    %dma_wait3A_811 = arith.constant 0 : i32
    %dma_wait3A_812 = arith.constant 0 : i32
    %dma_wait3A_813 = tpu.memref_slice %arg12[%dma_wait3A_801, %dma_wait3A_811, %dma_wait3A_812] : memref<2x128x128xf32, #tpu.memory_space<vmem>> -> memref<1x128x128xf32, #tpu.memory_space<vmem>>
    %dma_wait3A_814 = tpu.memref_squeeze %dma_wait3A_813 : memref<1x128x128xf32, #tpu.memory_space<vmem>> -> memref<128x128xf32, #tpu.memory_space<vmem>>
    %dma_wait3A_815 = arith.constant 0 : i32
    %dma_wait3A_816 = tpu.memref_slice %arg4[%add3A_609, %dma_wait3A_815] : memref<16384x128xf32, #tpu.memory_space<hbm>> -> memref<128x128xf32, #tpu.memory_space<hbm>>
    tpu.wait_dma2 semaphore(%dma_wait3A_810 : memref<!tpu.dma_semaphore, #tpu.memory_space<semaphore_mem>>) src(%dma_wait3A_816 : memref<128x128xf32, #tpu.memory_space<hbm>>) dst(%dma_wait3A_814 : memref<128x128xf32, #tpu.memory_space<vmem>>)
    %scan3A_817 = arith.constant 0 : i32
    %scan3A_818 = arith.constant 128 : i32
    %scan3A_819 = arith.addi %scan3A_817, %scan3A_818 : i32
    %scan3A_820 = arith.constant 1 : i32
    %scan3A_821 = scf.for %scan3A_829 = %scan3A_817 to %scan3A_819 step %scan3A_820 iter_args(%scan3A_830 = %scan3A_766) -> (vector<16xf32>)  : i32 {
      %get3A = arith.constant 1 : i32
      %get3A_831 = arith.index_cast %get3A : i32 to index
      %get3A_832 = arith.index_cast %scan3A_829 : i32 to index
      %get3A_833 = arith.constant 0 : index
      %get3A_834 = tpu.vector_load %arg12[%get3A_831, %get3A_832, %get3A_833] {strides = array<i32>} : memref<2x128x128xf32, #tpu.memory_space<vmem>>, vector<1x1x16xf32>,
      %get3A_835 = vector.shape_cast %get3A_834 : vector<1x1x16xf32> to vector<16xf32>
      %get3A_836 = arith.constant 1 : i32
      %get3A_837 = arith.index_cast %get3A_836 : i32 to index
      %get3A_838 = arith.index_cast %scan3A_829 : i32 to index
      %get3A_839 = arith.constant 0 : index
      %get3A_840 = tpu.vector_load %arg10[%get3A_837, %get3A_838, %get3A_839] {strides = array<i32>} : memref<2x128x128xf32, #tpu.memory_space<vmem>>, vector<1x1x16xf32>,
      %get3A_841 = vector.shape_cast %get3A_840 : vector<1x1x16xf32> to vector<16xf32>
      %sub3A_842 = arith.subf %get3A_841, %get3A_835 : vector<16xf32>
      %add3A_843 = arith.addf %get3A_835, %sub3A_842 : vector<16xf32>
      %swap3A_844 = arith.constant 1 : i32
      %swap3A_845 = arith.index_cast %swap3A_844 : i32 to index
      %swap3A_846 = arith.index_cast %scan3A_829 : i32 to index
      %swap3A_847 = arith.constant 0 : index
      %swap3A_848 = tpu.vector_load %arg12[%swap3A_845, %swap3A_846, %swap3A_847] {strides = array<i32>} : memref<2x128x128xf32, #tpu.memory_space<vmem>>, vector<1x1x16xf32>,
      %swap3A_849 = vector.shape_cast %swap3A_848 : vector<1x1x16xf32> to vector<16xf32>
      %swap3A_850 = vector.shape_cast %add3A_843 : vector<16xf32> to vector<1x1x16xf32>
      tpu.vector_store %arg12[%swap3A_845, %swap3A_846, %swap3A_847], %swap3A_850 {strides = array<i32>} : memref<2x128x128xf32, #tpu.memory_space<vmem>>, vector<1x1x16xf32>,
      %mul3A_851 = arith.mulf %sub3A_842, %sub3A_842 : vector<16xf32>
      %add3A_852 = arith.addf %scan3A_830, %mul3A_851 : vector<16xf32>
      %get3A_853 = arith.constant 1 : i32
      %get3A_854 = arith.index_cast %get3A_853 : i32 to index
      %get3A_855 = arith.index_cast %scan3A_829 : i32 to index
      %get3A_856 = arith.constant 64 : index
      %get3A_857 = tpu.vector_load %arg12[%get3A_854, %get3A_855, %get3A_856] {strides = array<i32>} : memref<2x128x128xf32, #tpu.memory_space<vmem>>, vector<1x1x16xf32>,
      %get3A_858 = vector.shape_cast %get3A_857 : vector<1x1x16xf32> to vector<16xf32>
      %get3A_859 = arith.constant 1 : i32
      %get3A_860 = arith.index_cast %get3A_859 : i32 to index
      %get3A_861 = arith.index_cast %scan3A_829 : i32 to index
      %get3A_862 = arith.constant 0 : index
      %get3A_863 = tpu.vector_load %arg11[%get3A_860, %get3A_861, %get3A_862] {strides = array<i32>} : memref<2x128x128xf32, #tpu.memory_space<vmem>>, vector<1x1x16xf32>,
      %get3A_864 = vector.shape_cast %get3A_863 : vector<1x1x16xf32> to vector<16xf32>
      %sub3A_865 = arith.subf %get3A_864, %get3A_858 : vector<16xf32>
      %add3A_866 = arith.addf %get3A_858, %sub3A_865 : vector<16xf32>
      %swap3A_867 = arith.constant 1 : i32
      %swap3A_868 = arith.index_cast %swap3A_867 : i32 to index
      %swap3A_869 = arith.index_cast %scan3A_829 : i32 to index
      %swap3A_870 = arith.constant 64 : index
      %swap3A_871 = tpu.vector_load %arg12[%swap3A_868, %swap3A_869, %swap3A_870] {strides = array<i32>} : memref<2x128x128xf32, #tpu.memory_space<vmem>>, vector<1x1x16xf32>,
      %swap3A_872 = vector.shape_cast %swap3A_871 : vector<1x1x16xf32> to vector<16xf32>
      %swap3A_873 = vector.shape_cast %add3A_866 : vector<16xf32> to vector<1x1x16xf32>
      tpu.vector_store %arg12[%swap3A_868, %swap3A_869, %swap3A_870], %swap3A_873 {strides = array<i32>} : memref<2x128x128xf32, #tpu.memory_space<vmem>>, vector<1x1x16xf32>,
      %mul3A_874 = arith.mulf %sub3A_865, %sub3A_865 : vector<16xf32>
      %add3A_875 = arith.addf %add3A_852, %mul3A_874 : vector<16xf32>
      %get3A_876 = arith.constant 1 : i32
      %get3A_877 = arith.index_cast %get3A_876 : i32 to index
      %get3A_878 = arith.index_cast %scan3A_829 : i32 to index
      %get3A_879 = arith.constant 16 : index
      %get3A_880 = tpu.vector_load %arg12[%get3A_877, %get3A_878, %get3A_879] {strides = array<i32>} : memref<2x128x128xf32, #tpu.memory_space<vmem>>, vector<1x1x16xf32>,
      %get3A_881 = vector.shape_cast %get3A_880 : vector<1x1x16xf32> to vector<16xf32>
      %get3A_882 = arith.constant 1 : i32
      %get3A_883 = arith.index_cast %get3A_882 : i32 to index
      %get3A_884 = arith.index_cast %scan3A_829 : i32 to index
      %get3A_885 = arith.constant 16 : index
      %get3A_886 = tpu.vector_load %arg10[%get3A_883, %get3A_884, %get3A_885] {strides = array<i32>} : memref<2x128x128xf32, #tpu.memory_space<vmem>>, vector<1x1x16xf32>,
      %get3A_887 = vector.shape_cast %get3A_886 : vector<1x1x16xf32> to vector<16xf32>
      %sub3A_888 = arith.subf %get3A_887, %get3A_881 : vector<16xf32>
      %add3A_889 = arith.addf %get3A_881, %sub3A_888 : vector<16xf32>
      %swap3A_890 = arith.constant 1 : i32
      %swap3A_891 = arith.index_cast %swap3A_890 : i32 to index
      %swap3A_892 = arith.index_cast %scan3A_829 : i32 to index
      %swap3A_893 = arith.constant 16 : index
      %swap3A_894 = tpu.vector_load %arg12[%swap3A_891, %swap3A_892, %swap3A_893] {strides = array<i32>} : memref<2x128x128xf32, #tpu.memory_space<vmem>>, vector<1x1x16xf32>,
      %swap3A_895 = vector.shape_cast %swap3A_894 : vector<1x1x16xf32> to vector<16xf32>
      %swap3A_896 = vector.shape_cast %add3A_889 : vector<16xf32> to vector<1x1x16xf32>
      tpu.vector_store %arg12[%swap3A_891, %swap3A_892, %swap3A_893], %swap3A_896 {strides = array<i32>} : memref<2x128x128xf32, #tpu.memory_space<vmem>>, vector<1x1x16xf32>,
      %mul3A_897 = arith.mulf %sub3A_888, %sub3A_888 : vector<16xf32>
      %add3A_898 = arith.addf %add3A_875, %mul3A_897 : vector<16xf32>
      %get3A_899 = arith.constant 1 : i32
      %get3A_900 = arith.index_cast %get3A_899 : i32 to index
      %get3A_901 = arith.index_cast %scan3A_829 : i32 to index
      %get3A_902 = arith.constant 80 : index
      %get3A_903 = tpu.vector_load %arg12[%get3A_900, %get3A_901, %get3A_902] {strides = array<i32>} : memref<2x128x128xf32, #tpu.memory_space<vmem>>, vector<1x1x16xf32>,
      %get3A_904 = vector.shape_cast %get3A_903 : vector<1x1x16xf32> to vector<16xf32>
      %get3A_905 = arith.constant 1 : i32
      %get3A_906 = arith.index_cast %get3A_905 : i32 to index
      %get3A_907 = arith.index_cast %scan3A_829 : i32 to index
      %get3A_908 = arith.constant 16 : index
      %get3A_909 = tpu.vector_load %arg11[%get3A_906, %get3A_907, %get3A_908] {strides = array<i32>} : memref<2x128x128xf32, #tpu.memory_space<vmem>>, vector<1x1x16xf32>,
      %get3A_910 = vector.shape_cast %get3A_909 : vector<1x1x16xf32> to vector<16xf32>
      %sub3A_911 = arith.subf %get3A_910, %get3A_904 : vector<16xf32>
      %add3A_912 = arith.addf %get3A_904, %sub3A_911 : vector<16xf32>
      %swap3A_913 = arith.constant 1 : i32
      %swap3A_914 = arith.index_cast %swap3A_913 : i32 to index
      %swap3A_915 = arith.index_cast %scan3A_829 : i32 to index
      %swap3A_916 = arith.constant 80 : index
      %swap3A_917 = tpu.vector_load %arg12[%swap3A_914, %swap3A_915, %swap3A_916] {strides = array<i32>} : memref<2x128x128xf32, #tpu.memory_space<vmem>>, vector<1x1x16xf32>,
      %swap3A_918 = vector.shape_cast %swap3A_917 : vector<1x1x16xf32> to vector<16xf32>
      %swap3A_919 = vector.shape_cast %add3A_912 : vector<16xf32> to vector<1x1x16xf32>
      tpu.vector_store %arg12[%swap3A_914, %swap3A_915, %swap3A_916], %swap3A_919 {strides = array<i32>} : memref<2x128x128xf32, #tpu.memory_space<vmem>>, vector<1x1x16xf32>,
      %mul3A_920 = arith.mulf %sub3A_911, %sub3A_911 : vector<16xf32>
      %add3A_921 = arith.addf %add3A_898, %mul3A_920 : vector<16xf32>
      %get3A_922 = arith.constant 1 : i32
      %get3A_923 = arith.index_cast %get3A_922 : i32 to index
      %get3A_924 = arith.index_cast %scan3A_829 : i32 to index
      %get3A_925 = arith.constant 32 : index
      %get3A_926 = tpu.vector_load %arg12[%get3A_923, %get3A_924, %get3A_925] {strides = array<i32>} : memref<2x128x128xf32, #tpu.memory_space<vmem>>, vector<1x1x16xf32>,
      %get3A_927 = vector.shape_cast %get3A_926 : vector<1x1x16xf32> to vector<16xf32>
      %get3A_928 = arith.constant 1 : i32
      %get3A_929 = arith.index_cast %get3A_928 : i32 to index
      %get3A_930 = arith.index_cast %scan3A_829 : i32 to index
      %get3A_931 = arith.constant 32 : index
      %get3A_932 = tpu.vector_load %arg10[%get3A_929, %get3A_930, %get3A_931] {strides = array<i32>} : memref<2x128x128xf32, #tpu.memory_space<vmem>>, vector<1x1x16xf32>,
      %get3A_933 = vector.shape_cast %get3A_932 : vector<1x1x16xf32> to vector<16xf32>
      %sub3A_934 = arith.subf %get3A_933, %get3A_927 : vector<16xf32>
      %add3A_935 = arith.addf %get3A_927, %sub3A_934 : vector<16xf32>
      %swap3A_936 = arith.constant 1 : i32
      %swap3A_937 = arith.index_cast %swap3A_936 : i32 to index
      %swap3A_938 = arith.index_cast %scan3A_829 : i32 to index
      %swap3A_939 = arith.constant 32 : index
      %swap3A_940 = tpu.vector_load %arg12[%swap3A_937, %swap3A_938, %swap3A_939] {strides = array<i32>} : memref<2x128x128xf32, #tpu.memory_space<vmem>>, vector<1x1x16xf32>,
      %swap3A_941 = vector.shape_cast %swap3A_940 : vector<1x1x16xf32> to vector<16xf32>
      %swap3A_942 = vector.shape_cast %add3A_935 : vector<16xf32> to vector<1x1x16xf32>
      tpu.vector_store %arg12[%swap3A_937, %swap3A_938, %swap3A_939], %swap3A_942 {strides = array<i32>} : memref<2x128x128xf32, #tpu.memory_space<vmem>>, vector<1x1x16xf32>,
      %mul3A_943 = arith.mulf %sub3A_934, %sub3A_934 : vector<16xf32>
      %add3A_944 = arith.addf %add3A_921, %mul3A_943 : vector<16xf32>
      %get3A_945 = arith.constant 1 : i32
      %get3A_946 = arith.index_cast %get3A_945 : i32 to index
      %get3A_947 = arith.index_cast %scan3A_829 : i32 to index
      %get3A_948 = arith.constant 96 : index
      %get3A_949 = tpu.vector_load %arg12[%get3A_946, %get3A_947, %get3A_948] {strides = array<i32>} : memref<2x128x128xf32, #tpu.memory_space<vmem>>, vector<1x1x16xf32>,
      %get3A_950 = vector.shape_cast %get3A_949 : vector<1x1x16xf32> to vector<16xf32>
      %get3A_951 = arith.constant 1 : i32
      %get3A_952 = arith.index_cast %get3A_951 : i32 to index
      %get3A_953 = arith.index_cast %scan3A_829 : i32 to index
      %get3A_954 = arith.constant 32 : index
      %get3A_955 = tpu.vector_load %arg11[%get3A_952, %get3A_953, %get3A_954] {strides = array<i32>} : memref<2x128x128xf32, #tpu.memory_space<vmem>>, vector<1x1x16xf32>,
      %get3A_956 = vector.shape_cast %get3A_955 : vector<1x1x16xf32> to vector<16xf32>
      %sub3A_957 = arith.subf %get3A_956, %get3A_950 : vector<16xf32>
      %add3A_958 = arith.addf %get3A_950, %sub3A_957 : vector<16xf32>
      %swap3A_959 = arith.constant 1 : i32
      %swap3A_960 = arith.index_cast %swap3A_959 : i32 to index
      %swap3A_961 = arith.index_cast %scan3A_829 : i32 to index
      %swap3A_962 = arith.constant 96 : index
      %swap3A_963 = tpu.vector_load %arg12[%swap3A_960, %swap3A_961, %swap3A_962] {strides = array<i32>} : memref<2x128x128xf32, #tpu.memory_space<vmem>>, vector<1x1x16xf32>,
      %swap3A_964 = vector.shape_cast %swap3A_963 : vector<1x1x16xf32> to vector<16xf32>
      %swap3A_965 = vector.shape_cast %add3A_958 : vector<16xf32> to vector<1x1x16xf32>
      tpu.vector_store %arg12[%swap3A_960, %swap3A_961, %swap3A_962], %swap3A_965 {strides = array<i32>} : memref<2x128x128xf32, #tpu.memory_space<vmem>>, vector<1x1x16xf32>,
      %mul3A_966 = arith.mulf %sub3A_957, %sub3A_957 : vector<16xf32>
      %add3A_967 = arith.addf %add3A_944, %mul3A_966 : vector<16xf32>
      %get3A_968 = arith.constant 1 : i32
      %get3A_969 = arith.index_cast %get3A_968 : i32 to index
      %get3A_970 = arith.index_cast %scan3A_829 : i32 to index
      %get3A_971 = arith.constant 48 : index
      %get3A_972 = tpu.vector_load %arg12[%get3A_969, %get3A_970, %get3A_971] {strides = array<i32>} : memref<2x128x128xf32, #tpu.memory_space<vmem>>, vector<1x1x16xf32>,
      %get3A_973 = vector.shape_cast %get3A_972 : vector<1x1x16xf32> to vector<16xf32>
      %get3A_974 = arith.constant 1 : i32
      %get3A_975 = arith.index_cast %get3A_974 : i32 to index
      %get3A_976 = arith.index_cast %scan3A_829 : i32 to index
      %get3A_977 = arith.constant 48 : index
      %get3A_978 = tpu.vector_load %arg10[%get3A_975, %get3A_976, %get3A_977] {strides = array<i32>} : memref<2x128x128xf32, #tpu.memory_space<vmem>>, vector<1x1x16xf32>,
      %get3A_979 = vector.shape_cast %get3A_978 : vector<1x1x16xf32> to vector<16xf32>
      %sub3A_980 = arith.subf %get3A_979, %get3A_973 : vector<16xf32>
      %add3A_981 = arith.addf %get3A_973, %sub3A_980 : vector<16xf32>
      %swap3A_982 = arith.constant 1 : i32
      %swap3A_983 = arith.index_cast %swap3A_982 : i32 to index
      %swap3A_984 = arith.index_cast %scan3A_829 : i32 to index
      %swap3A_985 = arith.constant 48 : index
      %swap3A_986 = tpu.vector_load %arg12[%swap3A_983, %swap3A_984, %swap3A_985] {strides = array<i32>} : memref<2x128x128xf32, #tpu.memory_space<vmem>>, vector<1x1x16xf32>,
      %swap3A_987 = vector.shape_cast %swap3A_986 : vector<1x1x16xf32> to vector<16xf32>
      %swap3A_988 = vector.shape_cast %add3A_981 : vector<16xf32> to vector<1x1x16xf32>
      tpu.vector_store %arg12[%swap3A_983, %swap3A_984, %swap3A_985], %swap3A_988 {strides = array<i32>} : memref<2x128x128xf32, #tpu.memory_space<vmem>>, vector<1x1x16xf32>,
      %mul3A_989 = arith.mulf %sub3A_980, %sub3A_980 : vector<16xf32>
      %add3A_990 = arith.addf %add3A_967, %mul3A_989 : vector<16xf32>
      %get3A_991 = arith.constant 1 : i32
      %get3A_992 = arith.index_cast %get3A_991 : i32 to index
      %get3A_993 = arith.index_cast %scan3A_829 : i32 to index
      %get3A_994 = arith.constant 112 : index
      %get3A_995 = tpu.vector_load %arg12[%get3A_992, %get3A_993, %get3A_994] {strides = array<i32>} : memref<2x128x128xf32, #tpu.memory_space<vmem>>, vector<1x1x16xf32>,
      %get3A_996 = vector.shape_cast %get3A_995 : vector<1x1x16xf32> to vector<16xf32>
      %get3A_997 = arith.constant 1 : i32
      %get3A_998 = arith.index_cast %get3A_997 : i32 to index
      %get3A_999 = arith.index_cast %scan3A_829 : i32 to index
      %get3A_1000 = arith.constant 48 : index
      %get3A_1001 = tpu.vector_load %arg11[%get3A_998, %get3A_999, %get3A_1000] {strides = array<i32>} : memref<2x128x128xf32, #tpu.memory_space<vmem>>, vector<1x1x16xf32>,
      %get3A_1002 = vector.shape_cast %get3A_1001 : vector<1x1x16xf32> to vector<16xf32>
      %sub3A_1003 = arith.subf %get3A_1002, %get3A_996 : vector<16xf32>
      %add3A_1004 = arith.addf %get3A_996, %sub3A_1003 : vector<16xf32>
      %swap3A_1005 = arith.constant 1 : i32
      %swap3A_1006 = arith.index_cast %swap3A_1005 : i32 to index
      %swap3A_1007 = arith.index_cast %scan3A_829 : i32 to index
      %swap3A_1008 = arith.constant 112 : index
      %swap3A_1009 = tpu.vector_load %arg12[%swap3A_1006, %swap3A_1007, %swap3A_1008] {strides = array<i32>} : memref<2x128x128xf32, #tpu.memory_space<vmem>>, vector<1x1x16xf32>,
      %swap3A_1010 = vector.shape_cast %swap3A_1009 : vector<1x1x16xf32> to vector<16xf32>
      %swap3A_1011 = vector.shape_cast %add3A_1004 : vector<16xf32> to vector<1x1x16xf32>
      tpu.vector_store %arg12[%swap3A_1006, %swap3A_1007, %swap3A_1008], %swap3A_1011 {strides = array<i32>} : memref<2x128x128xf32, #tpu.memory_space<vmem>>, vector<1x1x16xf32>,
      %mul3A_1012 = arith.mulf %sub3A_1003, %sub3A_1003 : vector<16xf32>
      %add3A_1013 = arith.addf %add3A_990, %mul3A_1012 : vector<16xf32>
      scf.yield %add3A_1013 : vector<16xf32>
    }
    %scan3A_822 = arith.constant 128 : i32
    %add3A_823 = arith.constant 384 : i32
    %add3A_824 = arith.addi %mul3A_2, %add3A_823 : i32
    %run_scoped3A_825 = arith.constant 1 : i32
    "tpu.region"() ({
      %run_scoped3A_829 = tpu.sem_alloc : memref<!tpu.dma_semaphore, #tpu.memory_space<semaphore_mem>>
      %dma_start3A_830 = arith.constant 0 : i32
      %dma_start3A_831 = arith.constant 0 : i32
      %dma_start3A_832 = tpu.memref_slice %arg12[%run_scoped3A_825, %dma_start3A_830, %dma_start3A_831] : memref<2x128x128xf32, #tpu.memory_space<vmem>> -> memref<1x128x128xf32, #tpu.memory_space<vmem>>
      %dma_start3A_833 = tpu.memref_squeeze %dma_start3A_832 : memref<1x128x128xf32, #tpu.memory_space<vmem>> -> memref<128x128xf32, #tpu.memory_space<vmem>>
      %dma_start3A_834 = arith.constant 0 : i32
      %dma_start3A_835 = tpu.memref_slice %arg6[%add3A_824, %dma_start3A_834] : memref<16384x128xf32, #tpu.memory_space<hbm>> -> memref<128x128xf32, #tpu.memory_space<hbm>>
      %dma_start3A_836 = arith.constant 0 : i32
      %dma_start3A_837 = tpu.memref_slice %arg6[%add3A_824, %dma_start3A_836] : memref<16384x128xf32, #tpu.memory_space<hbm>> -> memref<128x128xf32, #tpu.memory_space<hbm>>
      %dma_start3A_838 = arith.constant 0 : i32
      %dma_start3A_839 = arith.constant 0 : i32
      %dma_start3A_840 = tpu.memref_slice %arg12[%run_scoped3A_825, %dma_start3A_838, %dma_start3A_839] : memref<2x128x128xf32, #tpu.memory_space<vmem>> -> memref<1x128x128xf32, #tpu.memory_space<vmem>>
      %dma_start3A_841 = tpu.memref_squeeze %dma_start3A_840 : memref<1x128x128xf32, #tpu.memory_space<vmem>> -> memref<128x128xf32, #tpu.memory_space<vmem>>
      tpu.enqueue_dma source(%dma_start3A_841 : memref<128x128xf32, #tpu.memory_space<vmem>>) target(%dma_start3A_837 : memref<128x128xf32, #tpu.memory_space<hbm>>) target_semaphore(%run_scoped3A_829 : memref<!tpu.dma_semaphore, #tpu.memory_space<semaphore_mem>>)
      %dma_wait3A_842 = arith.constant 0 : i32
      %dma_wait3A_843 = arith.constant 0 : i32
      %dma_wait3A_844 = tpu.memref_slice %arg12[%run_scoped3A_825, %dma_wait3A_842, %dma_wait3A_843] : memref<2x128x128xf32, #tpu.memory_space<vmem>> -> memref<1x128x128xf32, #tpu.memory_space<vmem>>
      %dma_wait3A_845 = tpu.memref_squeeze %dma_wait3A_844 : memref<1x128x128xf32, #tpu.memory_space<vmem>> -> memref<128x128xf32, #tpu.memory_space<vmem>>
      %dma_wait3A_846 = arith.constant 0 : i32
      %dma_wait3A_847 = tpu.memref_slice %arg6[%add3A_824, %dma_wait3A_846] : memref<16384x128xf32, #tpu.memory_space<hbm>> -> memref<128x128xf32, #tpu.memory_space<hbm>>
      %dma_wait3A_848 = arith.constant 0 : i32
      %dma_wait3A_849 = tpu.memref_slice %arg6[%add3A_824, %dma_wait3A_848] : memref<16384x128xf32, #tpu.memory_space<hbm>> -> memref<128x128xf32, #tpu.memory_space<hbm>>
      %dma_wait3A_850 = arith.constant 0 : i32
      %dma_wait3A_851 = arith.constant 0 : i32
      %dma_wait3A_852 = tpu.memref_slice %arg12[%run_scoped3A_825, %dma_wait3A_850, %dma_wait3A_851] : memref<2x128x128xf32, #tpu.memory_space<vmem>> -> memref<1x128x128xf32, #tpu.memory_space<vmem>>
      %dma_wait3A_853 = tpu.memref_squeeze %dma_wait3A_852 : memref<1x128x128xf32, #tpu.memory_space<vmem>> -> memref<128x128xf32, #tpu.memory_space<vmem>>
      tpu.wait_dma2 semaphore(%run_scoped3A_829 : memref<!tpu.dma_semaphore, #tpu.memory_space<semaphore_mem>>) src(%dma_wait3A_853 : memref<128x128xf32, #tpu.memory_space<vmem>>) dst(%dma_wait3A_849 : memref<128x128xf32, #tpu.memory_space<hbm>>)
      tpu.yield
    }) : () -> ()
    %swap3A = arith.constant 0 : index
    %swap3A_826 = tpu.vector_load %arg13[%swap3A] {strides = array<i32>} : memref<16xf32, #tpu.memory_space<vmem>>, vector<16xf32>,
    %swap3A_827 = vector.shape_cast %swap3A_826 : vector<16xf32> to vector<16xf32>
    %swap3A_828 = vector.shape_cast %scan3A_821 : vector<16xf32> to vector<16xf32>
    tpu.vector_store %arg13[%swap3A], %swap3A_828 {strides = array<i32>} : memref<16xf32, #tpu.memory_space<vmem>>, vector<16xf32>,
    "tpu.region"() ({
      %run_scoped3A_829 = tpu.sem_alloc : memref<!tpu.dma_semaphore, #tpu.memory_space<semaphore_mem>>
      %dma_start3A_830 = arith.constant 0 : i32
      %dma_start3A_831 = tpu.memref_slice %arg7[%add3A, %dma_start3A_830] : memref<32x16xf32, #tpu.memory_space<hbm>> -> memref<1x16xf32, #tpu.memory_space<hbm>>
      %dma_start3A_832 = tpu.memref_squeeze %dma_start3A_831 : memref<1x16xf32, #tpu.memory_space<hbm>> -> memref<16xf32, #tpu.memory_space<hbm>>
      %dma_start3A_833 = arith.constant 0 : i32
      %dma_start3A_834 = tpu.memref_slice %arg7[%add3A, %dma_start3A_833] : memref<32x16xf32, #tpu.memory_space<hbm>> -> memref<1x16xf32, #tpu.memory_space<hbm>>
      %dma_start3A_835 = tpu.memref_squeeze %dma_start3A_834 : memref<1x16xf32, #tpu.memory_space<hbm>> -> memref<16xf32, #tpu.memory_space<hbm>>
      tpu.enqueue_dma source(%arg13 : memref<16xf32, #tpu.memory_space<vmem>>) target(%dma_start3A_835 : memref<16xf32, #tpu.memory_space<hbm>>) target_semaphore(%run_scoped3A_829 : memref<!tpu.dma_semaphore, #tpu.memory_space<semaphore_mem>>)
      %dma_wait3A_836 = arith.constant 0 : i32
      %dma_wait3A_837 = tpu.memref_slice %arg7[%add3A, %dma_wait3A_836] : memref<32x16xf32, #tpu.memory_space<hbm>> -> memref<1x16xf32, #tpu.memory_space<hbm>>
      %dma_wait3A_838 = tpu.memref_squeeze %dma_wait3A_837 : memref<1x16xf32, #tpu.memory_space<hbm>> -> memref<16xf32, #tpu.memory_space<hbm>>
      %dma_wait3A_839 = arith.constant 0 : i32
      %dma_wait3A_840 = tpu.memref_slice %arg7[%add3A, %dma_wait3A_839] : memref<32x16xf32, #tpu.memory_space<hbm>> -> memref<1x16xf32, #tpu.memory_space<hbm>>
      %dma_wait3A_841 = tpu.memref_squeeze %dma_wait3A_840 : memref<1x16xf32, #tpu.memory_space<hbm>> -> memref<16xf32, #tpu.memory_space<hbm>>
      tpu.wait_dma2 semaphore(%run_scoped3A_829 : memref<!tpu.dma_semaphore, #tpu.memory_space<semaphore_mem>>) src(%arg13 : memref<16xf32, #tpu.memory_space<vmem>>) dst(%dma_wait3A_841 : memref<16xf32, #tpu.memory_space<hbm>>)
      tpu.yield
    }) : () -> ()
    return
  }
}

module attributes {stable_mosaic.version = 14 : i64} {
  func.func @_tc_body(%arg0: i32, %arg1: memref<1024x128xf32, #tpu.memory_space<vmem>>, %arg2: memref<512x64xf32, #tpu.memory_space<vmem>>, %arg3: memref<1x8x128xi32, #tpu.memory_space<vmem>>, %arg4: memref<1x8x128xi32, #tpu.memory_space<vmem>>) attributes {dimension_semantics = [#tpu.dimension_semantics<arbitrary>], iteration_bounds = array<i64: 16>, scalar_prefetch = 0 : i64, scratch_operands = 0 : i64, tpu.core_type = #tpu.core_type<tc>, window_params = [{transform_indices = @transform_0, window_bounds = array<i64: 1024, 128>}, {pipeline_mode = #tpu.pipeline_mode<synchronous>, transform_indices = @transform_1, window_bounds = array<i64: 512, 64>}, {transform_indices = @transform_2, window_bounds = array<i64: 1, 8, 128>}, {transform_indices = @transform_3, window_bounds = array<i64: 1, 8, 128>}]} {
    %iota3A = tpu.iota {dimensions = array<i32: 1>} : vector<1024x128xi32>
    %convert_element_type3A = arith.sitofp %iota3A : vector<1024x128xi32> to vector<1024x128xf32>
    %get3A = arith.constant 0 : index
    %get3A_0 = arith.constant 0 : index
    %get3A_1 = vector.load %arg1[%get3A, %get3A_0] : memref<1024x128xf32, #tpu.memory_space<vmem>>, vector<1024x64xf32>
    %mul3A = arith.mulf %get3A_1, %get3A_1 : vector<1024x64xf32>
    %reduce_sum3A = arith.constant dense<0.000000e+00> : vector<1024xf32>
    %reduce_sum3A_2 = vector.multi_reduction <add>, %mul3A, %reduce_sum3A [1] : vector<1024x64xf32> to vector<1024xf32>
    %broadcast_in_dim3A = vector.shape_cast %reduce_sum3A_2 : vector<1024xf32> to vector<1024x1xf32>
    %broadcast_in_dim3A_3 = arith.constant 0.000000e+00 : f32
    %broadcast_in_dim3A_4 = vector.broadcast %broadcast_in_dim3A_3 : f32 to vector<1024x128xf32>
    %get3A_5 = arith.constant 0 : index
    %get3A_6 = arith.constant 0 : index
    %get3A_7 = vector.load %arg2[%get3A_5, %get3A_6] : memref<512x64xf32, #tpu.memory_space<vmem>>, vector<128x64xf32>
    %dot_general3A = arith.constant dense<0.000000e+00> : vector<1024x128xf32>
    %dot_general3A_8 = tpu.matmul %get3A_1, %get3A_7, %dot_general3A {dimension_numbers = #tpu.dot_dimension_numbers<[1], [1], [0], [0], [0, 0, 1, 0], [], []>, transpose_lhs_hint = false} : vector<1024x64xf32>, vector<128x64xf32>, vector<1024x128xf32> -> vector<1024x128xf32>
    %mul3A_9 = arith.mulf %get3A_7, %get3A_7 : vector<128x64xf32>
    %reduce_sum3A_10 = arith.constant dense<0.000000e+00> : vector<128xf32>
    %reduce_sum3A_11 = vector.multi_reduction <add>, %mul3A_9, %reduce_sum3A_10 [1] : vector<128x64xf32> to vector<128xf32>
    %broadcast_in_dim3A_12 = vector.shape_cast %reduce_sum3A_11 : vector<128xf32> to vector<1x128xf32>
    %add3A = vector.broadcast %broadcast_in_dim3A : vector<1024x1xf32> to vector<1024x128xf32>
    %add3A_13 = vector.broadcast %broadcast_in_dim3A_12 : vector<1x128xf32> to vector<1024x128xf32>
    %add3A_14 = arith.addf %add3A, %add3A_13 : vector<1024x128xf32>
    %mul3A_15 = arith.constant 2.000000e+00 : f32
    %mul3A_16 = vector.broadcast %mul3A_15 : f32 to vector<1024x128xf32>
    %mul3A_17 = arith.mulf %mul3A_16, %dot_general3A_8 : vector<1024x128xf32>
    %sub3A = arith.subf %add3A_14, %mul3A_17 : vector<1024x128xf32>
    %get3A_18 = arith.constant 128 : index
    %get3A_19 = arith.constant 0 : index
    %get3A_20 = vector.load %arg2[%get3A_18, %get3A_19] : memref<512x64xf32, #tpu.memory_space<vmem>>, vector<128x64xf32>
    %dot_general3A_21 = arith.constant dense<0.000000e+00> : vector<1024x128xf32>
    %dot_general3A_22 = tpu.matmul %get3A_1, %get3A_20, %dot_general3A_21 {dimension_numbers = #tpu.dot_dimension_numbers<[1], [1], [0], [0], [0, 0, 1, 0], [], []>, transpose_lhs_hint = false} : vector<1024x64xf32>, vector<128x64xf32>, vector<1024x128xf32> -> vector<1024x128xf32>
    %mul3A_23 = arith.mulf %get3A_20, %get3A_20 : vector<128x64xf32>
    %reduce_sum3A_24 = arith.constant dense<0.000000e+00> : vector<128xf32>
    %reduce_sum3A_25 = vector.multi_reduction <add>, %mul3A_23, %reduce_sum3A_24 [1] : vector<128x64xf32> to vector<128xf32>
    %broadcast_in_dim3A_26 = vector.shape_cast %reduce_sum3A_25 : vector<128xf32> to vector<1x128xf32>
    %add3A_27 = vector.broadcast %broadcast_in_dim3A : vector<1024x1xf32> to vector<1024x128xf32>
    %add3A_28 = vector.broadcast %broadcast_in_dim3A_26 : vector<1x128xf32> to vector<1024x128xf32>
    %add3A_29 = arith.addf %add3A_27, %add3A_28 : vector<1024x128xf32>
    %mul3A_30 = arith.constant 2.000000e+00 : f32
    %mul3A_31 = vector.broadcast %mul3A_30 : f32 to vector<1024x128xf32>
    %mul3A_32 = arith.mulf %mul3A_31, %dot_general3A_22 : vector<1024x128xf32>
    %sub3A_33 = arith.subf %add3A_29, %mul3A_32 : vector<1024x128xf32>
    %lt3A = arith.cmpf olt, %sub3A_33, %sub3A : vector<1024x128xf32>
    %select_n3A = arith.select %lt3A, %sub3A_33, %sub3A : vector<1024x128xi1>, vector<1024x128xf32>
    %jit3A = arith.constant 1.280000e+02 : f32
    %broadcast_in_dim3A_34 = vector.broadcast %jit3A : f32 to vector<1024x128xf32>
    %select_n3A_35 = arith.select %lt3A, %broadcast_in_dim3A_34, %broadcast_in_dim3A_4 : vector<1024x128xi1>, vector<1024x128xf32>
    %get3A_36 = arith.constant 256 : index
    %get3A_37 = arith.constant 0 : index
    %get3A_38 = vector.load %arg2[%get3A_36, %get3A_37] : memref<512x64xf32, #tpu.memory_space<vmem>>, vector<128x64xf32>
    %dot_general3A_39 = arith.constant dense<0.000000e+00> : vector<1024x128xf32>
    %dot_general3A_40 = tpu.matmul %get3A_1, %get3A_38, %dot_general3A_39 {dimension_numbers = #tpu.dot_dimension_numbers<[1], [1], [0], [0], [0, 0, 1, 0], [], []>, transpose_lhs_hint = false} : vector<1024x64xf32>, vector<128x64xf32>, vector<1024x128xf32> -> vector<1024x128xf32>
    %mul3A_41 = arith.mulf %get3A_38, %get3A_38 : vector<128x64xf32>
    %reduce_sum3A_42 = arith.constant dense<0.000000e+00> : vector<128xf32>
    %reduce_sum3A_43 = vector.multi_reduction <add>, %mul3A_41, %reduce_sum3A_42 [1] : vector<128x64xf32> to vector<128xf32>
    %broadcast_in_dim3A_44 = vector.shape_cast %reduce_sum3A_43 : vector<128xf32> to vector<1x128xf32>
    %add3A_45 = vector.broadcast %broadcast_in_dim3A : vector<1024x1xf32> to vector<1024x128xf32>
    %add3A_46 = vector.broadcast %broadcast_in_dim3A_44 : vector<1x128xf32> to vector<1024x128xf32>
    %add3A_47 = arith.addf %add3A_45, %add3A_46 : vector<1024x128xf32>
    %mul3A_48 = arith.constant 2.000000e+00 : f32
    %mul3A_49 = vector.broadcast %mul3A_48 : f32 to vector<1024x128xf32>
    %mul3A_50 = arith.mulf %mul3A_49, %dot_general3A_40 : vector<1024x128xf32>
    %sub3A_51 = arith.subf %add3A_47, %mul3A_50 : vector<1024x128xf32>
    %lt3A_52 = arith.cmpf olt, %sub3A_51, %select_n3A : vector<1024x128xf32>
    %select_n3A_53 = arith.select %lt3A_52, %sub3A_51, %select_n3A : vector<1024x128xi1>, vector<1024x128xf32>
    %jit3A_54 = arith.constant 2.560000e+02 : f32
    %broadcast_in_dim3A_55 = vector.broadcast %jit3A_54 : f32 to vector<1024x128xf32>
    %select_n3A_56 = arith.select %lt3A_52, %broadcast_in_dim3A_55, %select_n3A_35 : vector<1024x128xi1>, vector<1024x128xf32>
    %get3A_57 = arith.constant 384 : index
    %get3A_58 = arith.constant 0 : index
    %get3A_59 = vector.load %arg2[%get3A_57, %get3A_58] : memref<512x64xf32, #tpu.memory_space<vmem>>, vector<128x64xf32>
    %dot_general3A_60 = arith.constant dense<0.000000e+00> : vector<1024x128xf32>
    %dot_general3A_61 = tpu.matmul %get3A_1, %get3A_59, %dot_general3A_60 {dimension_numbers = #tpu.dot_dimension_numbers<[1], [1], [0], [0], [0, 0, 1, 0], [], []>, transpose_lhs_hint = false} : vector<1024x64xf32>, vector<128x64xf32>, vector<1024x128xf32> -> vector<1024x128xf32>
    %mul3A_62 = arith.mulf %get3A_59, %get3A_59 : vector<128x64xf32>
    %reduce_sum3A_63 = arith.constant dense<0.000000e+00> : vector<128xf32>
    %reduce_sum3A_64 = vector.multi_reduction <add>, %mul3A_62, %reduce_sum3A_63 [1] : vector<128x64xf32> to vector<128xf32>
    %broadcast_in_dim3A_65 = vector.shape_cast %reduce_sum3A_64 : vector<128xf32> to vector<1x128xf32>
    %add3A_66 = vector.broadcast %broadcast_in_dim3A : vector<1024x1xf32> to vector<1024x128xf32>
    %add3A_67 = vector.broadcast %broadcast_in_dim3A_65 : vector<1x128xf32> to vector<1024x128xf32>
    %add3A_68 = arith.addf %add3A_66, %add3A_67 : vector<1024x128xf32>
    %mul3A_69 = arith.constant 2.000000e+00 : f32
    %mul3A_70 = vector.broadcast %mul3A_69 : f32 to vector<1024x128xf32>
    %mul3A_71 = arith.mulf %mul3A_70, %dot_general3A_61 : vector<1024x128xf32>
    %sub3A_72 = arith.subf %add3A_68, %mul3A_71 : vector<1024x128xf32>
    %lt3A_73 = arith.cmpf olt, %sub3A_72, %select_n3A_53 : vector<1024x128xf32>
    %select_n3A_74 = arith.select %lt3A_73, %sub3A_72, %select_n3A_53 : vector<1024x128xi1>, vector<1024x128xf32>
    %jit3A_75 = arith.constant 3.840000e+02 : f32
    %broadcast_in_dim3A_76 = vector.broadcast %jit3A_75 : f32 to vector<1024x128xf32>
    %select_n3A_77 = arith.select %lt3A_73, %broadcast_in_dim3A_76, %select_n3A_56 : vector<1024x128xi1>, vector<1024x128xf32>
    %reduce_min3A = arith.constant dense<0x7F800000> : vector<1024xf32>
    %reduce_min3A_78 = vector.multi_reduction <minimumf>, %select_n3A_74, %reduce_min3A [1] : vector<1024x128xf32> to vector<1024xf32>
    %broadcast_in_dim3A_79 = vector.shape_cast %reduce_min3A_78 : vector<1024xf32> to vector<1024x1xf32>
    %eq3A = vector.broadcast %broadcast_in_dim3A_79 : vector<1024x1xf32> to vector<1024x128xf32>
    %eq3A_80 = arith.cmpf oeq, %select_n3A_74, %eq3A : vector<1024x128xf32>
    %add3A_81 = arith.addf %select_n3A_77, %convert_element_type3A : vector<1024x128xf32>
    %jit3A_82 = arith.constant 1.000000e+09 : f32
    %broadcast_in_dim3A_83 = vector.broadcast %jit3A_82 : f32 to vector<1024x128xf32>
    %select_n3A_84 = arith.select %eq3A_80, %add3A_81, %broadcast_in_dim3A_83 : vector<1024x128xi1>, vector<1024x128xf32>
    %reduce_min3A_85 = arith.constant dense<0x7F800000> : vector<1024xf32>
    %reduce_min3A_86 = vector.multi_reduction <minimumf>, %select_n3A_84, %reduce_min3A_85 [1] : vector<1024x128xf32> to vector<1024xf32>
    %convert_element_type3A_87 = arith.fptosi %reduce_min3A_86 : vector<1024xf32> to vector<1024xi32>
    %reshape3A = vector.shape_cast %convert_element_type3A_87 : vector<1024xi32> to vector<1x8x128xi32>
    %swap3A = arith.constant 0 : index
    %swap3A_88 = arith.constant 0 : index
    %swap3A_89 = arith.constant 0 : index
    %swap3A_90 = vector.load %arg3[%swap3A, %swap3A_88, %swap3A_89] : memref<1x8x128xi32, #tpu.memory_space<vmem>>, vector<1x8x128xi32>
    tpu.vector_store %arg3[%swap3A, %swap3A_88, %swap3A_89], %reshape3A {strides = array<i32>} : memref<1x8x128xi32, #tpu.memory_space<vmem>>, vector<1x8x128xi32>,
    %get3A_91 = arith.constant 0 : index
    %get3A_92 = arith.constant 64 : index
    %get3A_93 = vector.load %arg1[%get3A_91, %get3A_92] : memref<1024x128xf32, #tpu.memory_space<vmem>>, vector<1024x64xf32>
    %mul3A_94 = arith.mulf %get3A_93, %get3A_93 : vector<1024x64xf32>
    %reduce_sum3A_95 = arith.constant dense<0.000000e+00> : vector<1024xf32>
    %reduce_sum3A_96 = vector.multi_reduction <add>, %mul3A_94, %reduce_sum3A_95 [1] : vector<1024x64xf32> to vector<1024xf32>
    %broadcast_in_dim3A_97 = vector.shape_cast %reduce_sum3A_96 : vector<1024xf32> to vector<1024x1xf32>
    %broadcast_in_dim3A_98 = arith.constant 0.000000e+00 : f32
    %broadcast_in_dim3A_99 = vector.broadcast %broadcast_in_dim3A_98 : f32 to vector<1024x128xf32>
    %get3A_100 = arith.constant 0 : index
    %get3A_101 = arith.constant 0 : index
    %get3A_102 = vector.load %arg2[%get3A_100, %get3A_101] : memref<512x64xf32, #tpu.memory_space<vmem>>, vector<128x64xf32>
    %dot_general3A_103 = arith.constant dense<0.000000e+00> : vector<1024x128xf32>
    %dot_general3A_104 = tpu.matmul %get3A_93, %get3A_102, %dot_general3A_103 {dimension_numbers = #tpu.dot_dimension_numbers<[1], [1], [0], [0], [0, 0, 1, 0], [], []>, transpose_lhs_hint = false} : vector<1024x64xf32>, vector<128x64xf32>, vector<1024x128xf32> -> vector<1024x128xf32>
    %mul3A_105 = arith.mulf %get3A_102, %get3A_102 : vector<128x64xf32>
    %reduce_sum3A_106 = arith.constant dense<0.000000e+00> : vector<128xf32>
    %reduce_sum3A_107 = vector.multi_reduction <add>, %mul3A_105, %reduce_sum3A_106 [1] : vector<128x64xf32> to vector<128xf32>
    %broadcast_in_dim3A_108 = vector.shape_cast %reduce_sum3A_107 : vector<128xf32> to vector<1x128xf32>
    %add3A_109 = vector.broadcast %broadcast_in_dim3A_97 : vector<1024x1xf32> to vector<1024x128xf32>
    %add3A_110 = vector.broadcast %broadcast_in_dim3A_108 : vector<1x128xf32> to vector<1024x128xf32>
    %add3A_111 = arith.addf %add3A_109, %add3A_110 : vector<1024x128xf32>
    %mul3A_112 = arith.constant 2.000000e+00 : f32
    %mul3A_113 = vector.broadcast %mul3A_112 : f32 to vector<1024x128xf32>
    %mul3A_114 = arith.mulf %mul3A_113, %dot_general3A_104 : vector<1024x128xf32>
    %sub3A_115 = arith.subf %add3A_111, %mul3A_114 : vector<1024x128xf32>
    %get3A_116 = arith.constant 128 : index
    %get3A_117 = arith.constant 0 : index
    %get3A_118 = vector.load %arg2[%get3A_116, %get3A_117] : memref<512x64xf32, #tpu.memory_space<vmem>>, vector<128x64xf32>
    %dot_general3A_119 = arith.constant dense<0.000000e+00> : vector<1024x128xf32>
    %dot_general3A_120 = tpu.matmul %get3A_93, %get3A_118, %dot_general3A_119 {dimension_numbers = #tpu.dot_dimension_numbers<[1], [1], [0], [0], [0, 0, 1, 0], [], []>, transpose_lhs_hint = false} : vector<1024x64xf32>, vector<128x64xf32>, vector<1024x128xf32> -> vector<1024x128xf32>
    %mul3A_121 = arith.mulf %get3A_118, %get3A_118 : vector<128x64xf32>
    %reduce_sum3A_122 = arith.constant dense<0.000000e+00> : vector<128xf32>
    %reduce_sum3A_123 = vector.multi_reduction <add>, %mul3A_121, %reduce_sum3A_122 [1] : vector<128x64xf32> to vector<128xf32>
    %broadcast_in_dim3A_124 = vector.shape_cast %reduce_sum3A_123 : vector<128xf32> to vector<1x128xf32>
    %add3A_125 = vector.broadcast %broadcast_in_dim3A_97 : vector<1024x1xf32> to vector<1024x128xf32>
    %add3A_126 = vector.broadcast %broadcast_in_dim3A_124 : vector<1x128xf32> to vector<1024x128xf32>
    %add3A_127 = arith.addf %add3A_125, %add3A_126 : vector<1024x128xf32>
    %mul3A_128 = arith.constant 2.000000e+00 : f32
    %mul3A_129 = vector.broadcast %mul3A_128 : f32 to vector<1024x128xf32>
    %mul3A_130 = arith.mulf %mul3A_129, %dot_general3A_120 : vector<1024x128xf32>
    %sub3A_131 = arith.subf %add3A_127, %mul3A_130 : vector<1024x128xf32>
    %lt3A_132 = arith.cmpf olt, %sub3A_131, %sub3A_115 : vector<1024x128xf32>
    %select_n3A_133 = arith.select %lt3A_132, %sub3A_131, %sub3A_115 : vector<1024x128xi1>, vector<1024x128xf32>
    %jit3A_134 = arith.constant 1.280000e+02 : f32
    %broadcast_in_dim3A_135 = vector.broadcast %jit3A_134 : f32 to vector<1024x128xf32>
    %select_n3A_136 = arith.select %lt3A_132, %broadcast_in_dim3A_135, %broadcast_in_dim3A_99 : vector<1024x128xi1>, vector<1024x128xf32>
    %get3A_137 = arith.constant 256 : index
    %get3A_138 = arith.constant 0 : index
    %get3A_139 = vector.load %arg2[%get3A_137, %get3A_138] : memref<512x64xf32, #tpu.memory_space<vmem>>, vector<128x64xf32>
    %dot_general3A_140 = arith.constant dense<0.000000e+00> : vector<1024x128xf32>
    %dot_general3A_141 = tpu.matmul %get3A_93, %get3A_139, %dot_general3A_140 {dimension_numbers = #tpu.dot_dimension_numbers<[1], [1], [0], [0], [0, 0, 1, 0], [], []>, transpose_lhs_hint = false} : vector<1024x64xf32>, vector<128x64xf32>, vector<1024x128xf32> -> vector<1024x128xf32>
    %mul3A_142 = arith.mulf %get3A_139, %get3A_139 : vector<128x64xf32>
    %reduce_sum3A_143 = arith.constant dense<0.000000e+00> : vector<128xf32>
    %reduce_sum3A_144 = vector.multi_reduction <add>, %mul3A_142, %reduce_sum3A_143 [1] : vector<128x64xf32> to vector<128xf32>
    %broadcast_in_dim3A_145 = vector.shape_cast %reduce_sum3A_144 : vector<128xf32> to vector<1x128xf32>
    %add3A_146 = vector.broadcast %broadcast_in_dim3A_97 : vector<1024x1xf32> to vector<1024x128xf32>
    %add3A_147 = vector.broadcast %broadcast_in_dim3A_145 : vector<1x128xf32> to vector<1024x128xf32>
    %add3A_148 = arith.addf %add3A_146, %add3A_147 : vector<1024x128xf32>
    %mul3A_149 = arith.constant 2.000000e+00 : f32
    %mul3A_150 = vector.broadcast %mul3A_149 : f32 to vector<1024x128xf32>
    %mul3A_151 = arith.mulf %mul3A_150, %dot_general3A_141 : vector<1024x128xf32>
    %sub3A_152 = arith.subf %add3A_148, %mul3A_151 : vector<1024x128xf32>
    %lt3A_153 = arith.cmpf olt, %sub3A_152, %select_n3A_133 : vector<1024x128xf32>
    %select_n3A_154 = arith.select %lt3A_153, %sub3A_152, %select_n3A_133 : vector<1024x128xi1>, vector<1024x128xf32>
    %jit3A_155 = arith.constant 2.560000e+02 : f32
    %broadcast_in_dim3A_156 = vector.broadcast %jit3A_155 : f32 to vector<1024x128xf32>
    %select_n3A_157 = arith.select %lt3A_153, %broadcast_in_dim3A_156, %select_n3A_136 : vector<1024x128xi1>, vector<1024x128xf32>
    %get3A_158 = arith.constant 384 : index
    %get3A_159 = arith.constant 0 : index
    %get3A_160 = vector.load %arg2[%get3A_158, %get3A_159] : memref<512x64xf32, #tpu.memory_space<vmem>>, vector<128x64xf32>
    %dot_general3A_161 = arith.constant dense<0.000000e+00> : vector<1024x128xf32>
    %dot_general3A_162 = tpu.matmul %get3A_93, %get3A_160, %dot_general3A_161 {dimension_numbers = #tpu.dot_dimension_numbers<[1], [1], [0], [0], [0, 0, 1, 0], [], []>, transpose_lhs_hint = false} : vector<1024x64xf32>, vector<128x64xf32>, vector<1024x128xf32> -> vector<1024x128xf32>
    %mul3A_163 = arith.mulf %get3A_160, %get3A_160 : vector<128x64xf32>
    %reduce_sum3A_164 = arith.constant dense<0.000000e+00> : vector<128xf32>
    %reduce_sum3A_165 = vector.multi_reduction <add>, %mul3A_163, %reduce_sum3A_164 [1] : vector<128x64xf32> to vector<128xf32>
    %broadcast_in_dim3A_166 = vector.shape_cast %reduce_sum3A_165 : vector<128xf32> to vector<1x128xf32>
    %add3A_167 = vector.broadcast %broadcast_in_dim3A_97 : vector<1024x1xf32> to vector<1024x128xf32>
    %add3A_168 = vector.broadcast %broadcast_in_dim3A_166 : vector<1x128xf32> to vector<1024x128xf32>
    %add3A_169 = arith.addf %add3A_167, %add3A_168 : vector<1024x128xf32>
    %mul3A_170 = arith.constant 2.000000e+00 : f32
    %mul3A_171 = vector.broadcast %mul3A_170 : f32 to vector<1024x128xf32>
    %mul3A_172 = arith.mulf %mul3A_171, %dot_general3A_162 : vector<1024x128xf32>
    %sub3A_173 = arith.subf %add3A_169, %mul3A_172 : vector<1024x128xf32>
    %lt3A_174 = arith.cmpf olt, %sub3A_173, %select_n3A_154 : vector<1024x128xf32>
    %select_n3A_175 = arith.select %lt3A_174, %sub3A_173, %select_n3A_154 : vector<1024x128xi1>, vector<1024x128xf32>
    %jit3A_176 = arith.constant 3.840000e+02 : f32
    %broadcast_in_dim3A_177 = vector.broadcast %jit3A_176 : f32 to vector<1024x128xf32>
    %select_n3A_178 = arith.select %lt3A_174, %broadcast_in_dim3A_177, %select_n3A_157 : vector<1024x128xi1>, vector<1024x128xf32>
    %reduce_min3A_179 = arith.constant dense<0x7F800000> : vector<1024xf32>
    %reduce_min3A_180 = vector.multi_reduction <minimumf>, %select_n3A_175, %reduce_min3A_179 [1] : vector<1024x128xf32> to vector<1024xf32>
    %broadcast_in_dim3A_181 = vector.shape_cast %reduce_min3A_180 : vector<1024xf32> to vector<1024x1xf32>
    %eq3A_182 = vector.broadcast %broadcast_in_dim3A_181 : vector<1024x1xf32> to vector<1024x128xf32>
    %eq3A_183 = arith.cmpf oeq, %select_n3A_175, %eq3A_182 : vector<1024x128xf32>
    %add3A_184 = arith.addf %select_n3A_178, %convert_element_type3A : vector<1024x128xf32>
    %jit3A_185 = arith.constant 1.000000e+09 : f32
    %broadcast_in_dim3A_186 = vector.broadcast %jit3A_185 : f32 to vector<1024x128xf32>
    %select_n3A_187 = arith.select %eq3A_183, %add3A_184, %broadcast_in_dim3A_186 : vector<1024x128xi1>, vector<1024x128xf32>
    %reduce_min3A_188 = arith.constant dense<0x7F800000> : vector<1024xf32>
    %reduce_min3A_189 = vector.multi_reduction <minimumf>, %select_n3A_187, %reduce_min3A_188 [1] : vector<1024x128xf32> to vector<1024xf32>
    %convert_element_type3A_190 = arith.fptosi %reduce_min3A_189 : vector<1024xf32> to vector<1024xi32>
    %reshape3A_191 = vector.shape_cast %convert_element_type3A_190 : vector<1024xi32> to vector<1x8x128xi32>
    %swap3A_192 = arith.constant 0 : index
    %swap3A_193 = arith.constant 0 : index
    %swap3A_194 = arith.constant 0 : index
    %swap3A_195 = vector.load %arg4[%swap3A_192, %swap3A_193, %swap3A_194] : memref<1x8x128xi32, #tpu.memory_space<vmem>>, vector<1x8x128xi32>
    tpu.vector_store %arg4[%swap3A_192, %swap3A_193, %swap3A_194], %reshape3A_191 {strides = array<i32>} : memref<1x8x128xi32, #tpu.memory_space<vmem>>, vector<1x8x128xi32>,
    return
  }
  func.func @transform_0(%arg0: i32) -> (i32, i32) {
    %c0_i32 = arith.constant 0 : i32
    %c0_i32_0 = arith.constant 0 : i32
    return %arg0, %c0_i32 : i32, i32
  }
  func.func @transform_1(%arg0: i32) -> (i32, i32) {
    %c0_i32 = arith.constant 0 : i32
    %c0_i32_0 = arith.constant 0 : i32
    %c0_i32_1 = arith.constant 0 : i32
    return %c0_i32, %c0_i32_0 : i32, i32
  }
  func.func @transform_2(%arg0: i32) -> (i32, i32, i32) {
    %c0_i32 = arith.constant 0 : i32
    %c0_i32_0 = arith.constant 0 : i32
    %c0_i32_1 = arith.constant 0 : i32
    return %arg0, %c0_i32, %c0_i32_0 : i32, i32, i32
  }
  func.func @transform_3(%arg0: i32) -> (i32, i32, i32) {
    %c0_i32 = arith.constant 0 : i32
    %c0_i32_0 = arith.constant 0 : i32
    %c0_i32_1 = arith.constant 0 : i32
    return %arg0, %c0_i32, %c0_i32_0 : i32, i32, i32
  }
}

</mosaic_0001>

<sc_bundles>
// kernel: kernel.4.cloned.1.call-start
scs
__scs_entry_jumppad:
0x0: {  	(pc) =	sbr.rel $0x88, $3  }
0x1: {  	(tag) =	ssettag $0x0;
	lr =	simm.s32 $0x1  }
0x2: {  	[smem:$0x3F9F] =	sst lr;
	_ =	strace $0xD0000000  }
0x3: {  	_ = 	snop  }
0x4: {  	_ = 	snop  }
0x5: {  	_ = 	snop  }
0x6: {  	_ = 	snop  }
0x7: {  	_ = 	snop  }
__scs_overlays_trampoline_lowered:
0x8: {  	[smem:$0x3FAE] =	sst s0  }
0x9: {  	[smem:$0x3FAF] =	sst s1  }
0xa: {  	[smem:$0x3FB0] =	sst s2  }
0xb: {  	[smem:$0x3FB1] =	sst s3  }
0xc: {  	[smem:$0x3FB2] =	sst s4  }
0xd: {  	[smem:$0x3FB3] =	sst s5  }
0xe: {  	[smem:$0x3FB4] =	sst s6  }
0xf: {  	[smem:$0x3FB5] =	sst s7  }
0x10: {  	[smem:$0x3FB6] =	sst s8  }
0x11: {  	[smem:$0x3FB7] =	sst s9;
	s0 =	simm.s32 @!p0 $0x0  }
0x12: {  	s1 =	sld [smem:$0x3F9D];
	s0 =	simm.s32 @p0 $0x1  }
0x13: {  	[smem:$0x3FB8] =	sst s0;
	s0 =	simm.s32 @!p1 $0x0  }
0x14: {  	s2 =	sld [smem:$0x3F9C];
	s0 =	simm.s32 @p1 $0x1  }
0x15: {  	[smem:$0x3FB9] =	sst s0;
	s0 =	simm.s32 @!p2 $0x0  }
0x16: {  	s3 =	sld [smem:$0x3FDB];
	s0 =	simm.s32 @p2 $0x1  }
0x17: {  	s4 =	simm.s32 $0x1BF5;
	[smem:$0x3FBB] =	sst s0  }
0x18: {  	s0 =	sld [smem:$0x3F9E];
	_ =	swait.ge [sflag:s4], $0x0  }
0x19: {  	s7 =	sld [smem:$0x3F9F]  }
0x1a: {  	s8 =	sadd.s32 $0xFFFFE003, lr  }
0x1b: {  	s9 =	sadd.s32 $0xFFFFFEF7, lr;
	s5 =	simm.s32 $0xFFFFFFFF;
	p2 =	slt.u32 s8, $0xFFFFF086  }
0x1c: {  	p1 =	slt.u32 s9, $0xF7A;
	s5 =	simm.s32 @!p2 $0x0  }
0x1d: {  	s5 =	simm.s32 @p1 $0x1;
	p0 =	seq.s32 s7, s2  }
0x1e: {  	s7 =	smul.u32 @!p0 $0xF7A, s2;
	p2 =	seq.s32 @!p0 s5, $0x0  }
0x1f: {  	s9 =	smul.u32 $0xF7A, s1;
	s8 =	simm.s32 @!p0 $0x1BF5;
	p2 =	por !p2, p0  }
0x20: {  	[sflag:s8] =	ssyncset.s32 @!p0 $0xFFFFF086;
	s6 =	sadd.s32 @!p0 s3, s7;
	s7 =	simm.s32 @!p0 $0x108  }
0x21: {  	s3 =	sadd.s32 s3, s9;
	s6 =	sadd.s32 @!p0 $0x88, s6;
	s7 =	simm.s32 @p2 $0x1082  }
0x22: {  	[simem:s7], [sflag:s8] =	dma.local @!p0 [hbm:s6], $0xF7A  }
0x23: {  	s9 =	sor.u32 $0xD0000000, s2;
	s6 =	simm.s32 $0x108;
	_ =	swait.ge @!p0 [sflag:s8], $0x0  }
0x24: {  	s3 =	sadd.s32 $0x88, s3;
	s6 =	simm.s32 @!p1 $0x1082;
	[sflag:s4] =	ssyncset.s32 $0xFFFFF086  }
0x25: {  	[simem:s6], [sflag:s4] =	dma.local [hbm:s3], $0xF7A  }
0x26: {  	[smem:$0x3F9F] =	sst s1;
	(tag) =	ssettag s2;
	_ =	strace s9  }
0x27: {  	s1 =	sld [smem:$0x3FAF]  }
0x28: {  	s2 =	sld [smem:$0x3FB0]  }
0x29: {  	s4 =	sld [smem:$0x3FB2]  }
0x2a: {  	p0 =	seq.s32 s5, $0x0;
	s5 =	sld [smem:$0x3FB3]  }
0x2b: {  	s6 =	sld [smem:$0x3FB4]  }
0x2c: {  	s7 =	sld [smem:$0x3FB5]  }
0x2d: {  	s3 =	simm.s32 $0x108;
	s8 =	sld [smem:$0x3FB6]  }
0x2e: {  	s3 =	simm.s32 @!p0 $0x1082;
	s9 =	sld [smem:$0x3FB7]  }
0x2f: {  	lr =	sadd.s32 s0, s3;
	s0 =	sld [smem:$0x3FAE]  }
0x30: {  	s3 =	sld [smem:$0x3FB1]  }
0x31: {  	[smem:$0x3FBA] =	sst s10  }
0x32: {  	s10 =	sld [smem:$0x3FB8];
	_ =	sdelay $0x3  }
0x33: {  	p0 =	seq.s32 s10, $0x1;
	s10 =	sld [smem:$0x3FBA];
	_ =	sdelay $0x3  }
0x34: {  	[smem:$0x3FBA] =	sst s10  }
0x35: {  	s10 =	sld [smem:$0x3FB9];
	_ =	sdelay $0x3  }
0x36: {  	p1 =	seq.s32 s10, $0x1;
	s10 =	sld [smem:$0x3FBA];
	_ =	sdelay $0x3  }
0x37: {  	[smem:$0x3FBA] =	sst s10  }
0x38: {  	s10 =	sld [smem:$0x3FBB]  }
0x39: {  	_ = 	snop;
	(pc) =	sbr.ind lr, $3  }
0x3a: {  	_ = 	snop  }
0x3b: {  	_ = 	snop  }
0x3c: {  	p2 =	seq.s32 s10, $0x1;
	s10 =	sld [smem:$0x3FBA]  }
0x3d: {  	_ =	shalt  }
0x3e: {  	_ =	shalt  }
0x3f: {  	_ =	shalt  }
0x40: {  	_ =	shalt  }
0x41: {  	_ =	shalt  }
0x42: {  	_ =	shalt  }
0x43: {  	_ =	shalt  }
0x44: {  	_ =	shalt  }
0x45: {  	_ =	shalt  }
0x46: {  	_ =	shalt  }
0x47: {  	_ =	shalt  }
0x48: {  	_ =	shalt  }
0x49: {  	_ =	shalt  }
0x4a: {  	_ =	shalt  }
0x4b: {  	_ =	shalt  }
0x4c: {  	_ =	shalt  }
0x4d: {  	_ =	shalt  }
0x4e: {  	_ =	shalt  }
0x4f: {  	_ =	shalt  }
0x50: {  	_ =	shalt  }
0x51: {  	_ =	shalt  }
0x52: {  	_ =	shalt  }
0x53: {  	_ =	shalt  }
0x54: {  	_ =	shalt  }
0x55: {  	_ =	shalt  }
0x56: {  	_ =	shalt  }
0x57: {  	_ =	shalt  }
0x58: {  	_ =	shalt  }
0x59: {  	_ =	shalt  }
0x5a: {  	_ =	shalt  }
0x5b: {  	_ =	shalt  }
0x5c: {  	_ =	shalt  }
0x5d: {  	_ =	shalt  }
0x5e: {  	_ =	shalt  }
0x5f: {  	_ =	shalt  }
0x60: {  	_ =	shalt  }
0x61: {  	_ =	shalt  }
0x62: {  	_ =	shalt  }
0x63: {  	_ =	shalt  }
0x64: {  	_ =	shalt  }
0x65: {  	_ =	shalt  }
0x66: {  	_ =	shalt  }
0x67: {  	_ =	shalt  }
0x68: {  	_ =	shalt  }
0x69: {  	_ =	shalt  }
0x6a: {  	_ =	shalt  }
0x6b: {  	_ =	shalt  }
0x6c: {  	_ =	shalt  }
0x6d: {  	_ =	shalt  }
0x6e: {  	_ =	shalt  }
0x6f: {  	_ =	shalt  }
0x70: {  	_ =	shalt  }
0x71: {  	_ =	shalt  }
0x72: {  	_ =	shalt  }
0x73: {  	_ =	shalt  }
0x74: {  	_ =	shalt  }
0x75: {  	_ =	shalt  }
0x76: {  	_ =	shalt  }
0x77: {  	_ =	shalt  }
0x78: {  	_ =	shalt  }
0x79: {  	_ =	shalt  }
0x7a: {  	_ =	shalt  }
0x7b: {  	_ =	shalt  }
0x7c: {  	_ =	shalt  }
0x7d: {  	_ =	shalt  }
0x7e: {  	_ =	shalt  }
0x7f: {  	_ =	shalt  }
0x80: {  	_ =	shalt  }
0x81: {  	_ =	shalt  }
0x82: {  	_ =	shalt  }
0x83: {  	_ =	shalt  }
0x84: {  	_ =	shalt  }
0x85: {  	_ =	shalt  }
0x86: {  	_ =	shalt  }
0x87: {  	_ =	shalt  }
.Lfunc_end0:
.L_simem_size_0:
called_computation_lowered:
.L_overlay_start_0:
0x88: {  	s2 =	sld [smem:$0x3FD9]  }
0x89: {  	s3 =	sld [smem:$0x3FFE];
	_ =	sdelay $0x1  }
0x8a: {  	s1 =	srdreg.scid  }
0x8b: {  	s0 =	sand.u32 $0x1, s1  }
0x8c: {  	s14 =	sshll.u32 s0, $0xA;
	s2 =	sadd.s32 s3, s2  }
0x8d: {  	s2 =	sadd.s32 s2, s14  }
0x8e: {  	[smem:$0x3FC6] =	sst s2  }
0x8f: {  	_ = 	snop  }
0x90: {  	s2 =	sld [smem:$0x3FD0];
	_ =	sdelay $0x2  }
0x91: {  	s15 =	simm.s32 $0xA;
	s4 =	simm.s32 $0x10  }
0x92: {  	[smem:s4], [sflag:s15] =	dma.local [hbm:s2], $0x1  }
0x93: {  	_ =	swait.eq [sflag:s15], $0x1  }
0x94: {  	[sflag:s15] =	ssyncset.done $0x0  }
0x95: {  	[sflag:s15] =	ssyncadd.s32 $0xFFFFFFFF  }
0x96: {  	s16 =	sld [smem:$0x10];
	(tm) =	ssettm $0x1  }
0x97: {  	s17 =	sld [smem:$0x3FFB];
	_ =	sdelay $0x3  }
0x98: {  	_ =	strace s17  }
0x99: {  	s3 =	sld [smem:$0x3FFC];
	_ =	sdelay $0x3  }
0x9a: {  	_ =	strace s3  }
0x9b: {  	s3 =	sld [smem:$0x3FFD];
	_ =	sdelay $0x3  }
0x9c: {  	_ =	strace s3  }
0x9d: {  	_ =	strace $0x8FFFFFFF  }
0x9e: {  	s18 =	sld [smem:$0x3FDB];
	_ =	sdelay $0x1  }
0x9f: {  	s19 =	simm.s32 $_scs_section_size  }
0xa0: {  	s5 =	simm.s32 $_size__tile_overlayer_lowered;
	s6 =	simm.s32 $_tile_overlayer_lowered  }
0xa1: {  	s22 =	simm.s32 $0x1BFF;
	s21 =	sshll.u32 s6, $0x1;
	s3 =	sadd.s32 s19, s18  }
0xa2: {  	s7 =	simm.s32 $0x0;
	s20 =	sshll.u32 s5, $0x1;
	s5 =	sadd.s32 s21, s3  }
0xa3: {  	[timem:s7], [sflag:s22] =	dma.local [hbm:s5], s20  }
0xa4: {  	_ =	swait.ge [sflag:s22], s20  }
0xa5: {  	s4 =	ssub.s32 $0x0, s20;
	[sflag:s22] =	ssyncset.done $0x0  }
0xa6: {  	[sflag:s22] =	ssyncadd.s32 s4;
	_ =	sdelay $0x1  }
0xa7: {  	s23 =	simm.s32 $0x1B8B  }
0xa8: {  	_ =	swait.ge [sflag:s23], $0x1  }
0xa9: {  	[sflag:s23] =	ssyncset.done $0x0  }
0xaa: {  	s25 =	simm.s32 $0x1B8E;
	s24 =	sld [smem:$0x3FFE];
	[sflag:s23] =	ssyncadd.s32 $0xFFFFFFFF  }
0xab: {  	s26 =	simm.s32 $execute0_lowered;
	[smem:$0x3FD2] =	sst s25  }
0xac: {  	s5 =	sshll.u32 s26, $0x1;
	_ =	strace $0x80000046;
	[dreg:$0x1] =	wrdreg $0xFFFFFFFF  }
0xad: {  	s28 =	simm.s32 $_size_execute0_lowered;
	s3 =	sadd.s32 s3, s5;
	[dreg:$0x0] =	wrdreg $0x0  }
0xae: {  	s5 =	sshll.u32 s28, $0x1;
	[dreg:$0x2] =	wrdreg s3  }
0xaf: {  	[dreg:$0x3] =	wrdreg s5  }
0xb0: {  	[dreg:$0x4] =	wrdreg $0xC0  }
0xb1: {  	_ =	task [dreg:s7], $0x5FFFF  }
0xb2: {  	[dreg:$0x1] =	wrdreg $0xFFFFFFFF  }
0xb3: {  	[dreg:$0x0] =	wrdreg $0x60  }
0xb4: {  	[dreg:$0x2] =	wrdreg s24  }
0xb5: {  	[dreg:$0x3] =	wrdreg s16  }
0xb6: {  	[dreg:$0x4] =	wrdreg $0x9  }
0xb7: {  	_ =	task.clear_ibuf [dreg:s7], $0x5FFFF;
	_ =	strace $0x90000046  }
0xb8: {  	s29 =	simm.s32 $0x9;
	_ =	strace $0x80000048  }
0xb9: {  	_ =	swait.ge [sflag:s29], $0x1  }
0xba: {  	[sflag:s29] =	ssyncadd.s32 $0xFFFFFFFF  }
0xbb: {  	_ =	strace $0x90000048  }
0xbc: {  	_ =	sfence  }
0xbd: {  	s30 =	sld [smem:$0x0];
	_ =	sdelay $0x2  }
0xbe: {  	s31 =	sshll.u32 s1, $0xD;
	s1 =	sshrl.u32 s1, $0x2  }
0xbf: {  	s3 =	sand.u32 $0x4000, s31;
	s1 =	sadd.s32 s1, s30  }
0xc0: {  	s0 =	sor.u32 s3, s0;
	s1 =	sshll.u32 s1, $0x11  }
0xc1: {  	s0 =	sor.u32 s1, s0  }
0xc2: {  	s0 =	sadd.s32 $0x8F2B, s0  }
0xc3: {  	[sflag:s0] =	ssyncadd.remote.s32 $0x1  }
0xc4: {  	_ =	sfence.sel $0xFFFF  }
0xc5: {  	[dreg:$0x0] =	wrdreg $0xFFFFFFFF;
	(pc) =	sbr.abs _section_cstart, $3  }
0xc6: {  	[dreg:$0x1] =	wrdreg $0xFFFFFFFF  }
0xc7: {  	_ =	task.clear_ibuf [dreg:s7], $0x2FFFF;
	_ =	strace $0x9FFFFFFF  }
0xc8: {  	(tm) =	ssettm $0x7FFFFFFF  }
0xc9: {  	_ =	shalt  }
tec
execute0_lowered:
.L_overlay_start_1:
0x0: {  	(tag) =	ssettag $0x1  }
0x1: {  	s0 =	rddreg [dreg:$0x0]  }
0x2: {  	s1 =	rddreg [dreg:$0x1]  }
0x3: {  	s2 =	simm.s32 $0x0;
	s4 =	srdreg.scid;
	s9 =	stileid.u32  }
0x4: {  	s28 =	simm.s32 $0x10200;
	s29 =	simm.s32 $0x1;
	s30 =	simm.s32 $0x180  }
0x5: {  	s31 =	simm.s32 $0x4200;
	[smem:$0x7FF] =	sst s2;
	s5 =	sadd.s32 $0x3000, s0  }
0x6: {  	s6 =	sand.u32 $0x1, s4;
	s7 =	sshll.u32 s9, $0x1;
	s16 =	sadd.s32 $0x3800, s0  }
0x7: {  	s3 =	sadd.s32 $0x1000, s0;
	s19 =	sadd.s32 $0x4200, s0;
	s4 =	sshll.u32 s4, $0x9  }
0x8: {  	s9 =	sshll.u32 s9, $0xA;
	_ =	strace $0x80000047;
	s7 =	sor.u32 s6, s7  }
0x9: {  	s6 =	ssub.s32 $0x2, s6;
	s4 =	sand.u32 $0x200, s4;
	s8 =	sshll.u32 s7, $0x4  }
0xa: {  	s17 =	sshrl.u32 s6, $0x1;
	s4 =	sor.u32 s4, s9;
	s14 =	sshll.u32 s7, $0x9  }
0xb: {  	s7 =	sshll.u32 s7, $0xD;
	s0 =	sadd.s32 s8, s0;
	s6 =	ssub.s32 s6, s17  }
0xc: {  	s4 =	sshrl.u32 s4, $0x3;
	s20 =	sor.u32 $0x80, s14;
	s21 =	sadd.s32 s1, s7  }
0xd: {  	s12 =	sor.u32 $0x100, s14;
	s10 =	sadd.s32 s19, s7;
	s26 =	sor.u32 $0x180, s14  }
0xe: {  	s18 =	sadd.s32 s5, s4;
	s4 =	sadd.s32 s16, s4;
	[dreg:$0x5] =	wrdreg s21  }
0xf: {  	s22 =	sshrl.u32 s20, $0x3;
	s15 =	sshll.u32 s20, $0x4;
	s24 =	sshrl.u32 s12, $0x3  }
0x10: {  	s25 =	sshll.u32 s12, $0x4;
	s17 =	sshrl.u32 s26, $0x3;
	s20 =	sadd.s32 $0x4000, s0  }
0x11: {  	s21 =	smax.u32 s6, $0x1;
	s0 =	simm.s32 $0xC200;
	[dreg:$0x3] =	wrdreg s18  }
0x12: {  	[dreg:$0x4] =	wrdreg s4;
	s23 =	sadd.s32 s5, s22;
	s4 =	sadd.s32 s16, s22  }
0x13: {  	s9 =	sadd.s32 s1, s15;
	s11 =	sadd.s32 s5, s24;
	s12 =	sadd.s32 s16, s24  }
0x14: {  	s13 =	sadd.s32 s1, s25;
	s14 =	sadd.s32 s19, s15;
	s15 =	sadd.s32 s5, s17  }
0x15: {  	s16 =	sadd.s32 s16, s17;
	s18 =	sadd.s32 s19, s25;
	s22 =	simm.s32 $0x3  }
0x16: {  	s24 =	simm.s32 $0x80;
	s25 =	simm.s32 $0x200;
	[dreg:$0x6] =	wrdreg s23  }
0x17: {  	s5 =	simm.s32 $0x0;
	[dreg:$0x7] =	wrdreg s4;
	s4 =	sshll.u32 s26, $0x4  }
0x18: {  	s23 =	simm.s32 $0x100;
	s26 =	simm.s32 $0x8200;
	s17 =	sadd.s32 s1, s4  }
0x19: {  	s19 =	sadd.s32 s19, s4;
	s1 =	simm.s32 $0x14200;
	s4 =	simm.s32 $0x2  }
.LBB2_1:
0x1a: {  	s6 =	rddreg [dreg:$0x3]  }
0x1b: {  	[tilespmem:s2], [sflag:$0x3] =	stream.linear.gather [hbm4b:s6+s2], $0x80, $0x38;
	[tilespmem:$0x18280] =	vst v63  }
0x1c: {  	_ =	swait.ge [sflag:s22], $0x80  }
0x1d: {  	[sflag:s22] =	ssyncset.done $0x0  }
0x1e: {  	s7 =	rddreg [dreg:$0x4];
	[sflag:s22] =	ssyncadd.s32 $0xFFFFFF80  }
0x1f: {  	[tilespmem:s23], [sflag:$0x3] =	stream.linear.gather [hbm4b:s7+s2], $0x80, $0x38;
	[tilespmem:$0x18280] =	vst v63  }
0x20: {  	_ =	swait.ge [sflag:s22], $0x80  }
0x21: {  	[sflag:s22] =	ssyncset.done $0x0  }
0x22: {  	[sflag:s22] =	ssyncadd.s32 $0xFFFFFF80  }
0x23: {  	[tilespmem:s25], [sflag:$0x1] =	stream.indirect.gather [hbm4b:s3+s24], $0x80, s2, s24, $0xb8;
	[tilespmem:$0x18280] =	vst v63  }
0x24: {  	_ = 	snop  }
0x25: {  	[tilespmem:s26], [sflag:$0x1] =	stream.indirect.gather [hbm4b:s3+s24], $0x80, s23, s24, $0xb8;
	[tilespmem:$0x18280] =	vst v63  }
0x26: {  	s8 =	rddreg [dreg:$0x5]  }
0x27: {  	[tilespmem:s28], [sflag:$0x1] =	stream.linear.gather [hbm4b:s8+s2], $0x4000, $0x38;
	[tilespmem:$0x18280] =	vst v63  }
0x28: {  	_ =	swait.ge [sflag:s29], $0x4000  }
0x29: {  	[sflag:s29] =	ssyncset.done $0x0  }
0x2a: {  	[sflag:s29] =	ssyncadd.s32 $0xFFFFC000  }
0x2b: {  	_ =	swait.ge [sflag:s29], $0x4000  }
0x2c: {  	[sflag:s29] =	ssyncset.done $0x0  }
0x2d: {  	[sflag:s29] =	ssyncadd.s32 $0xFFFFC000  }
0x2e: {  	_ =	swait.ge [sflag:s29], $0x4000  }
0x2f: {  	[sflag:s29] =	ssyncset.done $0x0  }
0x30: {  	s7 =	rddreg [dreg:$0x6];
	[sflag:s29] =	ssyncadd.s32 $0xFFFFC000  }
0x31: {  	[tilespmem:s24], [sflag:$0x3] =	stream.linear.gather [hbm4b:s7+s2], $0x80, $0x38;
	[tilespmem:$0x18280] =	vst v63  }
0x32: {  	_ =	swait.ge [sflag:s22], $0x80  }
0x33: {  	[sflag:s22] =	ssyncset.done $0x0  }
0x34: {  	s8 =	rddreg [dreg:$0x7];
	[sflag:s22] =	ssyncadd.s32 $0xFFFFFF80  }
0x35: {  	[tilespmem:s30], [sflag:$0x3] =	stream.linear.gather [hbm4b:s8+s2], $0x80, $0x38;
	[tilespmem:$0x18280] =	vst v63  }
0x36: {  	_ =	swait.ge [sflag:s22], $0x80  }
0x37: {  	[sflag:s22] =	ssyncset.done $0x0  }
0x38: {  	[sflag:s22] =	ssyncadd.s32 $0xFFFFFF80  }
0x39: {  	[tilespmem:s31], [sflag:$0x2] =	stream.indirect.gather [hbm4b:s3+s24], $0x80, s24, s24, $0xb8;
	[tilespmem:$0x18280] =	vst v63  }
0x3a: {  	_ = 	snop  }
0x3b: {  	[tilespmem:s0], [sflag:$0x2] =	stream.indirect.gather [hbm4b:s3+s24], $0x80, s30, s24, $0xb8;
	[tilespmem:$0x18280] =	vst v63  }
0x3c: {  	s6 =	simm.s32 $0x0  }
0x3d: {  	[tilespmem:s1], [sflag:$0x2] =	stream.linear.gather [hbm4b:s9+s2], $0x4000, $0x38;
	[tilespmem:$0x18280] =	vst v63  }
0x3e: {  	v2 =	vld [tilespmem:s6+$0x10200]  }
0x3f: {  	v1 =	vld [tilespmem:s6+$0x200]  }
0x40: {  	v3 =	vld [tilespmem:s6+$0x10240]  }
0x41: {  	v4 =	vld [tilespmem:s6+$0x8200]  }
0x42: {  	v5 =	vld [tilespmem:s6+$0x10210]  }
0x43: {  	v6 =	vld [tilespmem:s6+$0x210]  }
0x44: {  	v0 =	vld [tilespmem:s6+$0x10250]  }
0x45: {  	v8 =	vld [tilespmem:s6+$0x8210];
	v7 =	vsub.f32 v1, v2  }
0x46: {  	v13 =	vld [tilespmem:s6+$0x220]  }
0x47: {  	v1 =	vld [tilespmem:s6+$0x10220];
	v4 =	vsub.f32 v4, v3;
	v9 =	vadd.f32 v7, v2;
	v7 =	vmul.f32 v7, v7  }
0x48: {  	v10 =	vimm.f32 $0.0e+00;
	v14 =	vsub.f32 v6, v5;
	v2 =	vld [tilespmem:s6+$0x10260]  }
0x49: {  	v3 =	vadd.f32 v4, v3;
	v4 =	vmul.f32 v4, v4;
	[tilespmem:s6+$0x10200] =	vst v9;
	v9 =	vld [tilespmem:s6+$0x8220];
	v6 =	vadd.f32 v7, v10  }
0x4a: {  	v11 =	vld [tilespmem:s6+$0x230];
	v12 =	vsub.f32 v8, v0  }
0x4b: {  	v7 =	vld [tilespmem:s6+$0x10230];
	[tilespmem:s6+$0x10240] =	vst v3;
	v3 =	vmul.f32 v14, v14;
	v6 =	vadd.f32 v4, v6  }
0x4c: {  	s7 =	simm.s32 $0x200;
	v8 =	vld [tilespmem:s6+$0x10270];
	v10 =	vadd.f32 v14, v5;
	v5 =	vsub.f32 v13, v1;
	v4 =	vmul.f32 v12, v12  }
.LBB2_2:
0x4d: {  	s8 =	sshra.s32 s7, $0x2;
	p0 =	sne.s32 s7, $0xFE00;
	s7 =	sadd.s32 $0x200, s7;
	v3 =	vadd.f32 v3, v6;
	v0 =	vadd.f32 v12, v0;
	v6 =	vld [tilespmem:s6+$0x8230]  }
0x4e: {  	v12 =	vld [tilespmem:s8+$0x10200];
	v13 =	vmul.f32 v5, v5;
	v9 =	vsub.f32 v9, v2  }
0x4f: {  	v1 =	vadd.f32 v5, v1;
	v14 =	vld [tilespmem:s8+$0x200];
	[tilespmem:s6+$0x10250] =	vst v0;
	v0 =	vadd.f32 v4, v3  }
0x50: {  	v3 =	vld [tilespmem:s8+$0x10240];
	v4 =	vmul.f32 v9, v9;
	v5 =	vsub.f32 v11, v7  }
0x51: {  	v2 =	vadd.f32 v9, v2;
	v11 =	vld [tilespmem:s8+$0x8200];
	[tilespmem:s6+$0x10210] =	vst v10;
	v0 =	vadd.f32 v13, v0  }
0x52: {  	v10 =	vld [tilespmem:s8+$0x10210];
	[tilespmem:s6+$0x10220] =	vst v1;
	v1 =	vadd.f32 v5, v7;
	v5 =	vmul.f32 v5, v5  }
0x53: {  	v7 =	vld [tilespmem:s8+$0x210];
	[tilespmem:s6+$0x10260] =	vst v2;
	v2 =	vadd.f32 v4, v0;
	v4 =	vsub.f32 v6, v8  }
0x54: {  	v6 =	vsub.f32 v14, v12;
	v0 =	vld [tilespmem:s8+$0x10250];
	[tilespmem:s6+$0x10230] =	vst v1  }
0x55: {  	v13 =	vld [tilespmem:s8+$0x8210];
	v2 =	vadd.f32 v5, v2;
	v5 =	vadd.f32 v4, v8;
	v4 =	vmul.f32 v4, v4  }
0x56: {  	v8 =	vmul.f32 v6, v6;
	v9 =	vsub.f32 v11, v3;
	v1 =	vld [tilespmem:s8+$0x10220]  }
0x57: {  	v6 =	vadd.f32 v6, v12;
	v14 =	vld [tilespmem:s8+$0x220];
	[tilespmem:s6+$0x10270] =	vst v5;
	v4 =	vadd.f32 v4, v2;
	s6 =	smov.u32 s8  }
.Ltmp0:
0x58: {  	v5 =	vmul.f32 v9, v9;
	v11 =	vsub.f32 v7, v10;
	v2 =	vld [tilespmem:s6+$0x10260];
	(pc) =	sbr.rel @p0 .LBB2_2-.Ltmp0, $4  }
0x59: {  	[tilespmem:s6+$0x10200] =	vst v6;
	v4 =	vadd.f32 v8, v4;
	v6 =	vadd.f32 v9, v3;
	v9 =	vld [tilespmem:s6+$0x8220]  }
0x5a: {  	v3 =	vmul.f32 v11, v11;
	v12 =	vsub.f32 v13, v0;
	v7 =	vld [tilespmem:s6+$0x10230]  }
0x5b: {  	v10 =	vadd.f32 v11, v10;
	[tilespmem:s6+$0x10240] =	vst v6;
	v6 =	vadd.f32 v5, v4;
	v11 =	vld [tilespmem:s6+$0x230]  }
0x5c: {  	v4 =	vmul.f32 v12, v12;
	v5 =	vsub.f32 v14, v1;
	v8 =	vld [tilespmem:s6+$0x10270]  }
0x5d: {  	v13 =	vld [tilespmem:s6+$0x8230];
	_ =	sdelay $0x1  }
0x5e: {  	v0 =	vadd.f32 v12, v0  }
0x5f: {  	v9 =	vsub.f32 v9, v2  }
0x60: {  	[tilespmem:s6+$0x10250] =	vst v0;
	v0 =	vadd.f32 v5, v1;
	v1 =	vsub.f32 v11, v7  }
0x61: {  	[tilespmem:s6+$0x10210] =	vst v10;
	v2 =	vadd.f32 v9, v2;
	v10 =	vsub.f32 v13, v8  }
0x62: {  	[tilespmem:s6+$0x10220] =	vst v0;
	v0 =	vadd.f32 v1, v7  }
0x63: {  	[tilespmem:s6+$0x10260] =	vst v2;
	v2 =	vadd.f32 v10, v8  }
0x64: {  	[tilespmem:s6+$0x10230] =	vst v0  }
0x65: {  	s8 =	simm.s32 $0x0;
	[tilespmem:s6+$0x10270] =	vst v2  }
0x66: {  	[hbm4b:s10+s8] =	stream.linear.scatter [tilespmem:s28], [sflag:$0x3], $0x4000, $0x38;
	[tilespmem:$0x18280] =	vst v63  }
0x67: {  	_ =	swait.ge [sflag:s22], $0x4000  }
0x68: {  	[sflag:s22] =	ssyncset.done $0x0  }
0x69: {  	[sflag:s22] =	ssyncadd.s32 $0xFFFFC000  }
0x6a: {  	_ =	swait.ge [sflag:s4], $0x4000  }
0x6b: {  	[sflag:s4] =	ssyncset.done $0x0  }
0x6c: {  	[sflag:s4] =	ssyncadd.s32 $0xFFFFC000  }
0x6d: {  	_ =	swait.ge [sflag:s4], $0x4000  }
0x6e: {  	[sflag:s4] =	ssyncset.done $0x0  }
0x6f: {  	[sflag:s4] =	ssyncadd.s32 $0xFFFFC000  }
0x70: {  	_ =	swait.ge [sflag:s4], $0x4000  }
0x71: {  	[sflag:s4] =	ssyncset.done $0x0  }
0x72: {  	[sflag:s4] =	ssyncadd.s32 $0xFFFFC000  }
0x73: {  	[tilespmem:s8], [sflag:$0x3] =	stream.linear.gather [hbm4b:s11+s8], $0x80, $0x38;
	[tilespmem:$0x18280] =	vst v63  }
0x74: {  	_ =	swait.ge [sflag:s22], $0x80  }
0x75: {  	[sflag:s22] =	ssyncset.done $0x0  }
0x76: {  	[sflag:s22] =	ssyncadd.s32 $0xFFFFFF80  }
0x77: {  	[tilespmem:s23], [sflag:$0x3] =	stream.linear.gather [hbm4b:s12+s8], $0x80, $0x38;
	[tilespmem:$0x18280] =	vst v63  }
0x78: {  	_ =	swait.ge [sflag:s22], $0x80  }
0x79: {  	[sflag:s22] =	ssyncset.done $0x0  }
0x7a: {  	[sflag:s22] =	ssyncadd.s32 $0xFFFFFF80  }
0x7b: {  	[tilespmem:s25], [sflag:$0x1] =	stream.indirect.gather [hbm4b:s3+s24], $0x80, s8, s24, $0xb8;
	[tilespmem:$0x18280] =	vst v63  }
0x7c: {  	_ = 	snop  }
0x7d: {  	[tilespmem:s26], [sflag:$0x1] =	stream.indirect.gather [hbm4b:s3+s24], $0x80, s23, s24, $0xb8;
	[tilespmem:$0x18280] =	vst v63  }
0x7e: {  	v0 =	vadd.f32 v3, v6;
	s6 =	simm.s32 $0x0  }
0x7f: {  	[tilespmem:s28], [sflag:$0x1] =	stream.linear.gather [hbm4b:s13+s8], $0x4000, $0x38;
	[tilespmem:$0x18280] =	vst v63  }
0x80: {  	v5 =	vmul.f32 v5, v5;
	v0 =	vadd.f32 v4, v0;
	v2 =	vld [tilespmem:s6+$0x14200]  }
0x81: {  	v3 =	vld [tilespmem:s6+$0x4200]  }
0x82: {  	v7 =	vmul.f32 v9, v9;
	v5 =	vadd.f32 v5, v0;
	v6 =	vld [tilespmem:s6+$0x14240]  }
0x83: {  	v4 =	vld [tilespmem:s6+$0xC200]  }
0x84: {  	v9 =	vmul.f32 v1, v1;
	v5 =	vadd.f32 v7, v5;
	v8 =	vld [tilespmem:s6+$0x14210]  }
0x85: {  	v11 =	vld [tilespmem:s6+$0x4210]  }
0x86: {  	v7 =	vmul.f32 v10, v10;
	v5 =	vadd.f32 v9, v5;
	v0 =	vld [tilespmem:s6+$0x14250]  }
0x87: {  	v12 =	vld [tilespmem:s6+$0xC210];
	v3 =	vsub.f32 v3, v2  }
0x88: {  	v5 =	vadd.f32 v7, v5;
	v1 =	vld [tilespmem:s6+$0x14220]  }
0x89: {  	v13 =	vld [tilespmem:s6+$0x4220];
	v4 =	vsub.f32 v4, v6;
	v9 =	vadd.f32 v3, v2;
	v3 =	vmul.f32 v3, v3  }
0x8a: {  	v10 =	vsub.f32 v11, v8;
	v2 =	vld [tilespmem:s6+$0x14260]  }
0x8b: {  	v6 =	vadd.f32 v4, v6;
	v4 =	vmul.f32 v4, v4;
	[tilespmem:s6+$0x14200] =	vst v9;
	v9 =	vld [tilespmem:s6+$0xC220];
	v5 =	vadd.f32 v3, v5  }
0x8c: {  	v7 =	vld [tilespmem:s6+$0x14230];
	v12 =	vsub.f32 v12, v0  }
0x8d: {  	v11 =	vld [tilespmem:s6+$0x4230];
	[tilespmem:s6+$0x14240] =	vst v6;
	v3 =	vmul.f32 v10, v10;
	v6 =	vadd.f32 v4, v5  }
0x8e: {  	s7 =	simm.s32 $0x200;
	v10 =	vadd.f32 v10, v8;
	v8 =	vld [tilespmem:s6+$0x14270];
	v4 =	vmul.f32 v12, v12;
	v5 =	vsub.f32 v13, v1  }
.LBB2_4:
0x8f: {  	s8 =	sshra.s32 s7, $0x2;
	p0 =	sne.s32 s7, $0xFE00;
	s7 =	sadd.s32 $0x200, s7;
	v3 =	vadd.f32 v3, v6;
	v0 =	vadd.f32 v12, v0;
	v6 =	vld [tilespmem:s6+$0xC230]  }
0x90: {  	v12 =	vld [tilespmem:s8+$0x14200];
	v13 =	vmul.f32 v5, v5;
	v9 =	vsub.f32 v9, v2  }
0x91: {  	v1 =	vadd.f32 v5, v1;
	v14 =	vld [tilespmem:s8+$0x4200];
	[tilespmem:s6+$0x14250] =	vst v0;
	v0 =	vadd.f32 v4, v3  }
0x92: {  	v3 =	vld [tilespmem:s8+$0x14240];
	v4 =	vmul.f32 v9, v9;
	v5 =	vsub.f32 v11, v7  }
0x93: {  	v2 =	vadd.f32 v9, v2;
	v11 =	vld [tilespmem:s8+$0xC200];
	[tilespmem:s6+$0x14210] =	vst v10;
	v0 =	vadd.f32 v13, v0  }
0x94: {  	v10 =	vld [tilespmem:s8+$0x14210];
	[tilespmem:s6+$0x14220] =	vst v1;
	v1 =	vadd.f32 v5, v7;
	v5 =	vmul.f32 v5, v5  }
0x95: {  	v7 =	vld [tilespmem:s8+$0x4210];
	[tilespmem:s6+$0x14260] =	vst v2;
	v2 =	vadd.f32 v4, v0;
	v4 =	vsub.f32 v6, v8  }
0x96: {  	v6 =	vsub.f32 v14, v12;
	v0 =	vld [tilespmem:s8+$0x14250];
	[tilespmem:s6+$0x14230] =	vst v1  }
0x97: {  	v13 =	vld [tilespmem:s8+$0xC210];
	v2 =	vadd.f32 v5, v2;
	v5 =	vadd.f32 v4, v8;
	v4 =	vmul.f32 v4, v4  }
0x98: {  	v8 =	vmul.f32 v6, v6;
	v9 =	vsub.f32 v11, v3;
	v1 =	vld [tilespmem:s8+$0x14220]  }
0x99: {  	v6 =	vadd.f32 v6, v12;
	v14 =	vld [tilespmem:s8+$0x4220];
	[tilespmem:s6+$0x14270] =	vst v5;
	v4 =	vadd.f32 v4, v2;
	s6 =	smov.u32 s8  }
.Ltmp1:
0x9a: {  	v5 =	vmul.f32 v9, v9;
	v11 =	vsub.f32 v7, v10;
	v2 =	vld [tilespmem:s6+$0x14260];
	(pc) =	sbr.rel @p0 .LBB2_4-.Ltmp1, $4  }
0x9b: {  	[tilespmem:s6+$0x14200] =	vst v6;
	v4 =	vadd.f32 v8, v4;
	v6 =	vadd.f32 v9, v3;
	v9 =	vld [tilespmem:s6+$0xC220]  }
0x9c: {  	v3 =	vmul.f32 v11, v11;
	v12 =	vsub.f32 v13, v0;
	v7 =	vld [tilespmem:s6+$0x14230]  }
0x9d: {  	v10 =	vadd.f32 v11, v10;
	[tilespmem:s6+$0x14240] =	vst v6;
	v6 =	vadd.f32 v5, v4;
	v11 =	vld [tilespmem:s6+$0x4230]  }
0x9e: {  	v4 =	vmul.f32 v12, v12;
	v5 =	vsub.f32 v14, v1;
	v8 =	vld [tilespmem:s6+$0x14270]  }
0x9f: {  	v13 =	vld [tilespmem:s6+$0xC230];
	_ =	sdelay $0x1  }
0xa0: {  	v0 =	vadd.f32 v12, v0  }
0xa1: {  	v9 =	vsub.f32 v9, v2  }
0xa2: {  	[tilespmem:s6+$0x14250] =	vst v0;
	v0 =	vadd.f32 v5, v1;
	v1 =	vsub.f32 v11, v7  }
0xa3: {  	[tilespmem:s6+$0x14210] =	vst v10;
	v2 =	vadd.f32 v9, v2;
	v10 =	vsub.f32 v13, v8  }
0xa4: {  	[tilespmem:s6+$0x14220] =	vst v0;
	v0 =	vadd.f32 v1, v7  }
0xa5: {  	[tilespmem:s6+$0x14260] =	vst v2;
	v2 =	vadd.f32 v10, v8  }
0xa6: {  	[tilespmem:s6+$0x14230] =	vst v0  }
0xa7: {  	s8 =	simm.s32 $0x0;
	[tilespmem:s6+$0x14270] =	vst v2  }
0xa8: {  	[hbm4b:s14+s8] =	stream.linear.scatter [tilespmem:s1], [sflag:$0x3], $0x4000, $0x38;
	[tilespmem:$0x18280] =	vst v63  }
0xa9: {  	_ =	swait.ge [sflag:s22], $0x4000  }
0xaa: {  	[sflag:s22] =	ssyncset.done $0x0  }
0xab: {  	[sflag:s22] =	ssyncadd.s32 $0xFFFFC000  }
0xac: {  	_ =	swait.ge [sflag:s29], $0x4000  }
0xad: {  	[sflag:s29] =	ssyncset.done $0x0  }
0xae: {  	[sflag:s29] =	ssyncadd.s32 $0xFFFFC000  }
0xaf: {  	_ =	swait.ge [sflag:s29], $0x4000  }
0xb0: {  	[sflag:s29] =	ssyncset.done $0x0  }
0xb1: {  	[sflag:s29] =	ssyncadd.s32 $0xFFFFC000  }
0xb2: {  	_ =	swait.ge [sflag:s29], $0x4000  }
0xb3: {  	[sflag:s29] =	ssyncset.done $0x0  }
0xb4: {  	[sflag:s29] =	ssyncadd.s32 $0xFFFFC000  }
0xb5: {  	[tilespmem:s24], [sflag:$0x3] =	stream.linear.gather [hbm4b:s15+s8], $0x80, $0x38;
	[tilespmem:$0x18280] =	vst v63  }
0xb6: {  	_ =	swait.ge [sflag:s22], $0x80  }
0xb7: {  	[sflag:s22] =	ssyncset.done $0x0  }
0xb8: {  	[sflag:s22] =	ssyncadd.s32 $0xFFFFFF80  }
0xb9: {  	[tilespmem:s30], [sflag:$0x3] =	stream.linear.gather [hbm4b:s16+s8], $0x80, $0x38;
	[tilespmem:$0x18280] =	vst v63  }
0xba: {  	_ =	swait.ge [sflag:s22], $0x80  }
0xbb: {  	[sflag:s22] =	ssyncset.done $0x0  }
0xbc: {  	[sflag:s22] =	ssyncadd.s32 $0xFFFFFF80  }
0xbd: {  	[tilespmem:s31], [sflag:$0x2] =	stream.indirect.gather [hbm4b:s3+s24], $0x80, s24, s24, $0xb8;
	[tilespmem:$0x18280] =	vst v63  }
0xbe: {  	_ = 	snop  }
0xbf: {  	[tilespmem:s0], [sflag:$0x2] =	stream.indirect.gather [hbm4b:s3+s24], $0x80, s30, s24, $0xb8;
	[tilespmem:$0x18280] =	vst v63  }
0xc0: {  	s6 =	simm.s32 $0x0  }
0xc1: {  	v0 =	vadd.f32 v3, v6;
	[tilespmem:s1], [sflag:$0x2] =	stream.linear.gather [hbm4b:s17+s8], $0x4000, $0x38;
	[tilespmem:$0x18280] =	vst v63  }
0xc2: {  	v2 =	vld [tilespmem:s6+$0x10200]  }
0xc3: {  	v5 =	vmul.f32 v5, v5;
	v0 =	vadd.f32 v4, v0;
	v3 =	vld [tilespmem:s6+$0x200]  }
0xc4: {  	v6 =	vld [tilespmem:s6+$0x10240]  }
0xc5: {  	v8 =	vmul.f32 v9, v9;
	v5 =	vadd.f32 v5, v0;
	v4 =	vld [tilespmem:s6+$0x8200]  }
0xc6: {  	v7 =	vld [tilespmem:s6+$0x10210]  }
0xc7: {  	v9 =	vmul.f32 v1, v1;
	v5 =	vadd.f32 v8, v5;
	v11 =	vld [tilespmem:s6+$0x210]  }
0xc8: {  	v0 =	vld [tilespmem:s6+$0x10250]  }
0xc9: {  	v5 =	vadd.f32 v9, v5;
	v9 =	vmul.f32 v10, v10;
	v8 =	vld [tilespmem:s6+$0x8210];
	v3 =	vsub.f32 v3, v2  }
0xca: {  	v1 =	vld [tilespmem:s6+$0x10220];
	v4 =	vsub.f32 v4, v6  }
0xcb: {  	v5 =	vadd.f32 v9, v5;
	v13 =	vld [tilespmem:s6+$0x220];
	v10 =	vadd.f32 v3, v2;
	v3 =	vmul.f32 v3, v3  }
0xcc: {  	v9 =	vld [tilespmem:s6+$0x8220];
	v6 =	vadd.f32 v4, v6  }
0xcd: {  	v2 =	vld [tilespmem:s6+$0x10260];
	v4 =	vmul.f32 v4, v4;
	[tilespmem:s6+$0x10200] =	vst v10;
	v10 =	vsub.f32 v11, v7;
	v11 =	vadd.f32 v3, v5  }
0xce: {  	v12 =	vsub.f32 v8, v0;
	v3 =	vld [tilespmem:s6+$0x10230]  }
0xcf: {  	v5 =	vmul.f32 v10, v10;
	v8 =	vadd.f32 v4, v11;
	v11 =	vld [tilespmem:s6+$0x230]  }
0xd0: {  	s7 =	simm.s32 $0x200;
	[tilespmem:s6+$0x10240] =	vst v6;
	v6 =	vmul.f32 v12, v12;
	v10 =	vadd.f32 v10, v7;
	v7 =	vsub.f32 v13, v1;
	v4 =	vld [tilespmem:s6+$0x10270]  }
.LBB2_6:
0xd1: {  	s8 =	sshra.s32 s7, $0x2;
	p0 =	sne.s32 s7, $0xFE00;
	s7 =	sadd.s32 $0x200, s7;
	v5 =	vadd.f32 v5, v8;
	v0 =	vadd.f32 v12, v0;
	v8 =	vld [tilespmem:s6+$0x8230]  }
0xd2: {  	v12 =	vld [tilespmem:s8+$0x10200];
	v13 =	vmul.f32 v7, v7;
	v9 =	vsub.f32 v9, v2  }
0xd3: {  	v1 =	vadd.f32 v7, v1;
	v14 =	vld [tilespmem:s8+$0x200];
	[tilespmem:s6+$0x10250] =	vst v0;
	v0 =	vadd.f32 v6, v5  }
0xd4: {  	v5 =	vld [tilespmem:s8+$0x10240];
	v6 =	vmul.f32 v9, v9;
	v7 =	vsub.f32 v11, v3  }
0xd5: {  	v2 =	vadd.f32 v9, v2;
	v11 =	vld [tilespmem:s8+$0x8200];
	[tilespmem:s6+$0x10210] =	vst v10;
	v0 =	vadd.f32 v13, v0  }
0xd6: {  	v10 =	vld [tilespmem:s8+$0x10210];
	[tilespmem:s6+$0x10220] =	vst v1;
	v1 =	vadd.f32 v7, v3;
	v3 =	vmul.f32 v7, v7  }
0xd7: {  	v7 =	vld [tilespmem:s8+$0x210];
	[tilespmem:s6+$0x10260] =	vst v2;
	v2 =	vadd.f32 v6, v0;
	v6 =	vsub.f32 v8, v4  }
0xd8: {  	v8 =	vsub.f32 v14, v12;
	v0 =	vld [tilespmem:s8+$0x10250];
	[tilespmem:s6+$0x10230] =	vst v1  }
0xd9: {  	v13 =	vld [tilespmem:s8+$0x8210];
	v2 =	vadd.f32 v3, v2;
	v3 =	vadd.f32 v6, v4;
	v4 =	vmul.f32 v6, v6  }
0xda: {  	v6 =	vmul.f32 v8, v8;
	v9 =	vsub.f32 v11, v5;
	v1 =	vld [tilespmem:s8+$0x10220]  }
0xdb: {  	v8 =	vadd.f32 v8, v12;
	v14 =	vld [tilespmem:s8+$0x220];
	[tilespmem:s6+$0x10270] =	vst v3;
	v3 =	vadd.f32 v4, v2;
	s6 =	smov.u32 s8  }
.Ltmp2:
0xdc: {  	v4 =	vmul.f32 v9, v9;
	v7 =	vsub.f32 v7, v10;
	v2 =	vld [tilespmem:s6+$0x10260];
	(pc) =	sbr.rel @p0 .LBB2_6-.Ltmp2, $4  }
0xdd: {  	[tilespmem:s6+$0x10200] =	vst v8;
	v6 =	vadd.f32 v6, v3;
	v8 =	vadd.f32 v9, v5;
	v9 =	vld [tilespmem:s6+$0x8220]  }
0xde: {  	v5 =	vmul.f32 v7, v7;
	v12 =	vsub.f32 v13, v0;
	v3 =	vld [tilespmem:s6+$0x10230]  }
0xdf: {  	v10 =	vadd.f32 v7, v10;
	[tilespmem:s6+$0x10240] =	vst v8;
	v8 =	vadd.f32 v4, v6;
	v11 =	vld [tilespmem:s6+$0x230]  }
0xe0: {  	v6 =	vmul.f32 v12, v12;
	v7 =	vsub.f32 v14, v1;
	v4 =	vld [tilespmem:s6+$0x10270]  }
0xe1: {  	v13 =	vld [tilespmem:s6+$0x8230];
	_ =	sdelay $0x1  }
0xe2: {  	v0 =	vadd.f32 v12, v0  }
0xe3: {  	v9 =	vsub.f32 v9, v2  }
0xe4: {  	[tilespmem:s6+$0x10250] =	vst v0;
	v0 =	vadd.f32 v7, v1;
	v1 =	vsub.f32 v11, v3  }
0xe5: {  	[tilespmem:s6+$0x10210] =	vst v10;
	v2 =	vadd.f32 v9, v2;
	v10 =	vsub.f32 v13, v4  }
0xe6: {  	[tilespmem:s6+$0x10220] =	vst v0;
	v0 =	vadd.f32 v1, v3  }
0xe7: {  	[tilespmem:s6+$0x10260] =	vst v2;
	v2 =	vadd.f32 v10, v4  }
0xe8: {  	[tilespmem:s6+$0x10230] =	vst v0  }
0xe9: {  	s8 =	simm.s32 $0x0;
	[tilespmem:s6+$0x10270] =	vst v2  }
0xea: {  	[hbm4b:s18+s8] =	stream.linear.scatter [tilespmem:s28], [sflag:$0x3], $0x4000, $0x38;
	[tilespmem:$0x18280] =	vst v63  }
0xeb: {  	_ =	swait.ge [sflag:s22], $0x4000  }
0xec: {  	[sflag:s22] =	ssyncset.done $0x0  }
0xed: {  	[sflag:s22] =	ssyncadd.s32 $0xFFFFC000  }
0xee: {  	_ =	swait.ge [sflag:s4], $0x4000  }
0xef: {  	[sflag:s4] =	ssyncset.done $0x0  }
0xf0: {  	[sflag:s4] =	ssyncadd.s32 $0xFFFFC000  }
0xf1: {  	_ =	swait.ge [sflag:s4], $0x4000  }
0xf2: {  	[sflag:s4] =	ssyncset.done $0x0  }
0xf3: {  	[sflag:s4] =	ssyncadd.s32 $0xFFFFC000  }
0xf4: {  	_ =	swait.ge [sflag:s4], $0x4000  }
0xf5: {  	v0 =	vadd.f32 v5, v8;
	[sflag:s4] =	ssyncset.done $0x0  }
0xf6: {  	s6 =	simm.s32 $0x0;
	[sflag:s4] =	ssyncadd.s32 $0xFFFFC000  }
0xf7: {  	v5 =	vmul.f32 v7, v7;
	v0 =	vadd.f32 v6, v0;
	v2 =	vld [tilespmem:s6+$0x14200]  }
0xf8: {  	v3 =	vld [tilespmem:s6+$0x4200]  }
0xf9: {  	v7 =	vmul.f32 v9, v9;
	v5 =	vadd.f32 v5, v0;
	v4 =	vld [tilespmem:s6+$0x14240]  }
0xfa: {  	v6 =	vld [tilespmem:s6+$0xC200]  }
0xfb: {  	v9 =	vmul.f32 v1, v1;
	v5 =	vadd.f32 v7, v5;
	v11 =	vld [tilespmem:s6+$0x14210]  }
0xfc: {  	v8 =	vld [tilespmem:s6+$0x4210]  }
0xfd: {  	v5 =	vadd.f32 v9, v5;
	v9 =	vmul.f32 v10, v10;
	v0 =	vld [tilespmem:s6+$0x14250]  }
0xfe: {  	v7 =	vld [tilespmem:s6+$0xC210];
	v3 =	vsub.f32 v3, v2  }
0xff: {  	v9 =	vadd.f32 v9, v5;
	v1 =	vld [tilespmem:s6+$0x14220]  }
0x100: {  	v13 =	vld [tilespmem:s6+$0x4220];
	v6 =	vsub.f32 v6, v4;
	v10 =	vadd.f32 v3, v2;
	v3 =	vmul.f32 v3, v3  }
0x101: {  	v5 =	vld [tilespmem:s6+$0xC220];
	v14 =	vsub.f32 v8, v11  }
0x102: {  	v2 =	vld [tilespmem:s6+$0x14260];
	v4 =	vadd.f32 v6, v4;
	v6 =	vmul.f32 v6, v6;
	v9 =	vadd.f32 v3, v9  }
0x103: {  	v8 =	vsub.f32 v7, v0;
	v7 =	vld [tilespmem:s6+$0x4230]  }
0x104: {  	[tilespmem:s6+$0x14200] =	vst v10;
	v3 =	vld [tilespmem:s6+$0x14230];
	v10 =	vmul.f32 v14, v14;
	v12 =	vadd.f32 v6, v9  }
0x105: {  	s7 =	simm.s32 $0x200;
	[tilespmem:s6+$0x14240] =	vst v4;
	v4 =	vld [tilespmem:s6+$0x14270];
	v6 =	vadd.f32 v14, v11;
	v11 =	vmul.f32 v8, v8;
	v9 =	vsub.f32 v13, v1  }
.LBB2_8:
0x106: {  	s8 =	sshra.s32 s7, $0x2;
	p0 =	sne.s32 s7, $0xFE00;
	s7 =	sadd.s32 $0x200, s7;
	v10 =	vadd.f32 v10, v12;
	v0 =	vadd.f32 v8, v0;
	v8 =	vld [tilespmem:s6+$0xC230]  }
0x107: {  	v12 =	vld [tilespmem:s8+$0x14200];
	v13 =	vmul.f32 v9, v9;
	v5 =	vsub.f32 v5, v2  }
0x108: {  	v1 =	vadd.f32 v9, v1;
	v14 =	vld [tilespmem:s8+$0x4200];
	[tilespmem:s6+$0x14250] =	vst v0;
	v0 =	vadd.f32 v11, v10  }
0x109: {  	v9 =	vld [tilespmem:s8+$0x14240];
	v10 =	vmul.f32 v5, v5;
	v7 =	vsub.f32 v7, v3  }
0x10a: {  	v2 =	vadd.f32 v5, v2;
	v11 =	vld [tilespmem:s8+$0xC200];
	[tilespmem:s6+$0x14210] =	vst v6;
	v0 =	vadd.f32 v13, v0  }
0x10b: {  	v6 =	vld [tilespmem:s8+$0x14210];
	[tilespmem:s6+$0x14220] =	vst v1;
	v1 =	vadd.f32 v7, v3;
	v3 =	vmul.f32 v7, v7  }
0x10c: {  	v7 =	vsub.f32 v8, v4;
	v5 =	vld [tilespmem:s8+$0x4210];
	[tilespmem:s6+$0x14260] =	vst v2;
	v2 =	vadd.f32 v10, v0  }
0x10d: {  	v8 =	vsub.f32 v14, v12;
	v0 =	vld [tilespmem:s8+$0x14250];
	[tilespmem:s6+$0x14230] =	vst v1  }
0x10e: {  	v13 =	vld [tilespmem:s8+$0xC210];
	v2 =	vadd.f32 v3, v2;
	v3 =	vadd.f32 v7, v4;
	v4 =	vmul.f32 v7, v7  }
0x10f: {  	v7 =	vmul.f32 v8, v8;
	v10 =	vsub.f32 v11, v9;
	v1 =	vld [tilespmem:s8+$0x14220]  }
0x110: {  	v8 =	vadd.f32 v8, v12;
	v14 =	vld [tilespmem:s8+$0x4220];
	[tilespmem:s6+$0x14270] =	vst v3;
	v3 =	vadd.f32 v4, v2;
	s6 =	smov.u32 s8  }
.Ltmp3:
0x111: {  	v4 =	vmul.f32 v10, v10;
	v11 =	vsub.f32 v5, v6;
	v2 =	vld [tilespmem:s6+$0x14260];
	(pc) =	sbr.rel @p0 .LBB2_8-.Ltmp3, $4  }
0x112: {  	v9 =	vadd.f32 v10, v9;
	[tilespmem:s6+$0x14200] =	vst v8;
	v7 =	vadd.f32 v7, v3;
	v5 =	vld [tilespmem:s6+$0xC220]  }
0x113: {  	v10 =	vmul.f32 v11, v11;
	v8 =	vsub.f32 v13, v0;
	v3 =	vld [tilespmem:s6+$0x14230]  }
0x114: {  	v6 =	vadd.f32 v11, v6;
	[tilespmem:s6+$0x14240] =	vst v9;
	v12 =	vadd.f32 v4, v7;
	v7 =	vld [tilespmem:s6+$0x4230]  }
0x115: {  	v11 =	vmul.f32 v8, v8;
	v9 =	vsub.f32 v14, v1;
	v4 =	vld [tilespmem:s6+$0x14270]  }
0x116: {  	v13 =	vld [tilespmem:s6+$0xC230];
	_ =	sdelay $0x1  }
0x117: {  	v10 =	vadd.f32 v10, v12;
	v0 =	vadd.f32 v8, v0  }
0x118: {  	v5 =	vsub.f32 v5, v2;
	v55 =	vadd.f32 v9, v1  }
0x119: {  	[tilespmem:s6+$0x14210] =	vst v6;
	v54 =	vmul.f32 v9, v9;
	v53 =	vadd.f32 v11, v10;
	v56 =	vsub.f32 v7, v3  }
0x11a: {  	[tilespmem:s6+$0x14250] =	vst v0;
	v2 =	vadd.f32 v5, v2;
	v57 =	vsub.f32 v13, v4  }
0x11b: {  	v5 =	vmul.f32 v5, v5;
	[tilespmem:s6+$0x14220] =	vst v55;
	v58 =	vadd.f32 v54, v53;
	v59 =	vadd.f32 v56, v3  }
0x11c: {  	[tilespmem:s6+$0x14260] =	vst v2;
	v60 =	vadd.f32 v57, v4  }
0x11d: {  	v1 =	vmul.f32 v56, v56;
	v61 =	vadd.f32 v5, v58;
	[tilespmem:s6+$0x14230] =	vst v59  }
0x11e: {  	[tilespmem:s6+$0x14270] =	vst v60  }
0x11f: {  	v63 =	vmul.f32 v57, v57;
	v62 =	vadd.f32 v1, v61;
	[hbm4b:s19+s2] =	stream.linear.scatter [tilespmem:s1], [sflag:$0x3], $0x4000, $0x38;
	[tilespmem:$0x18280] =	vst v63  }
0x120: {  	_ =	swait.ge [sflag:s22], $0x4000  }
0x121: {  	s5 =	sadd.s32 $0x1, s5;
	v0 =	vadd.f32 v63, v62;
	[sflag:s22] =	ssyncset.done $0x0  }
0x122: {  	p0 =	sne.s32 s5, s21;
	[sflag:s22] =	ssyncadd.s32 $0xFFFFC000  }
.Ltmp4:
0x123: {  	s8 =	simm.s32 $0x18200;
	[tilespmem:$0x18200] =	vst v0;
	(pc) =	sbr.rel @p0 .LBB2_1-.Ltmp4, $4  }
0x124: {  	[hbm4b:s20+s2] =	stream.linear.scatter [tilespmem:s8], [sflag:$0x3], $0x80, $0x38;
	[tilespmem:$0x18280] =	vst v63  }
0x125: {  	_ =	swait.ge [sflag:s22], $0x80  }
0x126: {  	[sflag:s22] =	ssyncset.done $0x0  }
0x127: {  	[sflag:s22] =	ssyncadd.s32 $0xFFFFFF80  }
0x128: {  	_ =	sfence.sel $0x180000  }
0x129: {  	[bflag:$0x0] =	sbarrier.arrive $0xFFFF  }
0x12a: {  	_ =	strace $0x90000047  }
0x12b: {  	s0 =	stileid.u32;
	[bflag:$0x2] =	sbarrier.arrive $0xFFFF  }
0x12c: {  	p0 =	sne.s32 s0, $0x0;
	s0 =	rddreg [dreg:$0x2]  }
0x12d: {  	s0 =	sadd.s32 @!p0 $0x100000, s0  }
0x12e: {  	[sflag:s0] =	ssyncadd.tile.s32 @!p0 $0x1;
	_ =	shalt  }
.Lfunc_end2:
_tile_overlayer_lowered:
.L_overlay_start_2:
0x12f: {  	(tag) =	ssettag $0x2  }
0x130: {  	s0 =	rddreg [dreg:$0x0];
	s2 =	stileid.u32  }
0x131: {  	s1 =	rddreg [dreg:$0x1];
	p0 =	sne.s32 s2, $0x0  }
0x132: {  	s3 =	rddreg [dreg:$0x2];
	[bflag:$0x3] =	sbarrier.arrive $0xFFFF;
	s2 =	simm.s32 @!p0 $0x1C03  }
0x133: {  	[timem:s3], [sflag:s2] =	dma.local @!p0 [hbm:s0], s1  }
0x134: {  	s0 =	simm.s32 @!p0 $0x3  }
0x135: {  	_ =	swait.ge @!p0 [sflag:s0], s1  }
0x136: {  	s1 =	ssub.s32 @!p0 $0x0, s1;
	[sflag:s0] =	ssyncset.done @!p0 $0x0  }
0x137: {  	[sflag:s0] =	ssyncadd.s32 @!p0 s1  }
0x138: {  	[bflag:$0x3] =	sbarrier.arrive $0xFFFF  }
0x139: {  	_ =	shalt  }

</sc_bundles>
